<compile_context>
chip_gen: v7x
topology: tpu7x:2x2x1
jax: 0.10.2.dev20260603
libtpu: 0.0.44.dev20260713+nightly
codegen_flags: <defaults>
</compile_context>

<pallas_src>
import functools

import jax
import jax.numpy as jnp
from jax import lax
from jax.experimental import pallas as pl
from jax.experimental.pallas import tpu as pltpu
from jax.experimental.pallas import tpu_sc as plsc

D_MODEL = 64
NUM_CORES = 2
NUM_SUBCORES = 16
NUM_WORKERS = NUM_CORES * NUM_SUBCORES
CHUNK = 512
NBUF = 3


@functools.cache
def _build_gather(n_rows: int):
    assert n_rows % (NUM_WORKERS * CHUNK) == 0
    rows_per_worker = n_rows // NUM_WORKERS
    n_steps = rows_per_worker // CHUNK
    mesh = plsc.VectorSubcoreMesh(
        core_axis_name="c",
        subcore_axis_name="s",
        num_cores=NUM_CORES,
        num_subcores=NUM_SUBCORES,
    )

    @functools.partial(
        pl.kernel,
        out_type=jax.ShapeDtypeStruct((n_rows, D_MODEL), jnp.float32),
        mesh=mesh,
        scratch_types=[
            pltpu.VMEM((rows_per_worker,), jnp.int32),
            [pltpu.VMEM((CHUNK, D_MODEL), jnp.float32) for _ in range(NBUF)],
            [pltpu.SemaphoreType.DMA for _ in range(NBUF)],
            [pltpu.SemaphoreType.DMA for _ in range(NBUF)],
        ],
        compiler_params=pltpu.CompilerParams(use_tc_tiling_on_sc=False),
    )
    def gather_kernel(table_hbm, idx_hbm, out_hbm, ids_v, row_bufs, gsems, wsems):
        wid = lax.axis_index("s") * NUM_CORES + lax.axis_index("c")
        base = wid * rows_per_worker

        pltpu.sync_copy(idx_hbm.at[pl.ds(base, rows_per_worker)], ids_v)

        def fire(gi, b):
            idx_v = ids_v.at[pl.ds(gi * CHUNK, CHUNK)]
            pltpu.async_copy(table_hbm.at[idx_v], row_bufs[b], gsems[b])

        def drain(di, b):
            idx_v = ids_v.at[pl.ds(di * CHUNK, CHUNK)]
            pltpu.make_async_copy(
                table_hbm.at[idx_v], row_bufs[b], gsems[b]
            ).wait()
            dst = out_hbm.at[pl.ds(base + di * CHUNK, CHUNK)]
            pltpu.async_copy(row_bufs[b], dst, wsems[b])

        for gi in range(n_steps + NBUF - 1):
            b = gi % NBUF
            if gi < n_steps:
                if gi >= NBUF:
                    dst = out_hbm.at[pl.ds(base + (gi - NBUF) * CHUNK, CHUNK)]
                    pltpu.make_async_copy(row_bufs[b], dst, wsems[b]).wait()
                fire(gi, b)
            di = gi - (NBUF - 1)
            if 0 <= di < n_steps:
                drain(di, di % NBUF)

        for di in range(n_steps - NBUF, n_steps):
            b = di % NBUF
            dst = out_hbm.at[pl.ds(base + di * CHUNK, CHUNK)]
            pltpu.make_async_copy(row_bufs[b], dst, wsems[b]).wait()

    return gather_kernel


def kernel(time_ids, pe_weight):
    shape = time_ids.shape
    idx = time_ids.reshape(-1).astype(jnp.int32)
    n_rows = idx.shape[0]
    out = _build_gather(n_rows)(pe_weight, idx)
    return out.reshape(*shape, D_MODEL)

# --- scband reference (transcript-rebuilt; emitter-appended) ---
"""Pipeline reference for scband-embedding-positional-encoding-17532056502610 (READ-ONLY COPY).

The authoritative reference and input builder live on the scoring server;
editing this copy changes nothing except your own understanding.
"""

import jax, jax.numpy as jnp
import numpy as np

NUM_EMBEDDING = 1000000
D_MODEL = 64

def setup_inputs(seed: int = 0) -> dict:
    key = jax.random.key(seed)
    k_idx, k_tab = jax.random.split(key)
    time_ids = jax.random.randint(k_idx, (4096, 200), 0, NUM_EMBEDDING, dtype=jnp.int64 if jax.config.jax_enable_x64 else jnp.int32)
    pe_weight = jax.random.normal(k_tab, (NUM_EMBEDDING, D_MODEL), dtype=jnp.float32)
    return {"time_ids": time_ids, "pe_weight": pe_weight}

def reference(time_ids, pe_weight):
    # nn.Embedding lookup
    position = jnp.take(pe_weight, time_ids, axis=0)
    # dropout in eval mode is identity (deterministic reference)
    return position

if __name__ == "__main__":
    import jax
    _d = setup_inputs()
    print(jax.jit(kernel)(*tuple(_d.values())))

</pallas_src>

<mosaic_0001>
#map = affine_map<(d0, d1) -> (0, 0)>
#map1 = affine_map<(d0, d1) -> (0)>
module attributes {stable_mosaic.version = 14 : i64} {
  func.func @gather_kernel(%arg0: i32, %arg1: i32, %arg2: memref<1000000x64xf32, #tpu.memory_space<hbm>>, %arg3: memref<819200xi32, #tpu.memory_space<hbm>>, %arg4: memref<819200x64xf32, #tpu.memory_space<hbm>>, %arg5: memref<25600xi32, #tpu.memory_space<vmem>>, %arg6: memref<512x64xf32, #tpu.memory_space<vmem>>, %arg7: memref<512x64xf32, #tpu.memory_space<vmem>>, %arg8: memref<512x64xf32, #tpu.memory_space<vmem>>, %arg9: memref<!tpu.dma_semaphore, #tpu.memory_space<semaphore_mem>>, %arg10: memref<!tpu.dma_semaphore, #tpu.memory_space<semaphore_mem>>, %arg11: memref<!tpu.dma_semaphore, #tpu.memory_space<semaphore_mem>>, %arg12: memref<!tpu.dma_semaphore, #tpu.memory_space<semaphore_mem>>, %arg13: memref<!tpu.dma_semaphore, #tpu.memory_space<semaphore_mem>>, %arg14: memref<!tpu.dma_semaphore, #tpu.memory_space<semaphore_mem>>) attributes {dimension_semantics = [#tpu.dimension_semantics<core_parallel>, #tpu.dimension_semantics<subcore_parallel>], iteration_bounds = array<i64: 2, 16>, scalar_prefetch = 0 : i64, scratch_operands = 10 : i64, tpu.core_type = #tpu.core_type<sc_vector_subcore>, window_params = [{transform_indices = #map}, {transform_indices = #map1}, {transform_indices = #map}]} {
    %mul3A = arith.constant 2 : i32
    %mul3A_0 = arith.muli %arg1, %mul3A : i32
    %add3A = arith.addi %mul3A_0, %arg0 : i32
    %mul3A_1 = arith.constant 25600 : i32
    %mul3A_2 = arith.muli %add3A, %mul3A_1 : i32
    "tpu.region"() ({
      %run_scoped3A = tpu.sem_alloc : memref<!tpu.dma_semaphore, #tpu.memory_space<semaphore_mem>>
      %dma_start3A_1101 = tpu.memref_slice %arg3[%mul3A_2] : memref<819200xi32, #tpu.memory_space<hbm>> -> memref<25600xi32, #tpu.memory_space<hbm>>
      %dma_start3A_1102 = tpu.memref_slice %arg3[%mul3A_2] : memref<819200xi32, #tpu.memory_space<hbm>> -> memref<25600xi32, #tpu.memory_space<hbm>>
      tpu.enqueue_dma source(%dma_start3A_1102 : memref<25600xi32, #tpu.memory_space<hbm>>) target(%arg5 : memref<25600xi32, #tpu.memory_space<vmem>>) target_semaphore(%run_scoped3A : memref<!tpu.dma_semaphore, #tpu.memory_space<semaphore_mem>>)
      %dma_wait3A_1103 = tpu.memref_slice %arg3[%mul3A_2] : memref<819200xi32, #tpu.memory_space<hbm>> -> memref<25600xi32, #tpu.memory_space<hbm>>
      %dma_wait3A_1104 = tpu.memref_slice %arg3[%mul3A_2] : memref<819200xi32, #tpu.memory_space<hbm>> -> memref<25600xi32, #tpu.memory_space<hbm>>
      tpu.wait_dma2 semaphore(%run_scoped3A : memref<!tpu.dma_semaphore, #tpu.memory_space<semaphore_mem>>) src(%dma_wait3A_1104 : memref<25600xi32, #tpu.memory_space<hbm>>) dst(%arg5 : memref<25600xi32, #tpu.memory_space<vmem>>)
      tpu.yield
    }) : () -> ()
    %dma_start3A = arith.constant 0 : i32
    %dma_start3A_3 = tpu.memref_slice %arg5[%dma_start3A] : memref<25600xi32, #tpu.memory_space<vmem>> -> memref<512xi32, #tpu.memory_space<vmem>>
    %dma_start3A_4 = arith.constant 0 : i32
    %dma_start3A_5 = arith.constant 0 : i32
    %dma_start3A_6 = tpu.memref_slice %arg2[%dma_start3A_4, %dma_start3A_5] : memref<1000000x64xf32, #tpu.memory_space<hbm>> -> memref<1000000x64xf32, #tpu.memory_space<hbm>>
    tpu.enqueue_indirect_dma source(%dma_start3A_6 : memref<1000000x64xf32, #tpu.memory_space<hbm>>) target(%arg6 : memref<512x64xf32, #tpu.memory_space<vmem>>) offsets(%dma_start3A_3 : memref<512xi32, #tpu.memory_space<vmem>>) semaphore(%arg9 : memref<!tpu.dma_semaphore, #tpu.memory_space<semaphore_mem>>)
    %dma_start3A_7 = arith.constant 512 : i32
    %dma_start3A_8 = tpu.memref_slice %arg5[%dma_start3A_7] : memref<25600xi32, #tpu.memory_space<vmem>> -> memref<512xi32, #tpu.memory_space<vmem>>
    %dma_start3A_9 = arith.constant 0 : i32
    %dma_start3A_10 = arith.constant 0 : i32
    %dma_start3A_11 = tpu.memref_slice %arg2[%dma_start3A_9, %dma_start3A_10] : memref<1000000x64xf32, #tpu.memory_space<hbm>> -> memref<1000000x64xf32, #tpu.memory_space<hbm>>
    tpu.enqueue_indirect_dma source(%dma_start3A_11 : memref<1000000x64xf32, #tpu.memory_space<hbm>>) target(%arg7 : memref<512x64xf32, #tpu.memory_space<vmem>>) offsets(%dma_start3A_8 : memref<512xi32, #tpu.memory_space<vmem>>) semaphore(%arg10 : memref<!tpu.dma_semaphore, #tpu.memory_space<semaphore_mem>>)
    %dma_start3A_12 = arith.constant 1024 : i32
    %dma_start3A_13 = tpu.memref_slice %arg5[%dma_start3A_12] : memref<25600xi32, #tpu.memory_space<vmem>> -> memref<512xi32, #tpu.memory_space<vmem>>
    %dma_start3A_14 = arith.constant 0 : i32
    %dma_start3A_15 = arith.constant 0 : i32
    %dma_start3A_16 = tpu.memref_slice %arg2[%dma_start3A_14, %dma_start3A_15] : memref<1000000x64xf32, #tpu.memory_space<hbm>> -> memref<1000000x64xf32, #tpu.memory_space<hbm>>
    tpu.enqueue_indirect_dma source(%dma_start3A_16 : memref<1000000x64xf32, #tpu.memory_space<hbm>>) target(%arg8 : memref<512x64xf32, #tpu.memory_space<vmem>>) offsets(%dma_start3A_13 : memref<512xi32, #tpu.memory_space<vmem>>) semaphore(%arg11 : memref<!tpu.dma_semaphore, #tpu.memory_space<semaphore_mem>>)
    %dma_wait3A = arith.constant 0 : i32
    %dma_wait3A_17 = tpu.memref_slice %arg5[%dma_wait3A] : memref<25600xi32, #tpu.memory_space<vmem>> -> memref<512xi32, #tpu.memory_space<vmem>>
    %dma_wait3A_18 = arith.constant 0 : i32
    %dma_wait3A_19 = arith.constant 0 : i32
    %dma_wait3A_20 = tpu.memref_slice %arg2[%dma_wait3A_18, %dma_wait3A_19] : memref<1000000x64xf32, #tpu.memory_space<hbm>> -> memref<1000000x64xf32, #tpu.memory_space<hbm>>
    tpu.wait_indirect_dma semaphore(%arg9 : memref<!tpu.dma_semaphore, #tpu.memory_space<semaphore_mem>>) src(%dma_wait3A_20 : memref<1000000x64xf32, #tpu.memory_space<hbm>>) dst(%arg6 : memref<512x64xf32, #tpu.memory_space<vmem>>)
    %add3A_21 = arith.constant 0 : i32
    %add3A_22 = arith.addi %mul3A_2, %add3A_21 : i32
    %dma_start3A_23 = arith.constant 0 : i32
    %dma_start3A_24 = tpu.memref_slice %arg4[%add3A_22, %dma_start3A_23] : memref<819200x64xf32, #tpu.memory_space<hbm>> -> memref<512x64xf32, #tpu.memory_space<hbm>>
    %dma_start3A_25 = arith.constant 0 : i32
    %dma_start3A_26 = tpu.memref_slice %arg4[%add3A_22, %dma_start3A_25] : memref<819200x64xf32, #tpu.memory_space<hbm>> -> memref<512x64xf32, #tpu.memory_space<hbm>>
    tpu.enqueue_dma source(%arg6 : memref<512x64xf32, #tpu.memory_space<vmem>>) target(%dma_start3A_26 : memref<512x64xf32, #tpu.memory_space<hbm>>) target_semaphore(%arg12 : memref<!tpu.dma_semaphore, #tpu.memory_space<semaphore_mem>>)
    %add3A_27 = arith.constant 0 : i32
    %add3A_28 = arith.addi %mul3A_2, %add3A_27 : i32
    %dma_wait3A_29 = arith.constant 0 : i32
    %dma_wait3A_30 = tpu.memref_slice %arg4[%add3A_28, %dma_wait3A_29] : memref<819200x64xf32, #tpu.memory_space<hbm>> -> memref<512x64xf32, #tpu.memory_space<hbm>>
    %dma_wait3A_31 = arith.constant 0 : i32
    %dma_wait3A_32 = tpu.memref_slice %arg4[%add3A_28, %dma_wait3A_31] : memref<819200x64xf32, #tpu.memory_space<hbm>> -> memref<512x64xf32, #tpu.memory_space<hbm>>
    tpu.wait_dma2 semaphore(%arg12 : memref<!tpu.dma_semaphore, #tpu.memory_space<semaphore_mem>>) src(%arg6 : memref<512x64xf32, #tpu.memory_space<vmem>>) dst(%dma_wait3A_32 : memref<512x64xf32, #tpu.memory_space<hbm>>)
    %dma_start3A_33 = arith.constant 1536 : i32
    %dma_start3A_34 = tpu.memref_slice %arg5[%dma_start3A_33] : memref<25600xi32, #tpu.memory_space<vmem>> -> memref<512xi32, #tpu.memory_space<vmem>>
    %dma_start3A_35 = arith.constant 0 : i32
    %dma_start3A_36 = arith.constant 0 : i32
    %dma_start3A_37 = tpu.memref_slice %arg2[%dma_start3A_35, %dma_start3A_36] : memref<1000000x64xf32, #tpu.memory_space<hbm>> -> memref<1000000x64xf32, #tpu.memory_space<hbm>>
    tpu.enqueue_indirect_dma source(%dma_start3A_37 : memref<1000000x64xf32, #tpu.memory_space<hbm>>) target(%arg6 : memref<512x64xf32, #tpu.memory_space<vmem>>) offsets(%dma_start3A_34 : memref<512xi32, #tpu.memory_space<vmem>>) semaphore(%arg9 : memref<!tpu.dma_semaphore, #tpu.memory_space<semaphore_mem>>)
    %dma_wait3A_38 = arith.constant 512 : i32
    %dma_wait3A_39 = tpu.memref_slice %arg5[%dma_wait3A_38] : memref<25600xi32, #tpu.memory_space<vmem>> -> memref<512xi32, #tpu.memory_space<vmem>>
    %dma_wait3A_40 = arith.constant 0 : i32
    %dma_wait3A_41 = arith.constant 0 : i32
    %dma_wait3A_42 = tpu.memref_slice %arg2[%dma_wait3A_40, %dma_wait3A_41] : memref<1000000x64xf32, #tpu.memory_space<hbm>> -> memref<1000000x64xf32, #tpu.memory_space<hbm>>
    tpu.wait_indirect_dma semaphore(%arg10 : memref<!tpu.dma_semaphore, #tpu.memory_space<semaphore_mem>>) src(%dma_wait3A_42 : memref<1000000x64xf32, #tpu.memory_space<hbm>>) dst(%arg7 : memref<512x64xf32, #tpu.memory_space<vmem>>)
    %add3A_43 = arith.constant 512 : i32
    %add3A_44 = arith.addi %mul3A_2, %add3A_43 : i32
    %dma_start3A_45 = arith.constant 0 : i32
    %dma_start3A_46 = tpu.memref_slice %arg4[%add3A_44, %dma_start3A_45] : memref<819200x64xf32, #tpu.memory_space<hbm>> -> memref<512x64xf32, #tpu.memory_space<hbm>>
    %dma_start3A_47 = arith.constant 0 : i32
    %dma_start3A_48 = tpu.memref_slice %arg4[%add3A_44, %dma_start3A_47] : memref<819200x64xf32, #tpu.memory_space<hbm>> -> memref<512x64xf32, #tpu.memory_space<hbm>>
    tpu.enqueue_dma source(%arg7 : memref<512x64xf32, #tpu.memory_space<vmem>>) target(%dma_start3A_48 : memref<512x64xf32, #tpu.memory_space<hbm>>) target_semaphore(%arg13 : memref<!tpu.dma_semaphore, #tpu.memory_space<semaphore_mem>>)
    %add3A_49 = arith.constant 512 : i32
    %add3A_50 = arith.addi %mul3A_2, %add3A_49 : i32
    %dma_wait3A_51 = arith.constant 0 : i32
    %dma_wait3A_52 = tpu.memref_slice %arg4[%add3A_50, %dma_wait3A_51] : memref<819200x64xf32, #tpu.memory_space<hbm>> -> memref<512x64xf32, #tpu.memory_space<hbm>>
    %dma_wait3A_53 = arith.constant 0 : i32
    %dma_wait3A_54 = tpu.memref_slice %arg4[%add3A_50, %dma_wait3A_53] : memref<819200x64xf32, #tpu.memory_space<hbm>> -> memref<512x64xf32, #tpu.memory_space<hbm>>
    tpu.wait_dma2 semaphore(%arg13 : memref<!tpu.dma_semaphore, #tpu.memory_space<semaphore_mem>>) src(%arg7 : memref<512x64xf32, #tpu.memory_space<vmem>>) dst(%dma_wait3A_54 : memref<512x64xf32, #tpu.memory_space<hbm>>)
    %dma_start3A_55 = arith.constant 2048 : i32
    %dma_start3A_56 = tpu.memref_slice %arg5[%dma_start3A_55] : memref<25600xi32, #tpu.memory_space<vmem>> -> memref<512xi32, #tpu.memory_space<vmem>>
    %dma_start3A_57 = arith.constant 0 : i32
    %dma_start3A_58 = arith.constant 0 : i32
    %dma_start3A_59 = tpu.memref_slice %arg2[%dma_start3A_57, %dma_start3A_58] : memref<1000000x64xf32, #tpu.memory_space<hbm>> -> memref<1000000x64xf32, #tpu.memory_space<hbm>>
    tpu.enqueue_indirect_dma source(%dma_start3A_59 : memref<1000000x64xf32, #tpu.memory_space<hbm>>) target(%arg7 : memref<512x64xf32, #tpu.memory_space<vmem>>) offsets(%dma_start3A_56 : memref<512xi32, #tpu.memory_space<vmem>>) semaphore(%arg10 : memref<!tpu.dma_semaphore, #tpu.memory_space<semaphore_mem>>)
    %dma_wait3A_60 = arith.constant 1024 : i32
    %dma_wait3A_61 = tpu.memref_slice %arg5[%dma_wait3A_60] : memref<25600xi32, #tpu.memory_space<vmem>> -> memref<512xi32, #tpu.memory_space<vmem>>
    %dma_wait3A_62 = arith.constant 0 : i32
    %dma_wait3A_63 = arith.constant 0 : i32
    %dma_wait3A_64 = tpu.memref_slice %arg2[%dma_wait3A_62, %dma_wait3A_63] : memref<1000000x64xf32, #tpu.memory_space<hbm>> -> memref<1000000x64xf32, #tpu.memory_space<hbm>>
    tpu.wait_indirect_dma semaphore(%arg11 : memref<!tpu.dma_semaphore, #tpu.memory_space<semaphore_mem>>) src(%dma_wait3A_64 : memref<1000000x64xf32, #tpu.memory_space<hbm>>) dst(%arg8 : memref<512x64xf32, #tpu.memory_space<vmem>>)
    %add3A_65 = arith.constant 1024 : i32
    %add3A_66 = arith.addi %mul3A_2, %add3A_65 : i32
    %dma_start3A_67 = arith.constant 0 : i32
    %dma_start3A_68 = tpu.memref_slice %arg4[%add3A_66, %dma_start3A_67] : memref<819200x64xf32, #tpu.memory_space<hbm>> -> memref<512x64xf32, #tpu.memory_space<hbm>>
    %dma_start3A_69 = arith.constant 0 : i32
    %dma_start3A_70 = tpu.memref_slice %arg4[%add3A_66, %dma_start3A_69] : memref<819200x64xf32, #tpu.memory_space<hbm>> -> memref<512x64xf32, #tpu.memory_space<hbm>>
    tpu.enqueue_dma source(%arg8 : memref<512x64xf32, #tpu.memory_space<vmem>>) target(%dma_start3A_70 : memref<512x64xf32, #tpu.memory_space<hbm>>) target_semaphore(%arg14 : memref<!tpu.dma_semaphore, #tpu.memory_space<semaphore_mem>>)
    %add3A_71 = arith.constant 1024 : i32
    %add3A_72 = arith.addi %mul3A_2, %add3A_71 : i32
    %dma_wait3A_73 = arith.constant 0 : i32
    %dma_wait3A_74 = tpu.memref_slice %arg4[%add3A_72, %dma_wait3A_73] : memref<819200x64xf32, #tpu.memory_space<hbm>> -> memref<512x64xf32, #tpu.memory_space<hbm>>
    %dma_wait3A_75 = arith.constant 0 : i32
    %dma_wait3A_76 = tpu.memref_slice %arg4[%add3A_72, %dma_wait3A_75] : memref<819200x64xf32, #tpu.memory_space<hbm>> -> memref<512x64xf32, #tpu.memory_space<hbm>>
    tpu.wait_dma2 semaphore(%arg14 : memref<!tpu.dma_semaphore, #tpu.memory_space<semaphore_mem>>) src(%arg8 : memref<512x64xf32, #tpu.memory_space<vmem>>) dst(%dma_wait3A_76 : memref<512x64xf32, #tpu.memory_space<hbm>>)
    %dma_start3A_77 = arith.constant 2560 : i32
    %dma_start3A_78 = tpu.memref_slice %arg5[%dma_start3A_77] : memref<25600xi32, #tpu.memory_space<vmem>> -> memref<512xi32, #tpu.memory_space<vmem>>
    %dma_start3A_79 = arith.constant 0 : i32
    %dma_start3A_80 = arith.constant 0 : i32
    %dma_start3A_81 = tpu.memref_slice %arg2[%dma_start3A_79, %dma_start3A_80] : memref<1000000x64xf32, #tpu.memory_space<hbm>> -> memref<1000000x64xf32, #tpu.memory_space<hbm>>
    tpu.enqueue_indirect_dma source(%dma_start3A_81 : memref<1000000x64xf32, #tpu.memory_space<hbm>>) target(%arg8 : memref<512x64xf32, #tpu.memory_space<vmem>>) offsets(%dma_start3A_78 : memref<512xi32, #tpu.memory_space<vmem>>) semaphore(%arg11 : memref<!tpu.dma_semaphore, #tpu.memory_space<semaphore_mem>>)
    %dma_wait3A_82 = arith.constant 1536 : i32
    %dma_wait3A_83 = tpu.memref_slice %arg5[%dma_wait3A_82] : memref<25600xi32, #tpu.memory_space<vmem>> -> memref<512xi32, #tpu.memory_space<vmem>>
    %dma_wait3A_84 = arith.constant 0 : i32
    %dma_wait3A_85 = arith.constant 0 : i32
    %dma_wait3A_86 = tpu.memref_slice %arg2[%dma_wait3A_84, %dma_wait3A_85] : memref<1000000x64xf32, #tpu.memory_space<hbm>> -> memref<1000000x64xf32, #tpu.memory_space<hbm>>
    tpu.wait_indirect_dma semaphore(%arg9 : memref<!tpu.dma_semaphore, #tpu.memory_space<semaphore_mem>>) src(%dma_wait3A_86 : memref<1000000x64xf32, #tpu.memory_space<hbm>>) dst(%arg6 : memref<512x64xf32, #tpu.memory_space<vmem>>)
    %add3A_87 = arith.constant 1536 : i32
    %add3A_88 = arith.addi %mul3A_2, %add3A_87 : i32
    %dma_start3A_89 = arith.constant 0 : i32
    %dma_start3A_90 = tpu.memref_slice %arg4[%add3A_88, %dma_start3A_89] : memref<819200x64xf32, #tpu.memory_space<hbm>> -> memref<512x64xf32, #tpu.memory_space<hbm>>
    %dma_start3A_91 = arith.constant 0 : i32
    %dma_start3A_92 = tpu.memref_slice %arg4[%add3A_88, %dma_start3A_91] : memref<819200x64xf32, #tpu.memory_space<hbm>> -> memref<512x64xf32, #tpu.memory_space<hbm>>
    tpu.enqueue_dma source(%arg6 : memref<512x64xf32, #tpu.memory_space<vmem>>) target(%dma_start3A_92 : memref<512x64xf32, #tpu.memory_space<hbm>>) target_semaphore(%arg12 : memref<!tpu.dma_semaphore, #tpu.memory_space<semaphore_mem>>)
    %add3A_93 = arith.constant 1536 : i32
    %add3A_94 = arith.addi %mul3A_2, %add3A_93 : i32
    %dma_wait3A_95 = arith.constant 0 : i32
    %dma_wait3A_96 = tpu.memref_slice %arg4[%add3A_94, %dma_wait3A_95] : memref<819200x64xf32, #tpu.memory_space<hbm>> -> memref<512x64xf32, #tpu.memory_space<hbm>>
    %dma_wait3A_97 = arith.constant 0 : i32
    %dma_wait3A_98 = tpu.memref_slice %arg4[%add3A_94, %dma_wait3A_97] : memref<819200x64xf32, #tpu.memory_space<hbm>> -> memref<512x64xf32, #tpu.memory_space<hbm>>
    tpu.wait_dma2 semaphore(%arg12 : memref<!tpu.dma_semaphore, #tpu.memory_space<semaphore_mem>>) src(%arg6 : memref<512x64xf32, #tpu.memory_space<vmem>>) dst(%dma_wait3A_98 : memref<512x64xf32, #tpu.memory_space<hbm>>)
    %dma_start3A_99 = arith.constant 3072 : i32
    %dma_start3A_100 = tpu.memref_slice %arg5[%dma_start3A_99] : memref<25600xi32, #tpu.memory_space<vmem>> -> memref<512xi32, #tpu.memory_space<vmem>>
    %dma_start3A_101 = arith.constant 0 : i32
    %dma_start3A_102 = arith.constant 0 : i32
    %dma_start3A_103 = tpu.memref_slice %arg2[%dma_start3A_101, %dma_start3A_102] : memref<1000000x64xf32, #tpu.memory_space<hbm>> -> memref<1000000x64xf32, #tpu.memory_space<hbm>>
    tpu.enqueue_indirect_dma source(%dma_start3A_103 : memref<1000000x64xf32, #tpu.memory_space<hbm>>) target(%arg6 : memref<512x64xf32, #tpu.memory_space<vmem>>) offsets(%dma_start3A_100 : memref<512xi32, #tpu.memory_space<vmem>>) semaphore(%arg9 : memref<!tpu.dma_semaphore, #tpu.memory_space<semaphore_mem>>)
    %dma_wait3A_104 = arith.constant 2048 : i32
    %dma_wait3A_105 = tpu.memref_slice %arg5[%dma_wait3A_104] : memref<25600xi32, #tpu.memory_space<vmem>> -> memref<512xi32, #tpu.memory_space<vmem>>
    %dma_wait3A_106 = arith.constant 0 : i32
    %dma_wait3A_107 = arith.constant 0 : i32
    %dma_wait3A_108 = tpu.memref_slice %arg2[%dma_wait3A_106, %dma_wait3A_107] : memref<1000000x64xf32, #tpu.memory_space<hbm>> -> memref<1000000x64xf32, #tpu.memory_space<hbm>>
    tpu.wait_indirect_dma semaphore(%arg10 : memref<!tpu.dma_semaphore, #tpu.memory_space<semaphore_mem>>) src(%dma_wait3A_108 : memref<1000000x64xf32, #tpu.memory_space<hbm>>) dst(%arg7 : memref<512x64xf32, #tpu.memory_space<vmem>>)
    %add3A_109 = arith.constant 2048 : i32
    %add3A_110 = arith.addi %mul3A_2, %add3A_109 : i32
    %dma_start3A_111 = arith.constant 0 : i32
    %dma_start3A_112 = tpu.memref_slice %arg4[%add3A_110, %dma_start3A_111] : memref<819200x64xf32, #tpu.memory_space<hbm>> -> memref<512x64xf32, #tpu.memory_space<hbm>>
    %dma_start3A_113 = arith.constant 0 : i32
    %dma_start3A_114 = tpu.memref_slice %arg4[%add3A_110, %dma_start3A_113] : memref<819200x64xf32, #tpu.memory_space<hbm>> -> memref<512x64xf32, #tpu.memory_space<hbm>>
    tpu.enqueue_dma source(%arg7 : memref<512x64xf32, #tpu.memory_space<vmem>>) target(%dma_start3A_114 : memref<512x64xf32, #tpu.memory_space<hbm>>) target_semaphore(%arg13 : memref<!tpu.dma_semaphore, #tpu.memory_space<semaphore_mem>>)
    %add3A_115 = arith.constant 2048 : i32
    %add3A_116 = arith.addi %mul3A_2, %add3A_115 : i32
    %dma_wait3A_117 = arith.constant 0 : i32
    %dma_wait3A_118 = tpu.memref_slice %arg4[%add3A_116, %dma_wait3A_117] : memref<819200x64xf32, #tpu.memory_space<hbm>> -> memref<512x64xf32, #tpu.memory_space<hbm>>
    %dma_wait3A_119 = arith.constant 0 : i32
    %dma_wait3A_120 = tpu.memref_slice %arg4[%add3A_116, %dma_wait3A_119] : memref<819200x64xf32, #tpu.memory_space<hbm>> -> memref<512x64xf32, #tpu.memory_space<hbm>>
    tpu.wait_dma2 semaphore(%arg13 : memref<!tpu.dma_semaphore, #tpu.memory_space<semaphore_mem>>) src(%arg7 : memref<512x64xf32, #tpu.memory_space<vmem>>) dst(%dma_wait3A_120 : memref<512x64xf32, #tpu.memory_space<hbm>>)
    %dma_start3A_121 = arith.constant 3584 : i32
    %dma_start3A_122 = tpu.memref_slice %arg5[%dma_start3A_121] : memref<25600xi32, #tpu.memory_space<vmem>> -> memref<512xi32, #tpu.memory_space<vmem>>
    %dma_start3A_123 = arith.constant 0 : i32
    %dma_start3A_124 = arith.constant 0 : i32
    %dma_start3A_125 = tpu.memref_slice %arg2[%dma_start3A_123, %dma_start3A_124] : memref<1000000x64xf32, #tpu.memory_space<hbm>> -> memref<1000000x64xf32, #tpu.memory_space<hbm>>
    tpu.enqueue_indirect_dma source(%dma_start3A_125 : memref<1000000x64xf32, #tpu.memory_space<hbm>>) target(%arg7 : memref<512x64xf32, #tpu.memory_space<vmem>>) offsets(%dma_start3A_122 : memref<512xi32, #tpu.memory_space<vmem>>) semaphore(%arg10 : memref<!tpu.dma_semaphore, #tpu.memory_space<semaphore_mem>>)
    %dma_wait3A_126 = arith.constant 2560 : i32
    %dma_wait3A_127 = tpu.memref_slice %arg5[%dma_wait3A_126] : memref<25600xi32, #tpu.memory_space<vmem>> -> memref<512xi32, #tpu.memory_space<vmem>>
    %dma_wait3A_128 = arith.constant 0 : i32
    %dma_wait3A_129 = arith.constant 0 : i32
    %dma_wait3A_130 = tpu.memref_slice %arg2[%dma_wait3A_128, %dma_wait3A_129] : memref<1000000x64xf32, #tpu.memory_space<hbm>> -> memref<1000000x64xf32, #tpu.memory_space<hbm>>
    tpu.wait_indirect_dma semaphore(%arg11 : memref<!tpu.dma_semaphore, #tpu.memory_space<semaphore_mem>>) src(%dma_wait3A_130 : memref<1000000x64xf32, #tpu.memory_space<hbm>>) dst(%arg8 : memref<512x64xf32, #tpu.memory_space<vmem>>)
    %add3A_131 = arith.constant 2560 : i32
    %add3A_132 = arith.addi %mul3A_2, %add3A_131 : i32
    %dma_start3A_133 = arith.constant 0 : i32
    %dma_start3A_134 = tpu.memref_slice %arg4[%add3A_132, %dma_start3A_133] : memref<819200x64xf32, #tpu.memory_space<hbm>> -> memref<512x64xf32, #tpu.memory_space<hbm>>
    %dma_start3A_135 = arith.constant 0 : i32
    %dma_start3A_136 = tpu.memref_slice %arg4[%add3A_132, %dma_start3A_135] : memref<819200x64xf32, #tpu.memory_space<hbm>> -> memref<512x64xf32, #tpu.memory_space<hbm>>
    tpu.enqueue_dma source(%arg8 : memref<512x64xf32, #tpu.memory_space<vmem>>) target(%dma_start3A_136 : memref<512x64xf32, #tpu.memory_space<hbm>>) target_semaphore(%arg14 : memref<!tpu.dma_semaphore, #tpu.memory_space<semaphore_mem>>)
    %add3A_137 = arith.constant 2560 : i32
    %add3A_138 = arith.addi %mul3A_2, %add3A_137 : i32
    %dma_wait3A_139 = arith.constant 0 : i32
    %dma_wait3A_140 = tpu.memref_slice %arg4[%add3A_138, %dma_wait3A_139] : memref<819200x64xf32, #tpu.memory_space<hbm>> -> memref<512x64xf32, #tpu.memory_space<hbm>>
    %dma_wait3A_141 = arith.constant 0 : i32
    %dma_wait3A_142 = tpu.memref_slice %arg4[%add3A_138, %dma_wait3A_141] : memref<819200x64xf32, #tpu.memory_space<hbm>> -> memref<512x64xf32, #tpu.memory_space<hbm>>
    tpu.wait_dma2 semaphore(%arg14 : memref<!tpu.dma_semaphore, #tpu.memory_space<semaphore_mem>>) src(%arg8 : memref<512x64xf32, #tpu.memory_space<vmem>>) dst(%dma_wait3A_142 : memref<512x64xf32, #tpu.memory_space<hbm>>)
    %dma_start3A_143 = arith.constant 4096 : i32
    %dma_start3A_144 = tpu.memref_slice %arg5[%dma_start3A_143] : memref<25600xi32, #tpu.memory_space<vmem>> -> memref<512xi32, #tpu.memory_space<vmem>>
    %dma_start3A_145 = arith.constant 0 : i32
    %dma_start3A_146 = arith.constant 0 : i32
    %dma_start3A_147 = tpu.memref_slice %arg2[%dma_start3A_145, %dma_start3A_146] : memref<1000000x64xf32, #tpu.memory_space<hbm>> -> memref<1000000x64xf32, #tpu.memory_space<hbm>>
    tpu.enqueue_indirect_dma source(%dma_start3A_147 : memref<1000000x64xf32, #tpu.memory_space<hbm>>) target(%arg8 : memref<512x64xf32, #tpu.memory_space<vmem>>) offsets(%dma_start3A_144 : memref<512xi32, #tpu.memory_space<vmem>>) semaphore(%arg11 : memref<!tpu.dma_semaphore, #tpu.memory_space<semaphore_mem>>)
    %dma_wait3A_148 = arith.constant 3072 : i32
    %dma_wait3A_149 = tpu.memref_slice %arg5[%dma_wait3A_148] : memref<25600xi32, #tpu.memory_space<vmem>> -> memref<512xi32, #tpu.memory_space<vmem>>
    %dma_wait3A_150 = arith.constant 0 : i32
    %dma_wait3A_151 = arith.constant 0 : i32
    %dma_wait3A_152 = tpu.memref_slice %arg2[%dma_wait3A_150, %dma_wait3A_151] : memref<1000000x64xf32, #tpu.memory_space<hbm>> -> memref<1000000x64xf32, #tpu.memory_space<hbm>>
    tpu.wait_indirect_dma semaphore(%arg9 : memref<!tpu.dma_semaphore, #tpu.memory_space<semaphore_mem>>) src(%dma_wait3A_152 : memref<1000000x64xf32, #tpu.memory_space<hbm>>) dst(%arg6 : memref<512x64xf32, #tpu.memory_space<vmem>>)
    %add3A_153 = arith.constant 3072 : i32
    %add3A_154 = arith.addi %mul3A_2, %add3A_153 : i32
    %dma_start3A_155 = arith.constant 0 : i32
    %dma_start3A_156 = tpu.memref_slice %arg4[%add3A_154, %dma_start3A_155] : memref<819200x64xf32, #tpu.memory_space<hbm>> -> memref<512x64xf32, #tpu.memory_space<hbm>>
    %dma_start3A_157 = arith.constant 0 : i32
    %dma_start3A_158 = tpu.memref_slice %arg4[%add3A_154, %dma_start3A_157] : memref<819200x64xf32, #tpu.memory_space<hbm>> -> memref<512x64xf32, #tpu.memory_space<hbm>>
    tpu.enqueue_dma source(%arg6 : memref<512x64xf32, #tpu.memory_space<vmem>>) target(%dma_start3A_158 : memref<512x64xf32, #tpu.memory_space<hbm>>) target_semaphore(%arg12 : memref<!tpu.dma_semaphore, #tpu.memory_space<semaphore_mem>>)
    %add3A_159 = arith.constant 3072 : i32
    %add3A_160 = arith.addi %mul3A_2, %add3A_159 : i32
    %dma_wait3A_161 = arith.constant 0 : i32
    %dma_wait3A_162 = tpu.memref_slice %arg4[%add3A_160, %dma_wait3A_161] : memref<819200x64xf32, #tpu.memory_space<hbm>> -> memref<512x64xf32, #tpu.memory_space<hbm>>
    %dma_wait3A_163 = arith.constant 0 : i32
    %dma_wait3A_164 = tpu.memref_slice %arg4[%add3A_160, %dma_wait3A_163] : memref<819200x64xf32, #tpu.memory_space<hbm>> -> memref<512x64xf32, #tpu.memory_space<hbm>>
    tpu.wait_dma2 semaphore(%arg12 : memref<!tpu.dma_semaphore, #tpu.memory_space<semaphore_mem>>) src(%arg6 : memref<512x64xf32, #tpu.memory_space<vmem>>) dst(%dma_wait3A_164 : memref<512x64xf32, #tpu.memory_space<hbm>>)
    %dma_start3A_165 = arith.constant 4608 : i32
    %dma_start3A_166 = tpu.memref_slice %arg5[%dma_start3A_165] : memref<25600xi32, #tpu.memory_space<vmem>> -> memref<512xi32, #tpu.memory_space<vmem>>
    %dma_start3A_167 = arith.constant 0 : i32
    %dma_start3A_168 = arith.constant 0 : i32
    %dma_start3A_169 = tpu.memref_slice %arg2[%dma_start3A_167, %dma_start3A_168] : memref<1000000x64xf32, #tpu.memory_space<hbm>> -> memref<1000000x64xf32, #tpu.memory_space<hbm>>
    tpu.enqueue_indirect_dma source(%dma_start3A_169 : memref<1000000x64xf32, #tpu.memory_space<hbm>>) target(%arg6 : memref<512x64xf32, #tpu.memory_space<vmem>>) offsets(%dma_start3A_166 : memref<512xi32, #tpu.memory_space<vmem>>) semaphore(%arg9 : memref<!tpu.dma_semaphore, #tpu.memory_space<semaphore_mem>>)
    %dma_wait3A_170 = arith.constant 3584 : i32
    %dma_wait3A_171 = tpu.memref_slice %arg5[%dma_wait3A_170] : memref<25600xi32, #tpu.memory_space<vmem>> -> memref<512xi32, #tpu.memory_space<vmem>>
    %dma_wait3A_172 = arith.constant 0 : i32
    %dma_wait3A_173 = arith.constant 0 : i32
    %dma_wait3A_174 = tpu.memref_slice %arg2[%dma_wait3A_172, %dma_wait3A_173] : memref<1000000x64xf32, #tpu.memory_space<hbm>> -> memref<1000000x64xf32, #tpu.memory_space<hbm>>
    tpu.wait_indirect_dma semaphore(%arg10 : memref<!tpu.dma_semaphore, #tpu.memory_space<semaphore_mem>>) src(%dma_wait3A_174 : memref<1000000x64xf32, #tpu.memory_space<hbm>>) dst(%arg7 : memref<512x64xf32, #tpu.memory_space<vmem>>)
    %add3A_175 = arith.constant 3584 : i32
    %add3A_176 = arith.addi %mul3A_2, %add3A_175 : i32
    %dma_start3A_177 = arith.constant 0 : i32
    %dma_start3A_178 = tpu.memref_slice %arg4[%add3A_176, %dma_start3A_177] : memref<819200x64xf32, #tpu.memory_space<hbm>> -> memref<512x64xf32, #tpu.memory_space<hbm>>
    %dma_start3A_179 = arith.constant 0 : i32
    %dma_start3A_180 = tpu.memref_slice %arg4[%add3A_176, %dma_start3A_179] : memref<819200x64xf32, #tpu.memory_space<hbm>> -> memref<512x64xf32, #tpu.memory_space<hbm>>
    tpu.enqueue_dma source(%arg7 : memref<512x64xf32, #tpu.memory_space<vmem>>) target(%dma_start3A_180 : memref<512x64xf32, #tpu.memory_space<hbm>>) target_semaphore(%arg13 : memref<!tpu.dma_semaphore, #tpu.memory_space<semaphore_mem>>)
    %add3A_181 = arith.constant 3584 : i32
    %add3A_182 = arith.addi %mul3A_2, %add3A_181 : i32
    %dma_wait3A_183 = arith.constant 0 : i32
    %dma_wait3A_184 = tpu.memref_slice %arg4[%add3A_182, %dma_wait3A_183] : memref<819200x64xf32, #tpu.memory_space<hbm>> -> memref<512x64xf32, #tpu.memory_space<hbm>>
    %dma_wait3A_185 = arith.constant 0 : i32
    %dma_wait3A_186 = tpu.memref_slice %arg4[%add3A_182, %dma_wait3A_185] : memref<819200x64xf32, #tpu.memory_space<hbm>> -> memref<512x64xf32, #tpu.memory_space<hbm>>
    tpu.wait_dma2 semaphore(%arg13 : memref<!tpu.dma_semaphore, #tpu.memory_space<semaphore_mem>>) src(%arg7 : memref<512x64xf32, #tpu.memory_space<vmem>>) dst(%dma_wait3A_186 : memref<512x64xf32, #tpu.memory_space<hbm>>)
    %dma_start3A_187 = arith.constant 5120 : i32
    %dma_start3A_188 = tpu.memref_slice %arg5[%dma_start3A_187] : memref<25600xi32, #tpu.memory_space<vmem>> -> memref<512xi32, #tpu.memory_space<vmem>>
    %dma_start3A_189 = arith.constant 0 : i32
    %dma_start3A_190 = arith.constant 0 : i32
    %dma_start3A_191 = tpu.memref_slice %arg2[%dma_start3A_189, %dma_start3A_190] : memref<1000000x64xf32, #tpu.memory_space<hbm>> -> memref<1000000x64xf32, #tpu.memory_space<hbm>>
    tpu.enqueue_indirect_dma source(%dma_start3A_191 : memref<1000000x64xf32, #tpu.memory_space<hbm>>) target(%arg7 : memref<512x64xf32, #tpu.memory_space<vmem>>) offsets(%dma_start3A_188 : memref<512xi32, #tpu.memory_space<vmem>>) semaphore(%arg10 : memref<!tpu.dma_semaphore, #tpu.memory_space<semaphore_mem>>)
    %dma_wait3A_192 = arith.constant 4096 : i32
    %dma_wait3A_193 = tpu.memref_slice %arg5[%dma_wait3A_192] : memref<25600xi32, #tpu.memory_space<vmem>> -> memref<512xi32, #tpu.memory_space<vmem>>
    %dma_wait3A_194 = arith.constant 0 : i32
    %dma_wait3A_195 = arith.constant 0 : i32
    %dma_wait3A_196 = tpu.memref_slice %arg2[%dma_wait3A_194, %dma_wait3A_195] : memref<1000000x64xf32, #tpu.memory_space<hbm>> -> memref<1000000x64xf32, #tpu.memory_space<hbm>>
    tpu.wait_indirect_dma semaphore(%arg11 : memref<!tpu.dma_semaphore, #tpu.memory_space<semaphore_mem>>) src(%dma_wait3A_196 : memref<1000000x64xf32, #tpu.memory_space<hbm>>) dst(%arg8 : memref<512x64xf32, #tpu.memory_space<vmem>>)
    %add3A_197 = arith.constant 4096 : i32
    %add3A_198 = arith.addi %mul3A_2, %add3A_197 : i32
    %dma_start3A_199 = arith.constant 0 : i32
    %dma_start3A_200 = tpu.memref_slice %arg4[%add3A_198, %dma_start3A_199] : memref<819200x64xf32, #tpu.memory_space<hbm>> -> memref<512x64xf32, #tpu.memory_space<hbm>>
    %dma_start3A_201 = arith.constant 0 : i32
    %dma_start3A_202 = tpu.memref_slice %arg4[%add3A_198, %dma_start3A_201] : memref<819200x64xf32, #tpu.memory_space<hbm>> -> memref<512x64xf32, #tpu.memory_space<hbm>>
    tpu.enqueue_dma source(%arg8 : memref<512x64xf32, #tpu.memory_space<vmem>>) target(%dma_start3A_202 : memref<512x64xf32, #tpu.memory_space<hbm>>) target_semaphore(%arg14 : memref<!tpu.dma_semaphore, #tpu.memory_space<semaphore_mem>>)
    %add3A_203 = arith.constant 4096 : i32
    %add3A_204 = arith.addi %mul3A_2, %add3A_203 : i32
    %dma_wait3A_205 = arith.constant 0 : i32
    %dma_wait3A_206 = tpu.memref_slice %arg4[%add3A_204, %dma_wait3A_205] : memref<819200x64xf32, #tpu.memory_space<hbm>> -> memref<512x64xf32, #tpu.memory_space<hbm>>
    %dma_wait3A_207 = arith.constant 0 : i32
    %dma_wait3A_208 = tpu.memref_slice %arg4[%add3A_204, %dma_wait3A_207] : memref<819200x64xf32, #tpu.memory_space<hbm>> -> memref<512x64xf32, #tpu.memory_space<hbm>>
    tpu.wait_dma2 semaphore(%arg14 : memref<!tpu.dma_semaphore, #tpu.memory_space<semaphore_mem>>) src(%arg8 : memref<512x64xf32, #tpu.memory_space<vmem>>) dst(%dma_wait3A_208 : memref<512x64xf32, #tpu.memory_space<hbm>>)
    %dma_start3A_209 = arith.constant 5632 : i32
    %dma_start3A_210 = tpu.memref_slice %arg5[%dma_start3A_209] : memref<25600xi32, #tpu.memory_space<vmem>> -> memref<512xi32, #tpu.memory_space<vmem>>
    %dma_start3A_211 = arith.constant 0 : i32
    %dma_start3A_212 = arith.constant 0 : i32
    %dma_start3A_213 = tpu.memref_slice %arg2[%dma_start3A_211, %dma_start3A_212] : memref<1000000x64xf32, #tpu.memory_space<hbm>> -> memref<1000000x64xf32, #tpu.memory_space<hbm>>
    tpu.enqueue_indirect_dma source(%dma_start3A_213 : memref<1000000x64xf32, #tpu.memory_space<hbm>>) target(%arg8 : memref<512x64xf32, #tpu.memory_space<vmem>>) offsets(%dma_start3A_210 : memref<512xi32, #tpu.memory_space<vmem>>) semaphore(%arg11 : memref<!tpu.dma_semaphore, #tpu.memory_space<semaphore_mem>>)
    %dma_wait3A_214 = arith.constant 4608 : i32
    %dma_wait3A_215 = tpu.memref_slice %arg5[%dma_wait3A_214] : memref<25600xi32, #tpu.memory_space<vmem>> -> memref<512xi32, #tpu.memory_space<vmem>>
    %dma_wait3A_216 = arith.constant 0 : i32
    %dma_wait3A_217 = arith.constant 0 : i32
    %dma_wait3A_218 = tpu.memref_slice %arg2[%dma_wait3A_216, %dma_wait3A_217] : memref<1000000x64xf32, #tpu.memory_space<hbm>> -> memref<1000000x64xf32, #tpu.memory_space<hbm>>
    tpu.wait_indirect_dma semaphore(%arg9 : memref<!tpu.dma_semaphore, #tpu.memory_space<semaphore_mem>>) src(%dma_wait3A_218 : memref<1000000x64xf32, #tpu.memory_space<hbm>>) dst(%arg6 : memref<512x64xf32, #tpu.memory_space<vmem>>)
    %add3A_219 = arith.constant 4608 : i32
    %add3A_220 = arith.addi %mul3A_2, %add3A_219 : i32
    %dma_start3A_221 = arith.constant 0 : i32
    %dma_start3A_222 = tpu.memref_slice %arg4[%add3A_220, %dma_start3A_221] : memref<819200x64xf32, #tpu.memory_space<hbm>> -> memref<512x64xf32, #tpu.memory_space<hbm>>
    %dma_start3A_223 = arith.constant 0 : i32
    %dma_start3A_224 = tpu.memref_slice %arg4[%add3A_220, %dma_start3A_223] : memref<819200x64xf32, #tpu.memory_space<hbm>> -> memref<512x64xf32, #tpu.memory_space<hbm>>
    tpu.enqueue_dma source(%arg6 : memref<512x64xf32, #tpu.memory_space<vmem>>) target(%dma_start3A_224 : memref<512x64xf32, #tpu.memory_space<hbm>>) target_semaphore(%arg12 : memref<!tpu.dma_semaphore, #tpu.memory_space<semaphore_mem>>)
    %add3A_225 = arith.constant 4608 : i32
    %add3A_226 = arith.addi %mul3A_2, %add3A_225 : i32
    %dma_wait3A_227 = arith.constant 0 : i32
    %dma_wait3A_228 = tpu.memref_slice %arg4[%add3A_226, %dma_wait3A_227] : memref<819200x64xf32, #tpu.memory_space<hbm>> -> memref<512x64xf32, #tpu.memory_space<hbm>>
    %dma_wait3A_229 = arith.constant 0 : i32
    %dma_wait3A_230 = tpu.memref_slice %arg4[%add3A_226, %dma_wait3A_229] : memref<819200x64xf32, #tpu.memory_space<hbm>> -> memref<512x64xf32, #tpu.memory_space<hbm>>
    tpu.wait_dma2 semaphore(%arg12 : memref<!tpu.dma_semaphore, #tpu.memory_space<semaphore_mem>>) src(%arg6 : memref<512x64xf32, #tpu.memory_space<vmem>>) dst(%dma_wait3A_230 : memref<512x64xf32, #tpu.memory_space<hbm>>)
    %dma_start3A_231 = arith.constant 6144 : i32
    %dma_start3A_232 = tpu.memref_slice %arg5[%dma_start3A_231] : memref<25600xi32, #tpu.memory_space<vmem>> -> memref<512xi32, #tpu.memory_space<vmem>>
    %dma_start3A_233 = arith.constant 0 : i32
    %dma_start3A_234 = arith.constant 0 : i32
    %dma_start3A_235 = tpu.memref_slice %arg2[%dma_start3A_233, %dma_start3A_234] : memref<1000000x64xf32, #tpu.memory_space<hbm>> -> memref<1000000x64xf32, #tpu.memory_space<hbm>>
    tpu.enqueue_indirect_dma source(%dma_start3A_235 : memref<1000000x64xf32, #tpu.memory_space<hbm>>) target(%arg6 : memref<512x64xf32, #tpu.memory_space<vmem>>) offsets(%dma_start3A_232 : memref<512xi32, #tpu.memory_space<vmem>>) semaphore(%arg9 : memref<!tpu.dma_semaphore, #tpu.memory_space<semaphore_mem>>)
    %dma_wait3A_236 = arith.constant 5120 : i32
    %dma_wait3A_237 = tpu.memref_slice %arg5[%dma_wait3A_236] : memref<25600xi32, #tpu.memory_space<vmem>> -> memref<512xi32, #tpu.memory_space<vmem>>
    %dma_wait3A_238 = arith.constant 0 : i32
    %dma_wait3A_239 = arith.constant 0 : i32
    %dma_wait3A_240 = tpu.memref_slice %arg2[%dma_wait3A_238, %dma_wait3A_239] : memref<1000000x64xf32, #tpu.memory_space<hbm>> -> memref<1000000x64xf32, #tpu.memory_space<hbm>>
    tpu.wait_indirect_dma semaphore(%arg10 : memref<!tpu.dma_semaphore, #tpu.memory_space<semaphore_mem>>) src(%dma_wait3A_240 : memref<1000000x64xf32, #tpu.memory_space<hbm>>) dst(%arg7 : memref<512x64xf32, #tpu.memory_space<vmem>>)
    %add3A_241 = arith.constant 5120 : i32
    %add3A_242 = arith.addi %mul3A_2, %add3A_241 : i32
    %dma_start3A_243 = arith.constant 0 : i32
    %dma_start3A_244 = tpu.memref_slice %arg4[%add3A_242, %dma_start3A_243] : memref<819200x64xf32, #tpu.memory_space<hbm>> -> memref<512x64xf32, #tpu.memory_space<hbm>>
    %dma_start3A_245 = arith.constant 0 : i32
    %dma_start3A_246 = tpu.memref_slice %arg4[%add3A_242, %dma_start3A_245] : memref<819200x64xf32, #tpu.memory_space<hbm>> -> memref<512x64xf32, #tpu.memory_space<hbm>>
    tpu.enqueue_dma source(%arg7 : memref<512x64xf32, #tpu.memory_space<vmem>>) target(%dma_start3A_246 : memref<512x64xf32, #tpu.memory_space<hbm>>) target_semaphore(%arg13 : memref<!tpu.dma_semaphore, #tpu.memory_space<semaphore_mem>>)
    %add3A_247 = arith.constant 5120 : i32
    %add3A_248 = arith.addi %mul3A_2, %add3A_247 : i32
    %dma_wait3A_249 = arith.constant 0 : i32
    %dma_wait3A_250 = tpu.memref_slice %arg4[%add3A_248, %dma_wait3A_249] : memref<819200x64xf32, #tpu.memory_space<hbm>> -> memref<512x64xf32, #tpu.memory_space<hbm>>
    %dma_wait3A_251 = arith.constant 0 : i32
    %dma_wait3A_252 = tpu.memref_slice %arg4[%add3A_248, %dma_wait3A_251] : memref<819200x64xf32, #tpu.memory_space<hbm>> -> memref<512x64xf32, #tpu.memory_space<hbm>>
    tpu.wait_dma2 semaphore(%arg13 : memref<!tpu.dma_semaphore, #tpu.memory_space<semaphore_mem>>) src(%arg7 : memref<512x64xf32, #tpu.memory_space<vmem>>) dst(%dma_wait3A_252 : memref<512x64xf32, #tpu.memory_space<hbm>>)
    %dma_start3A_253 = arith.constant 6656 : i32
    %dma_start3A_254 = tpu.memref_slice %arg5[%dma_start3A_253] : memref<25600xi32, #tpu.memory_space<vmem>> -> memref<512xi32, #tpu.memory_space<vmem>>
    %dma_start3A_255 = arith.constant 0 : i32
    %dma_start3A_256 = arith.constant 0 : i32
    %dma_start3A_257 = tpu.memref_slice %arg2[%dma_start3A_255, %dma_start3A_256] : memref<1000000x64xf32, #tpu.memory_space<hbm>> -> memref<1000000x64xf32, #tpu.memory_space<hbm>>
    tpu.enqueue_indirect_dma source(%dma_start3A_257 : memref<1000000x64xf32, #tpu.memory_space<hbm>>) target(%arg7 : memref<512x64xf32, #tpu.memory_space<vmem>>) offsets(%dma_start3A_254 : memref<512xi32, #tpu.memory_space<vmem>>) semaphore(%arg10 : memref<!tpu.dma_semaphore, #tpu.memory_space<semaphore_mem>>)
    %dma_wait3A_258 = arith.constant 5632 : i32
    %dma_wait3A_259 = tpu.memref_slice %arg5[%dma_wait3A_258] : memref<25600xi32, #tpu.memory_space<vmem>> -> memref<512xi32, #tpu.memory_space<vmem>>
    %dma_wait3A_260 = arith.constant 0 : i32
    %dma_wait3A_261 = arith.constant 0 : i32
    %dma_wait3A_262 = tpu.memref_slice %arg2[%dma_wait3A_260, %dma_wait3A_261] : memref<1000000x64xf32, #tpu.memory_space<hbm>> -> memref<1000000x64xf32, #tpu.memory_space<hbm>>
    tpu.wait_indirect_dma semaphore(%arg11 : memref<!tpu.dma_semaphore, #tpu.memory_space<semaphore_mem>>) src(%dma_wait3A_262 : memref<1000000x64xf32, #tpu.memory_space<hbm>>) dst(%arg8 : memref<512x64xf32, #tpu.memory_space<vmem>>)
    %add3A_263 = arith.constant 5632 : i32
    %add3A_264 = arith.addi %mul3A_2, %add3A_263 : i32
    %dma_start3A_265 = arith.constant 0 : i32
    %dma_start3A_266 = tpu.memref_slice %arg4[%add3A_264, %dma_start3A_265] : memref<819200x64xf32, #tpu.memory_space<hbm>> -> memref<512x64xf32, #tpu.memory_space<hbm>>
    %dma_start3A_267 = arith.constant 0 : i32
    %dma_start3A_268 = tpu.memref_slice %arg4[%add3A_264, %dma_start3A_267] : memref<819200x64xf32, #tpu.memory_space<hbm>> -> memref<512x64xf32, #tpu.memory_space<hbm>>
    tpu.enqueue_dma source(%arg8 : memref<512x64xf32, #tpu.memory_space<vmem>>) target(%dma_start3A_268 : memref<512x64xf32, #tpu.memory_space<hbm>>) target_semaphore(%arg14 : memref<!tpu.dma_semaphore, #tpu.memory_space<semaphore_mem>>)
    %add3A_269 = arith.constant 5632 : i32
    %add3A_270 = arith.addi %mul3A_2, %add3A_269 : i32
    %dma_wait3A_271 = arith.constant 0 : i32
    %dma_wait3A_272 = tpu.memref_slice %arg4[%add3A_270, %dma_wait3A_271] : memref<819200x64xf32, #tpu.memory_space<hbm>> -> memref<512x64xf32, #tpu.memory_space<hbm>>
    %dma_wait3A_273 = arith.constant 0 : i32
    %dma_wait3A_274 = tpu.memref_slice %arg4[%add3A_270, %dma_wait3A_273] : memref<819200x64xf32, #tpu.memory_space<hbm>> -> memref<512x64xf32, #tpu.memory_space<hbm>>
    tpu.wait_dma2 semaphore(%arg14 : memref<!tpu.dma_semaphore, #tpu.memory_space<semaphore_mem>>) src(%arg8 : memref<512x64xf32, #tpu.memory_space<vmem>>) dst(%dma_wait3A_274 : memref<512x64xf32, #tpu.memory_space<hbm>>)
    %dma_start3A_275 = arith.constant 7168 : i32
    %dma_start3A_276 = tpu.memref_slice %arg5[%dma_start3A_275] : memref<25600xi32, #tpu.memory_space<vmem>> -> memref<512xi32, #tpu.memory_space<vmem>>
    %dma_start3A_277 = arith.constant 0 : i32
    %dma_start3A_278 = arith.constant 0 : i32
    %dma_start3A_279 = tpu.memref_slice %arg2[%dma_start3A_277, %dma_start3A_278] : memref<1000000x64xf32, #tpu.memory_space<hbm>> -> memref<1000000x64xf32, #tpu.memory_space<hbm>>
    tpu.enqueue_indirect_dma source(%dma_start3A_279 : memref<1000000x64xf32, #tpu.memory_space<hbm>>) target(%arg8 : memref<512x64xf32, #tpu.memory_space<vmem>>) offsets(%dma_start3A_276 : memref<512xi32, #tpu.memory_space<vmem>>) semaphore(%arg11 : memref<!tpu.dma_semaphore, #tpu.memory_space<semaphore_mem>>)
    %dma_wait3A_280 = arith.constant 6144 : i32
    %dma_wait3A_281 = tpu.memref_slice %arg5[%dma_wait3A_280] : memref<25600xi32, #tpu.memory_space<vmem>> -> memref<512xi32, #tpu.memory_space<vmem>>
    %dma_wait3A_282 = arith.constant 0 : i32
    %dma_wait3A_283 = arith.constant 0 : i32
    %dma_wait3A_284 = tpu.memref_slice %arg2[%dma_wait3A_282, %dma_wait3A_283] : memref<1000000x64xf32, #tpu.memory_space<hbm>> -> memref<1000000x64xf32, #tpu.memory_space<hbm>>
    tpu.wait_indirect_dma semaphore(%arg9 : memref<!tpu.dma_semaphore, #tpu.memory_space<semaphore_mem>>) src(%dma_wait3A_284 : memref<1000000x64xf32, #tpu.memory_space<hbm>>) dst(%arg6 : memref<512x64xf32, #tpu.memory_space<vmem>>)
    %add3A_285 = arith.constant 6144 : i32
    %add3A_286 = arith.addi %mul3A_2, %add3A_285 : i32
    %dma_start3A_287 = arith.constant 0 : i32
    %dma_start3A_288 = tpu.memref_slice %arg4[%add3A_286, %dma_start3A_287] : memref<819200x64xf32, #tpu.memory_space<hbm>> -> memref<512x64xf32, #tpu.memory_space<hbm>>
    %dma_start3A_289 = arith.constant 0 : i32
    %dma_start3A_290 = tpu.memref_slice %arg4[%add3A_286, %dma_start3A_289] : memref<819200x64xf32, #tpu.memory_space<hbm>> -> memref<512x64xf32, #tpu.memory_space<hbm>>
    tpu.enqueue_dma source(%arg6 : memref<512x64xf32, #tpu.memory_space<vmem>>) target(%dma_start3A_290 : memref<512x64xf32, #tpu.memory_space<hbm>>) target_semaphore(%arg12 : memref<!tpu.dma_semaphore, #tpu.memory_space<semaphore_mem>>)
    %add3A_291 = arith.constant 6144 : i32
    %add3A_292 = arith.addi %mul3A_2, %add3A_291 : i32
    %dma_wait3A_293 = arith.constant 0 : i32
    %dma_wait3A_294 = tpu.memref_slice %arg4[%add3A_292, %dma_wait3A_293] : memref<819200x64xf32, #tpu.memory_space<hbm>> -> memref<512x64xf32, #tpu.memory_space<hbm>>
    %dma_wait3A_295 = arith.constant 0 : i32
    %dma_wait3A_296 = tpu.memref_slice %arg4[%add3A_292, %dma_wait3A_295] : memref<819200x64xf32, #tpu.memory_space<hbm>> -> memref<512x64xf32, #tpu.memory_space<hbm>>
    tpu.wait_dma2 semaphore(%arg12 : memref<!tpu.dma_semaphore, #tpu.memory_space<semaphore_mem>>) src(%arg6 : memref<512x64xf32, #tpu.memory_space<vmem>>) dst(%dma_wait3A_296 : memref<512x64xf32, #tpu.memory_space<hbm>>)
    %dma_start3A_297 = arith.constant 7680 : i32
    %dma_start3A_298 = tpu.memref_slice %arg5[%dma_start3A_297] : memref<25600xi32, #tpu.memory_space<vmem>> -> memref<512xi32, #tpu.memory_space<vmem>>
    %dma_start3A_299 = arith.constant 0 : i32
    %dma_start3A_300 = arith.constant 0 : i32
    %dma_start3A_301 = tpu.memref_slice %arg2[%dma_start3A_299, %dma_start3A_300] : memref<1000000x64xf32, #tpu.memory_space<hbm>> -> memref<1000000x64xf32, #tpu.memory_space<hbm>>
    tpu.enqueue_indirect_dma source(%dma_start3A_301 : memref<1000000x64xf32, #tpu.memory_space<hbm>>) target(%arg6 : memref<512x64xf32, #tpu.memory_space<vmem>>) offsets(%dma_start3A_298 : memref<512xi32, #tpu.memory_space<vmem>>) semaphore(%arg9 : memref<!tpu.dma_semaphore, #tpu.memory_space<semaphore_mem>>)
    %dma_wait3A_302 = arith.constant 6656 : i32
    %dma_wait3A_303 = tpu.memref_slice %arg5[%dma_wait3A_302] : memref<25600xi32, #tpu.memory_space<vmem>> -> memref<512xi32, #tpu.memory_space<vmem>>
    %dma_wait3A_304 = arith.constant 0 : i32
    %dma_wait3A_305 = arith.constant 0 : i32
    %dma_wait3A_306 = tpu.memref_slice %arg2[%dma_wait3A_304, %dma_wait3A_305] : memref<1000000x64xf32, #tpu.memory_space<hbm>> -> memref<1000000x64xf32, #tpu.memory_space<hbm>>
    tpu.wait_indirect_dma semaphore(%arg10 : memref<!tpu.dma_semaphore, #tpu.memory_space<semaphore_mem>>) src(%dma_wait3A_306 : memref<1000000x64xf32, #tpu.memory_space<hbm>>) dst(%arg7 : memref<512x64xf32, #tpu.memory_space<vmem>>)
    %add3A_307 = arith.constant 6656 : i32
    %add3A_308 = arith.addi %mul3A_2, %add3A_307 : i32
    %dma_start3A_309 = arith.constant 0 : i32
    %dma_start3A_310 = tpu.memref_slice %arg4[%add3A_308, %dma_start3A_309] : memref<819200x64xf32, #tpu.memory_space<hbm>> -> memref<512x64xf32, #tpu.memory_space<hbm>>
    %dma_start3A_311 = arith.constant 0 : i32
    %dma_start3A_312 = tpu.memref_slice %arg4[%add3A_308, %dma_start3A_311] : memref<819200x64xf32, #tpu.memory_space<hbm>> -> memref<512x64xf32, #tpu.memory_space<hbm>>
    tpu.enqueue_dma source(%arg7 : memref<512x64xf32, #tpu.memory_space<vmem>>) target(%dma_start3A_312 : memref<512x64xf32, #tpu.memory_space<hbm>>) target_semaphore(%arg13 : memref<!tpu.dma_semaphore, #tpu.memory_space<semaphore_mem>>)
    %add3A_313 = arith.constant 6656 : i32
    %add3A_314 = arith.addi %mul3A_2, %add3A_313 : i32
    %dma_wait3A_315 = arith.constant 0 : i32
    %dma_wait3A_316 = tpu.memref_slice %arg4[%add3A_314, %dma_wait3A_315] : memref<819200x64xf32, #tpu.memory_space<hbm>> -> memref<512x64xf32, #tpu.memory_space<hbm>>
    %dma_wait3A_317 = arith.constant 0 : i32
    %dma_wait3A_318 = tpu.memref_slice %arg4[%add3A_314, %dma_wait3A_317] : memref<819200x64xf32, #tpu.memory_space<hbm>> -> memref<512x64xf32, #tpu.memory_space<hbm>>
    tpu.wait_dma2 semaphore(%arg13 : memref<!tpu.dma_semaphore, #tpu.memory_space<semaphore_mem>>) src(%arg7 : memref<512x64xf32, #tpu.memory_space<vmem>>) dst(%dma_wait3A_318 : memref<512x64xf32, #tpu.memory_space<hbm>>)
    %dma_start3A_319 = arith.constant 8192 : i32
    %dma_start3A_320 = tpu.memref_slice %arg5[%dma_start3A_319] : memref<25600xi32, #tpu.memory_space<vmem>> -> memref<512xi32, #tpu.memory_space<vmem>>
    %dma_start3A_321 = arith.constant 0 : i32
    %dma_start3A_322 = arith.constant 0 : i32
    %dma_start3A_323 = tpu.memref_slice %arg2[%dma_start3A_321, %dma_start3A_322] : memref<1000000x64xf32, #tpu.memory_space<hbm>> -> memref<1000000x64xf32, #tpu.memory_space<hbm>>
    tpu.enqueue_indirect_dma source(%dma_start3A_323 : memref<1000000x64xf32, #tpu.memory_space<hbm>>) target(%arg7 : memref<512x64xf32, #tpu.memory_space<vmem>>) offsets(%dma_start3A_320 : memref<512xi32, #tpu.memory_space<vmem>>) semaphore(%arg10 : memref<!tpu.dma_semaphore, #tpu.memory_space<semaphore_mem>>)
    %dma_wait3A_324 = arith.constant 7168 : i32
    %dma_wait3A_325 = tpu.memref_slice %arg5[%dma_wait3A_324] : memref<25600xi32, #tpu.memory_space<vmem>> -> memref<512xi32, #tpu.memory_space<vmem>>
    %dma_wait3A_326 = arith.constant 0 : i32
    %dma_wait3A_327 = arith.constant 0 : i32
    %dma_wait3A_328 = tpu.memref_slice %arg2[%dma_wait3A_326, %dma_wait3A_327] : memref<1000000x64xf32, #tpu.memory_space<hbm>> -> memref<1000000x64xf32, #tpu.memory_space<hbm>>
    tpu.wait_indirect_dma semaphore(%arg11 : memref<!tpu.dma_semaphore, #tpu.memory_space<semaphore_mem>>) src(%dma_wait3A_328 : memref<1000000x64xf32, #tpu.memory_space<hbm>>) dst(%arg8 : memref<512x64xf32, #tpu.memory_space<vmem>>)
    %add3A_329 = arith.constant 7168 : i32
    %add3A_330 = arith.addi %mul3A_2, %add3A_329 : i32
    %dma_start3A_331 = arith.constant 0 : i32
    %dma_start3A_332 = tpu.memref_slice %arg4[%add3A_330, %dma_start3A_331] : memref<819200x64xf32, #tpu.memory_space<hbm>> -> memref<512x64xf32, #tpu.memory_space<hbm>>
    %dma_start3A_333 = arith.constant 0 : i32
    %dma_start3A_334 = tpu.memref_slice %arg4[%add3A_330, %dma_start3A_333] : memref<819200x64xf32, #tpu.memory_space<hbm>> -> memref<512x64xf32, #tpu.memory_space<hbm>>
    tpu.enqueue_dma source(%arg8 : memref<512x64xf32, #tpu.memory_space<vmem>>) target(%dma_start3A_334 : memref<512x64xf32, #tpu.memory_space<hbm>>) target_semaphore(%arg14 : memref<!tpu.dma_semaphore, #tpu.memory_space<semaphore_mem>>)
    %add3A_335 = arith.constant 7168 : i32
    %add3A_336 = arith.addi %mul3A_2, %add3A_335 : i32
    %dma_wait3A_337 = arith.constant 0 : i32
    %dma_wait3A_338 = tpu.memref_slice %arg4[%add3A_336, %dma_wait3A_337] : memref<819200x64xf32, #tpu.memory_space<hbm>> -> memref<512x64xf32, #tpu.memory_space<hbm>>
    %dma_wait3A_339 = arith.constant 0 : i32
    %dma_wait3A_340 = tpu.memref_slice %arg4[%add3A_336, %dma_wait3A_339] : memref<819200x64xf32, #tpu.memory_space<hbm>> -> memref<512x64xf32, #tpu.memory_space<hbm>>
    tpu.wait_dma2 semaphore(%arg14 : memref<!tpu.dma_semaphore, #tpu.memory_space<semaphore_mem>>) src(%arg8 : memref<512x64xf32, #tpu.memory_space<vmem>>) dst(%dma_wait3A_340 : memref<512x64xf32, #tpu.memory_space<hbm>>)
    %dma_start3A_341 = arith.constant 8704 : i32
    %dma_start3A_342 = tpu.memref_slice %arg5[%dma_start3A_341] : memref<25600xi32, #tpu.memory_space<vmem>> -> memref<512xi32, #tpu.memory_space<vmem>>
    %dma_start3A_343 = arith.constant 0 : i32
    %dma_start3A_344 = arith.constant 0 : i32
    %dma_start3A_345 = tpu.memref_slice %arg2[%dma_start3A_343, %dma_start3A_344] : memref<1000000x64xf32, #tpu.memory_space<hbm>> -> memref<1000000x64xf32, #tpu.memory_space<hbm>>
    tpu.enqueue_indirect_dma source(%dma_start3A_345 : memref<1000000x64xf32, #tpu.memory_space<hbm>>) target(%arg8 : memref<512x64xf32, #tpu.memory_space<vmem>>) offsets(%dma_start3A_342 : memref<512xi32, #tpu.memory_space<vmem>>) semaphore(%arg11 : memref<!tpu.dma_semaphore, #tpu.memory_space<semaphore_mem>>)
    %dma_wait3A_346 = arith.constant 7680 : i32
    %dma_wait3A_347 = tpu.memref_slice %arg5[%dma_wait3A_346] : memref<25600xi32, #tpu.memory_space<vmem>> -> memref<512xi32, #tpu.memory_space<vmem>>
    %dma_wait3A_348 = arith.constant 0 : i32
    %dma_wait3A_349 = arith.constant 0 : i32
    %dma_wait3A_350 = tpu.memref_slice %arg2[%dma_wait3A_348, %dma_wait3A_349] : memref<1000000x64xf32, #tpu.memory_space<hbm>> -> memref<1000000x64xf32, #tpu.memory_space<hbm>>
    tpu.wait_indirect_dma semaphore(%arg9 : memref<!tpu.dma_semaphore, #tpu.memory_space<semaphore_mem>>) src(%dma_wait3A_350 : memref<1000000x64xf32, #tpu.memory_space<hbm>>) dst(%arg6 : memref<512x64xf32, #tpu.memory_space<vmem>>)
    %add3A_351 = arith.constant 7680 : i32
    %add3A_352 = arith.addi %mul3A_2, %add3A_351 : i32
    %dma_start3A_353 = arith.constant 0 : i32
    %dma_start3A_354 = tpu.memref_slice %arg4[%add3A_352, %dma_start3A_353] : memref<819200x64xf32, #tpu.memory_space<hbm>> -> memref<512x64xf32, #tpu.memory_space<hbm>>
    %dma_start3A_355 = arith.constant 0 : i32
    %dma_start3A_356 = tpu.memref_slice %arg4[%add3A_352, %dma_start3A_355] : memref<819200x64xf32, #tpu.memory_space<hbm>> -> memref<512x64xf32, #tpu.memory_space<hbm>>
    tpu.enqueue_dma source(%arg6 : memref<512x64xf32, #tpu.memory_space<vmem>>) target(%dma_start3A_356 : memref<512x64xf32, #tpu.memory_space<hbm>>) target_semaphore(%arg12 : memref<!tpu.dma_semaphore, #tpu.memory_space<semaphore_mem>>)
    %add3A_357 = arith.constant 7680 : i32
    %add3A_358 = arith.addi %mul3A_2, %add3A_357 : i32
    %dma_wait3A_359 = arith.constant 0 : i32
    %dma_wait3A_360 = tpu.memref_slice %arg4[%add3A_358, %dma_wait3A_359] : memref<819200x64xf32, #tpu.memory_space<hbm>> -> memref<512x64xf32, #tpu.memory_space<hbm>>
    %dma_wait3A_361 = arith.constant 0 : i32
    %dma_wait3A_362 = tpu.memref_slice %arg4[%add3A_358, %dma_wait3A_361] : memref<819200x64xf32, #tpu.memory_space<hbm>> -> memref<512x64xf32, #tpu.memory_space<hbm>>
    tpu.wait_dma2 semaphore(%arg12 : memref<!tpu.dma_semaphore, #tpu.memory_space<semaphore_mem>>) src(%arg6 : memref<512x64xf32, #tpu.memory_space<vmem>>) dst(%dma_wait3A_362 : memref<512x64xf32, #tpu.memory_space<hbm>>)
    %dma_start3A_363 = arith.constant 9216 : i32
    %dma_start3A_364 = tpu.memref_slice %arg5[%dma_start3A_363] : memref<25600xi32, #tpu.memory_space<vmem>> -> memref<512xi32, #tpu.memory_space<vmem>>
    %dma_start3A_365 = arith.constant 0 : i32
    %dma_start3A_366 = arith.constant 0 : i32
    %dma_start3A_367 = tpu.memref_slice %arg2[%dma_start3A_365, %dma_start3A_366] : memref<1000000x64xf32, #tpu.memory_space<hbm>> -> memref<1000000x64xf32, #tpu.memory_space<hbm>>
    tpu.enqueue_indirect_dma source(%dma_start3A_367 : memref<1000000x64xf32, #tpu.memory_space<hbm>>) target(%arg6 : memref<512x64xf32, #tpu.memory_space<vmem>>) offsets(%dma_start3A_364 : memref<512xi32, #tpu.memory_space<vmem>>) semaphore(%arg9 : memref<!tpu.dma_semaphore, #tpu.memory_space<semaphore_mem>>)
    %dma_wait3A_368 = arith.constant 8192 : i32
    %dma_wait3A_369 = tpu.memref_slice %arg5[%dma_wait3A_368] : memref<25600xi32, #tpu.memory_space<vmem>> -> memref<512xi32, #tpu.memory_space<vmem>>
    %dma_wait3A_370 = arith.constant 0 : i32
    %dma_wait3A_371 = arith.constant 0 : i32
    %dma_wait3A_372 = tpu.memref_slice %arg2[%dma_wait3A_370, %dma_wait3A_371] : memref<1000000x64xf32, #tpu.memory_space<hbm>> -> memref<1000000x64xf32, #tpu.memory_space<hbm>>
    tpu.wait_indirect_dma semaphore(%arg10 : memref<!tpu.dma_semaphore, #tpu.memory_space<semaphore_mem>>) src(%dma_wait3A_372 : memref<1000000x64xf32, #tpu.memory_space<hbm>>) dst(%arg7 : memref<512x64xf32, #tpu.memory_space<vmem>>)
    %add3A_373 = arith.constant 8192 : i32
    %add3A_374 = arith.addi %mul3A_2, %add3A_373 : i32
    %dma_start3A_375 = arith.constant 0 : i32
    %dma_start3A_376 = tpu.memref_slice %arg4[%add3A_374, %dma_start3A_375] : memref<819200x64xf32, #tpu.memory_space<hbm>> -> memref<512x64xf32, #tpu.memory_space<hbm>>
    %dma_start3A_377 = arith.constant 0 : i32
    %dma_start3A_378 = tpu.memref_slice %arg4[%add3A_374, %dma_start3A_377] : memref<819200x64xf32, #tpu.memory_space<hbm>> -> memref<512x64xf32, #tpu.memory_space<hbm>>
    tpu.enqueue_dma source(%arg7 : memref<512x64xf32, #tpu.memory_space<vmem>>) target(%dma_start3A_378 : memref<512x64xf32, #tpu.memory_space<hbm>>) target_semaphore(%arg13 : memref<!tpu.dma_semaphore, #tpu.memory_space<semaphore_mem>>)
    %add3A_379 = arith.constant 8192 : i32
    %add3A_380 = arith.addi %mul3A_2, %add3A_379 : i32
    %dma_wait3A_381 = arith.constant 0 : i32
    %dma_wait3A_382 = tpu.memref_slice %arg4[%add3A_380, %dma_wait3A_381] : memref<819200x64xf32, #tpu.memory_space<hbm>> -> memref<512x64xf32, #tpu.memory_space<hbm>>
    %dma_wait3A_383 = arith.constant 0 : i32
    %dma_wait3A_384 = tpu.memref_slice %arg4[%add3A_380, %dma_wait3A_383] : memref<819200x64xf32, #tpu.memory_space<hbm>> -> memref<512x64xf32, #tpu.memory_space<hbm>>
    tpu.wait_dma2 semaphore(%arg13 : memref<!tpu.dma_semaphore, #tpu.memory_space<semaphore_mem>>) src(%arg7 : memref<512x64xf32, #tpu.memory_space<vmem>>) dst(%dma_wait3A_384 : memref<512x64xf32, #tpu.memory_space<hbm>>)
    %dma_start3A_385 = arith.constant 9728 : i32
    %dma_start3A_386 = tpu.memref_slice %arg5[%dma_start3A_385] : memref<25600xi32, #tpu.memory_space<vmem>> -> memref<512xi32, #tpu.memory_space<vmem>>
    %dma_start3A_387 = arith.constant 0 : i32
    %dma_start3A_388 = arith.constant 0 : i32
    %dma_start3A_389 = tpu.memref_slice %arg2[%dma_start3A_387, %dma_start3A_388] : memref<1000000x64xf32, #tpu.memory_space<hbm>> -> memref<1000000x64xf32, #tpu.memory_space<hbm>>
    tpu.enqueue_indirect_dma source(%dma_start3A_389 : memref<1000000x64xf32, #tpu.memory_space<hbm>>) target(%arg7 : memref<512x64xf32, #tpu.memory_space<vmem>>) offsets(%dma_start3A_386 : memref<512xi32, #tpu.memory_space<vmem>>) semaphore(%arg10 : memref<!tpu.dma_semaphore, #tpu.memory_space<semaphore_mem>>)
    %dma_wait3A_390 = arith.constant 8704 : i32
    %dma_wait3A_391 = tpu.memref_slice %arg5[%dma_wait3A_390] : memref<25600xi32, #tpu.memory_space<vmem>> -> memref<512xi32, #tpu.memory_space<vmem>>
    %dma_wait3A_392 = arith.constant 0 : i32
    %dma_wait3A_393 = arith.constant 0 : i32
    %dma_wait3A_394 = tpu.memref_slice %arg2[%dma_wait3A_392, %dma_wait3A_393] : memref<1000000x64xf32, #tpu.memory_space<hbm>> -> memref<1000000x64xf32, #tpu.memory_space<hbm>>
    tpu.wait_indirect_dma semaphore(%arg11 : memref<!tpu.dma_semaphore, #tpu.memory_space<semaphore_mem>>) src(%dma_wait3A_394 : memref<1000000x64xf32, #tpu.memory_space<hbm>>) dst(%arg8 : memref<512x64xf32, #tpu.memory_space<vmem>>)
    %add3A_395 = arith.constant 8704 : i32
    %add3A_396 = arith.addi %mul3A_2, %add3A_395 : i32
    %dma_start3A_397 = arith.constant 0 : i32
    %dma_start3A_398 = tpu.memref_slice %arg4[%add3A_396, %dma_start3A_397] : memref<819200x64xf32, #tpu.memory_space<hbm>> -> memref<512x64xf32, #tpu.memory_space<hbm>>
    %dma_start3A_399 = arith.constant 0 : i32
    %dma_start3A_400 = tpu.memref_slice %arg4[%add3A_396, %dma_start3A_399] : memref<819200x64xf32, #tpu.memory_space<hbm>> -> memref<512x64xf32, #tpu.memory_space<hbm>>
    tpu.enqueue_dma source(%arg8 : memref<512x64xf32, #tpu.memory_space<vmem>>) target(%dma_start3A_400 : memref<512x64xf32, #tpu.memory_space<hbm>>) target_semaphore(%arg14 : memref<!tpu.dma_semaphore, #tpu.memory_space<semaphore_mem>>)
    %add3A_401 = arith.constant 8704 : i32
    %add3A_402 = arith.addi %mul3A_2, %add3A_401 : i32
    %dma_wait3A_403 = arith.constant 0 : i32
    %dma_wait3A_404 = tpu.memref_slice %arg4[%add3A_402, %dma_wait3A_403] : memref<819200x64xf32, #tpu.memory_space<hbm>> -> memref<512x64xf32, #tpu.memory_space<hbm>>
    %dma_wait3A_405 = arith.constant 0 : i32
    %dma_wait3A_406 = tpu.memref_slice %arg4[%add3A_402, %dma_wait3A_405] : memref<819200x64xf32, #tpu.memory_space<hbm>> -> memref<512x64xf32, #tpu.memory_space<hbm>>
    tpu.wait_dma2 semaphore(%arg14 : memref<!tpu.dma_semaphore, #tpu.memory_space<semaphore_mem>>) src(%arg8 : memref<512x64xf32, #tpu.memory_space<vmem>>) dst(%dma_wait3A_406 : memref<512x64xf32, #tpu.memory_space<hbm>>)
    %dma_start3A_407 = arith.constant 10240 : i32
    %dma_start3A_408 = tpu.memref_slice %arg5[%dma_start3A_407] : memref<25600xi32, #tpu.memory_space<vmem>> -> memref<512xi32, #tpu.memory_space<vmem>>
    %dma_start3A_409 = arith.constant 0 : i32
    %dma_start3A_410 = arith.constant 0 : i32
    %dma_start3A_411 = tpu.memref_slice %arg2[%dma_start3A_409, %dma_start3A_410] : memref<1000000x64xf32, #tpu.memory_space<hbm>> -> memref<1000000x64xf32, #tpu.memory_space<hbm>>
    tpu.enqueue_indirect_dma source(%dma_start3A_411 : memref<1000000x64xf32, #tpu.memory_space<hbm>>) target(%arg8 : memref<512x64xf32, #tpu.memory_space<vmem>>) offsets(%dma_start3A_408 : memref<512xi32, #tpu.memory_space<vmem>>) semaphore(%arg11 : memref<!tpu.dma_semaphore, #tpu.memory_space<semaphore_mem>>)
    %dma_wait3A_412 = arith.constant 9216 : i32
    %dma_wait3A_413 = tpu.memref_slice %arg5[%dma_wait3A_412] : memref<25600xi32, #tpu.memory_space<vmem>> -> memref<512xi32, #tpu.memory_space<vmem>>
    %dma_wait3A_414 = arith.constant 0 : i32
    %dma_wait3A_415 = arith.constant 0 : i32
    %dma_wait3A_416 = tpu.memref_slice %arg2[%dma_wait3A_414, %dma_wait3A_415] : memref<1000000x64xf32, #tpu.memory_space<hbm>> -> memref<1000000x64xf32, #tpu.memory_space<hbm>>
    tpu.wait_indirect_dma semaphore(%arg9 : memref<!tpu.dma_semaphore, #tpu.memory_space<semaphore_mem>>) src(%dma_wait3A_416 : memref<1000000x64xf32, #tpu.memory_space<hbm>>) dst(%arg6 : memref<512x64xf32, #tpu.memory_space<vmem>>)
    %add3A_417 = arith.constant 9216 : i32
    %add3A_418 = arith.addi %mul3A_2, %add3A_417 : i32
    %dma_start3A_419 = arith.constant 0 : i32
    %dma_start3A_420 = tpu.memref_slice %arg4[%add3A_418, %dma_start3A_419] : memref<819200x64xf32, #tpu.memory_space<hbm>> -> memref<512x64xf32, #tpu.memory_space<hbm>>
    %dma_start3A_421 = arith.constant 0 : i32
    %dma_start3A_422 = tpu.memref_slice %arg4[%add3A_418, %dma_start3A_421] : memref<819200x64xf32, #tpu.memory_space<hbm>> -> memref<512x64xf32, #tpu.memory_space<hbm>>
    tpu.enqueue_dma source(%arg6 : memref<512x64xf32, #tpu.memory_space<vmem>>) target(%dma_start3A_422 : memref<512x64xf32, #tpu.memory_space<hbm>>) target_semaphore(%arg12 : memref<!tpu.dma_semaphore, #tpu.memory_space<semaphore_mem>>)
    %add3A_423 = arith.constant 9216 : i32
    %add3A_424 = arith.addi %mul3A_2, %add3A_423 : i32
    %dma_wait3A_425 = arith.constant 0 : i32
    %dma_wait3A_426 = tpu.memref_slice %arg4[%add3A_424, %dma_wait3A_425] : memref<819200x64xf32, #tpu.memory_space<hbm>> -> memref<512x64xf32, #tpu.memory_space<hbm>>
    %dma_wait3A_427 = arith.constant 0 : i32
    %dma_wait3A_428 = tpu.memref_slice %arg4[%add3A_424, %dma_wait3A_427] : memref<819200x64xf32, #tpu.memory_space<hbm>> -> memref<512x64xf32, #tpu.memory_space<hbm>>
    tpu.wait_dma2 semaphore(%arg12 : memref<!tpu.dma_semaphore, #tpu.memory_space<semaphore_mem>>) src(%arg6 : memref<512x64xf32, #tpu.memory_space<vmem>>) dst(%dma_wait3A_428 : memref<512x64xf32, #tpu.memory_space<hbm>>)
    %dma_start3A_429 = arith.constant 10752 : i32
    %dma_start3A_430 = tpu.memref_slice %arg5[%dma_start3A_429] : memref<25600xi32, #tpu.memory_space<vmem>> -> memref<512xi32, #tpu.memory_space<vmem>>
    %dma_start3A_431 = arith.constant 0 : i32
    %dma_start3A_432 = arith.constant 0 : i32
    %dma_start3A_433 = tpu.memref_slice %arg2[%dma_start3A_431, %dma_start3A_432] : memref<1000000x64xf32, #tpu.memory_space<hbm>> -> memref<1000000x64xf32, #tpu.memory_space<hbm>>
    tpu.enqueue_indirect_dma source(%dma_start3A_433 : memref<1000000x64xf32, #tpu.memory_space<hbm>>) target(%arg6 : memref<512x64xf32, #tpu.memory_space<vmem>>) offsets(%dma_start3A_430 : memref<512xi32, #tpu.memory_space<vmem>>) semaphore(%arg9 : memref<!tpu.dma_semaphore, #tpu.memory_space<semaphore_mem>>)
    %dma_wait3A_434 = arith.constant 9728 : i32
    %dma_wait3A_435 = tpu.memref_slice %arg5[%dma_wait3A_434] : memref<25600xi32, #tpu.memory_space<vmem>> -> memref<512xi32, #tpu.memory_space<vmem>>
    %dma_wait3A_436 = arith.constant 0 : i32
    %dma_wait3A_437 = arith.constant 0 : i32
    %dma_wait3A_438 = tpu.memref_slice %arg2[%dma_wait3A_436, %dma_wait3A_437] : memref<1000000x64xf32, #tpu.memory_space<hbm>> -> memref<1000000x64xf32, #tpu.memory_space<hbm>>
    tpu.wait_indirect_dma semaphore(%arg10 : memref<!tpu.dma_semaphore, #tpu.memory_space<semaphore_mem>>) src(%dma_wait3A_438 : memref<1000000x64xf32, #tpu.memory_space<hbm>>) dst(%arg7 : memref<512x64xf32, #tpu.memory_space<vmem>>)
    %add3A_439 = arith.constant 9728 : i32
    %add3A_440 = arith.addi %mul3A_2, %add3A_439 : i32
    %dma_start3A_441 = arith.constant 0 : i32
    %dma_start3A_442 = tpu.memref_slice %arg4[%add3A_440, %dma_start3A_441] : memref<819200x64xf32, #tpu.memory_space<hbm>> -> memref<512x64xf32, #tpu.memory_space<hbm>>
    %dma_start3A_443 = arith.constant 0 : i32
    %dma_start3A_444 = tpu.memref_slice %arg4[%add3A_440, %dma_start3A_443] : memref<819200x64xf32, #tpu.memory_space<hbm>> -> memref<512x64xf32, #tpu.memory_space<hbm>>
    tpu.enqueue_dma source(%arg7 : memref<512x64xf32, #tpu.memory_space<vmem>>) target(%dma_start3A_444 : memref<512x64xf32, #tpu.memory_space<hbm>>) target_semaphore(%arg13 : memref<!tpu.dma_semaphore, #tpu.memory_space<semaphore_mem>>)
    %add3A_445 = arith.constant 9728 : i32
    %add3A_446 = arith.addi %mul3A_2, %add3A_445 : i32
    %dma_wait3A_447 = arith.constant 0 : i32
    %dma_wait3A_448 = tpu.memref_slice %arg4[%add3A_446, %dma_wait3A_447] : memref<819200x64xf32, #tpu.memory_space<hbm>> -> memref<512x64xf32, #tpu.memory_space<hbm>>
    %dma_wait3A_449 = arith.constant 0 : i32
    %dma_wait3A_450 = tpu.memref_slice %arg4[%add3A_446, %dma_wait3A_449] : memref<819200x64xf32, #tpu.memory_space<hbm>> -> memref<512x64xf32, #tpu.memory_space<hbm>>
    tpu.wait_dma2 semaphore(%arg13 : memref<!tpu.dma_semaphore, #tpu.memory_space<semaphore_mem>>) src(%arg7 : memref<512x64xf32, #tpu.memory_space<vmem>>) dst(%dma_wait3A_450 : memref<512x64xf32, #tpu.memory_space<hbm>>)
    %dma_start3A_451 = arith.constant 11264 : i32
    %dma_start3A_452 = tpu.memref_slice %arg5[%dma_start3A_451] : memref<25600xi32, #tpu.memory_space<vmem>> -> memref<512xi32, #tpu.memory_space<vmem>>
    %dma_start3A_453 = arith.constant 0 : i32
    %dma_start3A_454 = arith.constant 0 : i32
    %dma_start3A_455 = tpu.memref_slice %arg2[%dma_start3A_453, %dma_start3A_454] : memref<1000000x64xf32, #tpu.memory_space<hbm>> -> memref<1000000x64xf32, #tpu.memory_space<hbm>>
    tpu.enqueue_indirect_dma source(%dma_start3A_455 : memref<1000000x64xf32, #tpu.memory_space<hbm>>) target(%arg7 : memref<512x64xf32, #tpu.memory_space<vmem>>) offsets(%dma_start3A_452 : memref<512xi32, #tpu.memory_space<vmem>>) semaphore(%arg10 : memref<!tpu.dma_semaphore, #tpu.memory_space<semaphore_mem>>)
    %dma_wait3A_456 = arith.constant 10240 : i32
    %dma_wait3A_457 = tpu.memref_slice %arg5[%dma_wait3A_456] : memref<25600xi32, #tpu.memory_space<vmem>> -> memref<512xi32, #tpu.memory_space<vmem>>
    %dma_wait3A_458 = arith.constant 0 : i32
    %dma_wait3A_459 = arith.constant 0 : i32
    %dma_wait3A_460 = tpu.memref_slice %arg2[%dma_wait3A_458, %dma_wait3A_459] : memref<1000000x64xf32, #tpu.memory_space<hbm>> -> memref<1000000x64xf32, #tpu.memory_space<hbm>>
    tpu.wait_indirect_dma semaphore(%arg11 : memref<!tpu.dma_semaphore, #tpu.memory_space<semaphore_mem>>) src(%dma_wait3A_460 : memref<1000000x64xf32, #tpu.memory_space<hbm>>) dst(%arg8 : memref<512x64xf32, #tpu.memory_space<vmem>>)
    %add3A_461 = arith.constant 10240 : i32
    %add3A_462 = arith.addi %mul3A_2, %add3A_461 : i32
    %dma_start3A_463 = arith.constant 0 : i32
    %dma_start3A_464 = tpu.memref_slice %arg4[%add3A_462, %dma_start3A_463] : memref<819200x64xf32, #tpu.memory_space<hbm>> -> memref<512x64xf32, #tpu.memory_space<hbm>>
    %dma_start3A_465 = arith.constant 0 : i32
    %dma_start3A_466 = tpu.memref_slice %arg4[%add3A_462, %dma_start3A_465] : memref<819200x64xf32, #tpu.memory_space<hbm>> -> memref<512x64xf32, #tpu.memory_space<hbm>>
    tpu.enqueue_dma source(%arg8 : memref<512x64xf32, #tpu.memory_space<vmem>>) target(%dma_start3A_466 : memref<512x64xf32, #tpu.memory_space<hbm>>) target_semaphore(%arg14 : memref<!tpu.dma_semaphore, #tpu.memory_space<semaphore_mem>>)
    %add3A_467 = arith.constant 10240 : i32
    %add3A_468 = arith.addi %mul3A_2, %add3A_467 : i32
    %dma_wait3A_469 = arith.constant 0 : i32
    %dma_wait3A_470 = tpu.memref_slice %arg4[%add3A_468, %dma_wait3A_469] : memref<819200x64xf32, #tpu.memory_space<hbm>> -> memref<512x64xf32, #tpu.memory_space<hbm>>
    %dma_wait3A_471 = arith.constant 0 : i32
    %dma_wait3A_472 = tpu.memref_slice %arg4[%add3A_468, %dma_wait3A_471] : memref<819200x64xf32, #tpu.memory_space<hbm>> -> memref<512x64xf32, #tpu.memory_space<hbm>>
    tpu.wait_dma2 semaphore(%arg14 : memref<!tpu.dma_semaphore, #tpu.memory_space<semaphore_mem>>) src(%arg8 : memref<512x64xf32, #tpu.memory_space<vmem>>) dst(%dma_wait3A_472 : memref<512x64xf32, #tpu.memory_space<hbm>>)
    %dma_start3A_473 = arith.constant 11776 : i32
    %dma_start3A_474 = tpu.memref_slice %arg5[%dma_start3A_473] : memref<25600xi32, #tpu.memory_space<vmem>> -> memref<512xi32, #tpu.memory_space<vmem>>
    %dma_start3A_475 = arith.constant 0 : i32
    %dma_start3A_476 = arith.constant 0 : i32
    %dma_start3A_477 = tpu.memref_slice %arg2[%dma_start3A_475, %dma_start3A_476] : memref<1000000x64xf32, #tpu.memory_space<hbm>> -> memref<1000000x64xf32, #tpu.memory_space<hbm>>
    tpu.enqueue_indirect_dma source(%dma_start3A_477 : memref<1000000x64xf32, #tpu.memory_space<hbm>>) target(%arg8 : memref<512x64xf32, #tpu.memory_space<vmem>>) offsets(%dma_start3A_474 : memref<512xi32, #tpu.memory_space<vmem>>) semaphore(%arg11 : memref<!tpu.dma_semaphore, #tpu.memory_space<semaphore_mem>>)
    %dma_wait3A_478 = arith.constant 10752 : i32
    %dma_wait3A_479 = tpu.memref_slice %arg5[%dma_wait3A_478] : memref<25600xi32, #tpu.memory_space<vmem>> -> memref<512xi32, #tpu.memory_space<vmem>>
    %dma_wait3A_480 = arith.constant 0 : i32
    %dma_wait3A_481 = arith.constant 0 : i32
    %dma_wait3A_482 = tpu.memref_slice %arg2[%dma_wait3A_480, %dma_wait3A_481] : memref<1000000x64xf32, #tpu.memory_space<hbm>> -> memref<1000000x64xf32, #tpu.memory_space<hbm>>
    tpu.wait_indirect_dma semaphore(%arg9 : memref<!tpu.dma_semaphore, #tpu.memory_space<semaphore_mem>>) src(%dma_wait3A_482 : memref<1000000x64xf32, #tpu.memory_space<hbm>>) dst(%arg6 : memref<512x64xf32, #tpu.memory_space<vmem>>)
    %add3A_483 = arith.constant 10752 : i32
    %add3A_484 = arith.addi %mul3A_2, %add3A_483 : i32
    %dma_start3A_485 = arith.constant 0 : i32
    %dma_start3A_486 = tpu.memref_slice %arg4[%add3A_484, %dma_start3A_485] : memref<819200x64xf32, #tpu.memory_space<hbm>> -> memref<512x64xf32, #tpu.memory_space<hbm>>
    %dma_start3A_487 = arith.constant 0 : i32
    %dma_start3A_488 = tpu.memref_slice %arg4[%add3A_484, %dma_start3A_487] : memref<819200x64xf32, #tpu.memory_space<hbm>> -> memref<512x64xf32, #tpu.memory_space<hbm>>
    tpu.enqueue_dma source(%arg6 : memref<512x64xf32, #tpu.memory_space<vmem>>) target(%dma_start3A_488 : memref<512x64xf32, #tpu.memory_space<hbm>>) target_semaphore(%arg12 : memref<!tpu.dma_semaphore, #tpu.memory_space<semaphore_mem>>)
    %add3A_489 = arith.constant 10752 : i32
    %add3A_490 = arith.addi %mul3A_2, %add3A_489 : i32
    %dma_wait3A_491 = arith.constant 0 : i32
    %dma_wait3A_492 = tpu.memref_slice %arg4[%add3A_490, %dma_wait3A_491] : memref<819200x64xf32, #tpu.memory_space<hbm>> -> memref<512x64xf32, #tpu.memory_space<hbm>>
    %dma_wait3A_493 = arith.constant 0 : i32
    %dma_wait3A_494 = tpu.memref_slice %arg4[%add3A_490, %dma_wait3A_493] : memref<819200x64xf32, #tpu.memory_space<hbm>> -> memref<512x64xf32, #tpu.memory_space<hbm>>
    tpu.wait_dma2 semaphore(%arg12 : memref<!tpu.dma_semaphore, #tpu.memory_space<semaphore_mem>>) src(%arg6 : memref<512x64xf32, #tpu.memory_space<vmem>>) dst(%dma_wait3A_494 : memref<512x64xf32, #tpu.memory_space<hbm>>)
    %dma_start3A_495 = arith.constant 12288 : i32
    %dma_start3A_496 = tpu.memref_slice %arg5[%dma_start3A_495] : memref<25600xi32, #tpu.memory_space<vmem>> -> memref<512xi32, #tpu.memory_space<vmem>>
    %dma_start3A_497 = arith.constant 0 : i32
    %dma_start3A_498 = arith.constant 0 : i32
    %dma_start3A_499 = tpu.memref_slice %arg2[%dma_start3A_497, %dma_start3A_498] : memref<1000000x64xf32, #tpu.memory_space<hbm>> -> memref<1000000x64xf32, #tpu.memory_space<hbm>>
    tpu.enqueue_indirect_dma source(%dma_start3A_499 : memref<1000000x64xf32, #tpu.memory_space<hbm>>) target(%arg6 : memref<512x64xf32, #tpu.memory_space<vmem>>) offsets(%dma_start3A_496 : memref<512xi32, #tpu.memory_space<vmem>>) semaphore(%arg9 : memref<!tpu.dma_semaphore, #tpu.memory_space<semaphore_mem>>)
    %dma_wait3A_500 = arith.constant 11264 : i32
    %dma_wait3A_501 = tpu.memref_slice %arg5[%dma_wait3A_500] : memref<25600xi32, #tpu.memory_space<vmem>> -> memref<512xi32, #tpu.memory_space<vmem>>
    %dma_wait3A_502 = arith.constant 0 : i32
    %dma_wait3A_503 = arith.constant 0 : i32
    %dma_wait3A_504 = tpu.memref_slice %arg2[%dma_wait3A_502, %dma_wait3A_503] : memref<1000000x64xf32, #tpu.memory_space<hbm>> -> memref<1000000x64xf32, #tpu.memory_space<hbm>>
    tpu.wait_indirect_dma semaphore(%arg10 : memref<!tpu.dma_semaphore, #tpu.memory_space<semaphore_mem>>) src(%dma_wait3A_504 : memref<1000000x64xf32, #tpu.memory_space<hbm>>) dst(%arg7 : memref<512x64xf32, #tpu.memory_space<vmem>>)
    %add3A_505 = arith.constant 11264 : i32
    %add3A_506 = arith.addi %mul3A_2, %add3A_505 : i32
    %dma_start3A_507 = arith.constant 0 : i32
    %dma_start3A_508 = tpu.memref_slice %arg4[%add3A_506, %dma_start3A_507] : memref<819200x64xf32, #tpu.memory_space<hbm>> -> memref<512x64xf32, #tpu.memory_space<hbm>>
    %dma_start3A_509 = arith.constant 0 : i32
    %dma_start3A_510 = tpu.memref_slice %arg4[%add3A_506, %dma_start3A_509] : memref<819200x64xf32, #tpu.memory_space<hbm>> -> memref<512x64xf32, #tpu.memory_space<hbm>>
    tpu.enqueue_dma source(%arg7 : memref<512x64xf32, #tpu.memory_space<vmem>>) target(%dma_start3A_510 : memref<512x64xf32, #tpu.memory_space<hbm>>) target_semaphore(%arg13 : memref<!tpu.dma_semaphore, #tpu.memory_space<semaphore_mem>>)
    %add3A_511 = arith.constant 11264 : i32
    %add3A_512 = arith.addi %mul3A_2, %add3A_511 : i32
    %dma_wait3A_513 = arith.constant 0 : i32
    %dma_wait3A_514 = tpu.memref_slice %arg4[%add3A_512, %dma_wait3A_513] : memref<819200x64xf32, #tpu.memory_space<hbm>> -> memref<512x64xf32, #tpu.memory_space<hbm>>
    %dma_wait3A_515 = arith.constant 0 : i32
    %dma_wait3A_516 = tpu.memref_slice %arg4[%add3A_512, %dma_wait3A_515] : memref<819200x64xf32, #tpu.memory_space<hbm>> -> memref<512x64xf32, #tpu.memory_space<hbm>>
    tpu.wait_dma2 semaphore(%arg13 : memref<!tpu.dma_semaphore, #tpu.memory_space<semaphore_mem>>) src(%arg7 : memref<512x64xf32, #tpu.memory_space<vmem>>) dst(%dma_wait3A_516 : memref<512x64xf32, #tpu.memory_space<hbm>>)
    %dma_start3A_517 = arith.constant 12800 : i32
    %dma_start3A_518 = tpu.memref_slice %arg5[%dma_start3A_517] : memref<25600xi32, #tpu.memory_space<vmem>> -> memref<512xi32, #tpu.memory_space<vmem>>
    %dma_start3A_519 = arith.constant 0 : i32
    %dma_start3A_520 = arith.constant 0 : i32
    %dma_start3A_521 = tpu.memref_slice %arg2[%dma_start3A_519, %dma_start3A_520] : memref<1000000x64xf32, #tpu.memory_space<hbm>> -> memref<1000000x64xf32, #tpu.memory_space<hbm>>
    tpu.enqueue_indirect_dma source(%dma_start3A_521 : memref<1000000x64xf32, #tpu.memory_space<hbm>>) target(%arg7 : memref<512x64xf32, #tpu.memory_space<vmem>>) offsets(%dma_start3A_518 : memref<512xi32, #tpu.memory_space<vmem>>) semaphore(%arg10 : memref<!tpu.dma_semaphore, #tpu.memory_space<semaphore_mem>>)
    %dma_wait3A_522 = arith.constant 11776 : i32
    %dma_wait3A_523 = tpu.memref_slice %arg5[%dma_wait3A_522] : memref<25600xi32, #tpu.memory_space<vmem>> -> memref<512xi32, #tpu.memory_space<vmem>>
    %dma_wait3A_524 = arith.constant 0 : i32
    %dma_wait3A_525 = arith.constant 0 : i32
    %dma_wait3A_526 = tpu.memref_slice %arg2[%dma_wait3A_524, %dma_wait3A_525] : memref<1000000x64xf32, #tpu.memory_space<hbm>> -> memref<1000000x64xf32, #tpu.memory_space<hbm>>
    tpu.wait_indirect_dma semaphore(%arg11 : memref<!tpu.dma_semaphore, #tpu.memory_space<semaphore_mem>>) src(%dma_wait3A_526 : memref<1000000x64xf32, #tpu.memory_space<hbm>>) dst(%arg8 : memref<512x64xf32, #tpu.memory_space<vmem>>)
    %add3A_527 = arith.constant 11776 : i32
    %add3A_528 = arith.addi %mul3A_2, %add3A_527 : i32
    %dma_start3A_529 = arith.constant 0 : i32
    %dma_start3A_530 = tpu.memref_slice %arg4[%add3A_528, %dma_start3A_529] : memref<819200x64xf32, #tpu.memory_space<hbm>> -> memref<512x64xf32, #tpu.memory_space<hbm>>
    %dma_start3A_531 = arith.constant 0 : i32
    %dma_start3A_532 = tpu.memref_slice %arg4[%add3A_528, %dma_start3A_531] : memref<819200x64xf32, #tpu.memory_space<hbm>> -> memref<512x64xf32, #tpu.memory_space<hbm>>
    tpu.enqueue_dma source(%arg8 : memref<512x64xf32, #tpu.memory_space<vmem>>) target(%dma_start3A_532 : memref<512x64xf32, #tpu.memory_space<hbm>>) target_semaphore(%arg14 : memref<!tpu.dma_semaphore, #tpu.memory_space<semaphore_mem>>)
    %add3A_533 = arith.constant 11776 : i32
    %add3A_534 = arith.addi %mul3A_2, %add3A_533 : i32
    %dma_wait3A_535 = arith.constant 0 : i32
    %dma_wait3A_536 = tpu.memref_slice %arg4[%add3A_534, %dma_wait3A_535] : memref<819200x64xf32, #tpu.memory_space<hbm>> -> memref<512x64xf32, #tpu.memory_space<hbm>>
    %dma_wait3A_537 = arith.constant 0 : i32
    %dma_wait3A_538 = tpu.memref_slice %arg4[%add3A_534, %dma_wait3A_537] : memref<819200x64xf32, #tpu.memory_space<hbm>> -> memref<512x64xf32, #tpu.memory_space<hbm>>
    tpu.wait_dma2 semaphore(%arg14 : memref<!tpu.dma_semaphore, #tpu.memory_space<semaphore_mem>>) src(%arg8 : memref<512x64xf32, #tpu.memory_space<vmem>>) dst(%dma_wait3A_538 : memref<512x64xf32, #tpu.memory_space<hbm>>)
    %dma_start3A_539 = arith.constant 13312 : i32
    %dma_start3A_540 = tpu.memref_slice %arg5[%dma_start3A_539] : memref<25600xi32, #tpu.memory_space<vmem>> -> memref<512xi32, #tpu.memory_space<vmem>>
    %dma_start3A_541 = arith.constant 0 : i32
    %dma_start3A_542 = arith.constant 0 : i32
    %dma_start3A_543 = tpu.memref_slice %arg2[%dma_start3A_541, %dma_start3A_542] : memref<1000000x64xf32, #tpu.memory_space<hbm>> -> memref<1000000x64xf32, #tpu.memory_space<hbm>>
    tpu.enqueue_indirect_dma source(%dma_start3A_543 : memref<1000000x64xf32, #tpu.memory_space<hbm>>) target(%arg8 : memref<512x64xf32, #tpu.memory_space<vmem>>) offsets(%dma_start3A_540 : memref<512xi32, #tpu.memory_space<vmem>>) semaphore(%arg11 : memref<!tpu.dma_semaphore, #tpu.memory_space<semaphore_mem>>)
    %dma_wait3A_544 = arith.constant 12288 : i32
    %dma_wait3A_545 = tpu.memref_slice %arg5[%dma_wait3A_544] : memref<25600xi32, #tpu.memory_space<vmem>> -> memref<512xi32, #tpu.memory_space<vmem>>
    %dma_wait3A_546 = arith.constant 0 : i32
    %dma_wait3A_547 = arith.constant 0 : i32
    %dma_wait3A_548 = tpu.memref_slice %arg2[%dma_wait3A_546, %dma_wait3A_547] : memref<1000000x64xf32, #tpu.memory_space<hbm>> -> memref<1000000x64xf32, #tpu.memory_space<hbm>>
    tpu.wait_indirect_dma semaphore(%arg9 : memref<!tpu.dma_semaphore, #tpu.memory_space<semaphore_mem>>) src(%dma_wait3A_548 : memref<1000000x64xf32, #tpu.memory_space<hbm>>) dst(%arg6 : memref<512x64xf32, #tpu.memory_space<vmem>>)
    %add3A_549 = arith.constant 12288 : i32
    %add3A_550 = arith.addi %mul3A_2, %add3A_549 : i32
    %dma_start3A_551 = arith.constant 0 : i32
    %dma_start3A_552 = tpu.memref_slice %arg4[%add3A_550, %dma_start3A_551] : memref<819200x64xf32, #tpu.memory_space<hbm>> -> memref<512x64xf32, #tpu.memory_space<hbm>>
    %dma_start3A_553 = arith.constant 0 : i32
    %dma_start3A_554 = tpu.memref_slice %arg4[%add3A_550, %dma_start3A_553] : memref<819200x64xf32, #tpu.memory_space<hbm>> -> memref<512x64xf32, #tpu.memory_space<hbm>>
    tpu.enqueue_dma source(%arg6 : memref<512x64xf32, #tpu.memory_space<vmem>>) target(%dma_start3A_554 : memref<512x64xf32, #tpu.memory_space<hbm>>) target_semaphore(%arg12 : memref<!tpu.dma_semaphore, #tpu.memory_space<semaphore_mem>>)
    %add3A_555 = arith.constant 12288 : i32
    %add3A_556 = arith.addi %mul3A_2, %add3A_555 : i32
    %dma_wait3A_557 = arith.constant 0 : i32
    %dma_wait3A_558 = tpu.memref_slice %arg4[%add3A_556, %dma_wait3A_557] : memref<819200x64xf32, #tpu.memory_space<hbm>> -> memref<512x64xf32, #tpu.memory_space<hbm>>
    %dma_wait3A_559 = arith.constant 0 : i32
    %dma_wait3A_560 = tpu.memref_slice %arg4[%add3A_556, %dma_wait3A_559] : memref<819200x64xf32, #tpu.memory_space<hbm>> -> memref<512x64xf32, #tpu.memory_space<hbm>>
    tpu.wait_dma2 semaphore(%arg12 : memref<!tpu.dma_semaphore, #tpu.memory_space<semaphore_mem>>) src(%arg6 : memref<512x64xf32, #tpu.memory_space<vmem>>) dst(%dma_wait3A_560 : memref<512x64xf32, #tpu.memory_space<hbm>>)
    %dma_start3A_561 = arith.constant 13824 : i32
    %dma_start3A_562 = tpu.memref_slice %arg5[%dma_start3A_561] : memref<25600xi32, #tpu.memory_space<vmem>> -> memref<512xi32, #tpu.memory_space<vmem>>
    %dma_start3A_563 = arith.constant 0 : i32
    %dma_start3A_564 = arith.constant 0 : i32
    %dma_start3A_565 = tpu.memref_slice %arg2[%dma_start3A_563, %dma_start3A_564] : memref<1000000x64xf32, #tpu.memory_space<hbm>> -> memref<1000000x64xf32, #tpu.memory_space<hbm>>
    tpu.enqueue_indirect_dma source(%dma_start3A_565 : memref<1000000x64xf32, #tpu.memory_space<hbm>>) target(%arg6 : memref<512x64xf32, #tpu.memory_space<vmem>>) offsets(%dma_start3A_562 : memref<512xi32, #tpu.memory_space<vmem>>) semaphore(%arg9 : memref<!tpu.dma_semaphore, #tpu.memory_space<semaphore_mem>>)
    %dma_wait3A_566 = arith.constant 12800 : i32
    %dma_wait3A_567 = tpu.memref_slice %arg5[%dma_wait3A_566] : memref<25600xi32, #tpu.memory_space<vmem>> -> memref<512xi32, #tpu.memory_space<vmem>>
    %dma_wait3A_568 = arith.constant 0 : i32
    %dma_wait3A_569 = arith.constant 0 : i32
    %dma_wait3A_570 = tpu.memref_slice %arg2[%dma_wait3A_568, %dma_wait3A_569] : memref<1000000x64xf32, #tpu.memory_space<hbm>> -> memref<1000000x64xf32, #tpu.memory_space<hbm>>
    tpu.wait_indirect_dma semaphore(%arg10 : memref<!tpu.dma_semaphore, #tpu.memory_space<semaphore_mem>>) src(%dma_wait3A_570 : memref<1000000x64xf32, #tpu.memory_space<hbm>>) dst(%arg7 : memref<512x64xf32, #tpu.memory_space<vmem>>)
    %add3A_571 = arith.constant 12800 : i32
    %add3A_572 = arith.addi %mul3A_2, %add3A_571 : i32
    %dma_start3A_573 = arith.constant 0 : i32
    %dma_start3A_574 = tpu.memref_slice %arg4[%add3A_572, %dma_start3A_573] : memref<819200x64xf32, #tpu.memory_space<hbm>> -> memref<512x64xf32, #tpu.memory_space<hbm>>
    %dma_start3A_575 = arith.constant 0 : i32
    %dma_start3A_576 = tpu.memref_slice %arg4[%add3A_572, %dma_start3A_575] : memref<819200x64xf32, #tpu.memory_space<hbm>> -> memref<512x64xf32, #tpu.memory_space<hbm>>
    tpu.enqueue_dma source(%arg7 : memref<512x64xf32, #tpu.memory_space<vmem>>) target(%dma_start3A_576 : memref<512x64xf32, #tpu.memory_space<hbm>>) target_semaphore(%arg13 : memref<!tpu.dma_semaphore, #tpu.memory_space<semaphore_mem>>)
    %add3A_577 = arith.constant 12800 : i32
    %add3A_578 = arith.addi %mul3A_2, %add3A_577 : i32
    %dma_wait3A_579 = arith.constant 0 : i32
    %dma_wait3A_580 = tpu.memref_slice %arg4[%add3A_578, %dma_wait3A_579] : memref<819200x64xf32, #tpu.memory_space<hbm>> -> memref<512x64xf32, #tpu.memory_space<hbm>>
    %dma_wait3A_581 = arith.constant 0 : i32
    %dma_wait3A_582 = tpu.memref_slice %arg4[%add3A_578, %dma_wait3A_581] : memref<819200x64xf32, #tpu.memory_space<hbm>> -> memref<512x64xf32, #tpu.memory_space<hbm>>
    tpu.wait_dma2 semaphore(%arg13 : memref<!tpu.dma_semaphore, #tpu.memory_space<semaphore_mem>>) src(%arg7 : memref<512x64xf32, #tpu.memory_space<vmem>>) dst(%dma_wait3A_582 : memref<512x64xf32, #tpu.memory_space<hbm>>)
    %dma_start3A_583 = arith.constant 14336 : i32
    %dma_start3A_584 = tpu.memref_slice %arg5[%dma_start3A_583] : memref<25600xi32, #tpu.memory_space<vmem>> -> memref<512xi32, #tpu.memory_space<vmem>>
    %dma_start3A_585 = arith.constant 0 : i32
    %dma_start3A_586 = arith.constant 0 : i32
    %dma_start3A_587 = tpu.memref_slice %arg2[%dma_start3A_585, %dma_start3A_586] : memref<1000000x64xf32, #tpu.memory_space<hbm>> -> memref<1000000x64xf32, #tpu.memory_space<hbm>>
    tpu.enqueue_indirect_dma source(%dma_start3A_587 : memref<1000000x64xf32, #tpu.memory_space<hbm>>) target(%arg7 : memref<512x64xf32, #tpu.memory_space<vmem>>) offsets(%dma_start3A_584 : memref<512xi32, #tpu.memory_space<vmem>>) semaphore(%arg10 : memref<!tpu.dma_semaphore, #tpu.memory_space<semaphore_mem>>)
    %dma_wait3A_588 = arith.constant 13312 : i32
    %dma_wait3A_589 = tpu.memref_slice %arg5[%dma_wait3A_588] : memref<25600xi32, #tpu.memory_space<vmem>> -> memref<512xi32, #tpu.memory_space<vmem>>
    %dma_wait3A_590 = arith.constant 0 : i32
    %dma_wait3A_591 = arith.constant 0 : i32
    %dma_wait3A_592 = tpu.memref_slice %arg2[%dma_wait3A_590, %dma_wait3A_591] : memref<1000000x64xf32, #tpu.memory_space<hbm>> -> memref<1000000x64xf32, #tpu.memory_space<hbm>>
    tpu.wait_indirect_dma semaphore(%arg11 : memref<!tpu.dma_semaphore, #tpu.memory_space<semaphore_mem>>) src(%dma_wait3A_592 : memref<1000000x64xf32, #tpu.memory_space<hbm>>) dst(%arg8 : memref<512x64xf32, #tpu.memory_space<vmem>>)
    %add3A_593 = arith.constant 13312 : i32
    %add3A_594 = arith.addi %mul3A_2, %add3A_593 : i32
    %dma_start3A_595 = arith.constant 0 : i32
    %dma_start3A_596 = tpu.memref_slice %arg4[%add3A_594, %dma_start3A_595] : memref<819200x64xf32, #tpu.memory_space<hbm>> -> memref<512x64xf32, #tpu.memory_space<hbm>>
    %dma_start3A_597 = arith.constant 0 : i32
    %dma_start3A_598 = tpu.memref_slice %arg4[%add3A_594, %dma_start3A_597] : memref<819200x64xf32, #tpu.memory_space<hbm>> -> memref<512x64xf32, #tpu.memory_space<hbm>>
    tpu.enqueue_dma source(%arg8 : memref<512x64xf32, #tpu.memory_space<vmem>>) target(%dma_start3A_598 : memref<512x64xf32, #tpu.memory_space<hbm>>) target_semaphore(%arg14 : memref<!tpu.dma_semaphore, #tpu.memory_space<semaphore_mem>>)
    %add3A_599 = arith.constant 13312 : i32
    %add3A_600 = arith.addi %mul3A_2, %add3A_599 : i32
    %dma_wait3A_601 = arith.constant 0 : i32
    %dma_wait3A_602 = tpu.memref_slice %arg4[%add3A_600, %dma_wait3A_601] : memref<819200x64xf32, #tpu.memory_space<hbm>> -> memref<512x64xf32, #tpu.memory_space<hbm>>
    %dma_wait3A_603 = arith.constant 0 : i32
    %dma_wait3A_604 = tpu.memref_slice %arg4[%add3A_600, %dma_wait3A_603] : memref<819200x64xf32, #tpu.memory_space<hbm>> -> memref<512x64xf32, #tpu.memory_space<hbm>>
    tpu.wait_dma2 semaphore(%arg14 : memref<!tpu.dma_semaphore, #tpu.memory_space<semaphore_mem>>) src(%arg8 : memref<512x64xf32, #tpu.memory_space<vmem>>) dst(%dma_wait3A_604 : memref<512x64xf32, #tpu.memory_space<hbm>>)
    %dma_start3A_605 = arith.constant 14848 : i32
    %dma_start3A_606 = tpu.memref_slice %arg5[%dma_start3A_605] : memref<25600xi32, #tpu.memory_space<vmem>> -> memref<512xi32, #tpu.memory_space<vmem>>
    %dma_start3A_607 = arith.constant 0 : i32
    %dma_start3A_608 = arith.constant 0 : i32
    %dma_start3A_609 = tpu.memref_slice %arg2[%dma_start3A_607, %dma_start3A_608] : memref<1000000x64xf32, #tpu.memory_space<hbm>> -> memref<1000000x64xf32, #tpu.memory_space<hbm>>
    tpu.enqueue_indirect_dma source(%dma_start3A_609 : memref<1000000x64xf32, #tpu.memory_space<hbm>>) target(%arg8 : memref<512x64xf32, #tpu.memory_space<vmem>>) offsets(%dma_start3A_606 : memref<512xi32, #tpu.memory_space<vmem>>) semaphore(%arg11 : memref<!tpu.dma_semaphore, #tpu.memory_space<semaphore_mem>>)
    %dma_wait3A_610 = arith.constant 13824 : i32
    %dma_wait3A_611 = tpu.memref_slice %arg5[%dma_wait3A_610] : memref<25600xi32, #tpu.memory_space<vmem>> -> memref<512xi32, #tpu.memory_space<vmem>>
    %dma_wait3A_612 = arith.constant 0 : i32
    %dma_wait3A_613 = arith.constant 0 : i32
    %dma_wait3A_614 = tpu.memref_slice %arg2[%dma_wait3A_612, %dma_wait3A_613] : memref<1000000x64xf32, #tpu.memory_space<hbm>> -> memref<1000000x64xf32, #tpu.memory_space<hbm>>
    tpu.wait_indirect_dma semaphore(%arg9 : memref<!tpu.dma_semaphore, #tpu.memory_space<semaphore_mem>>) src(%dma_wait3A_614 : memref<1000000x64xf32, #tpu.memory_space<hbm>>) dst(%arg6 : memref<512x64xf32, #tpu.memory_space<vmem>>)
    %add3A_615 = arith.constant 13824 : i32
    %add3A_616 = arith.addi %mul3A_2, %add3A_615 : i32
    %dma_start3A_617 = arith.constant 0 : i32
    %dma_start3A_618 = tpu.memref_slice %arg4[%add3A_616, %dma_start3A_617] : memref<819200x64xf32, #tpu.memory_space<hbm>> -> memref<512x64xf32, #tpu.memory_space<hbm>>
    %dma_start3A_619 = arith.constant 0 : i32
    %dma_start3A_620 = tpu.memref_slice %arg4[%add3A_616, %dma_start3A_619] : memref<819200x64xf32, #tpu.memory_space<hbm>> -> memref<512x64xf32, #tpu.memory_space<hbm>>
    tpu.enqueue_dma source(%arg6 : memref<512x64xf32, #tpu.memory_space<vmem>>) target(%dma_start3A_620 : memref<512x64xf32, #tpu.memory_space<hbm>>) target_semaphore(%arg12 : memref<!tpu.dma_semaphore, #tpu.memory_space<semaphore_mem>>)
    %add3A_621 = arith.constant 13824 : i32
    %add3A_622 = arith.addi %mul3A_2, %add3A_621 : i32
    %dma_wait3A_623 = arith.constant 0 : i32
    %dma_wait3A_624 = tpu.memref_slice %arg4[%add3A_622, %dma_wait3A_623] : memref<819200x64xf32, #tpu.memory_space<hbm>> -> memref<512x64xf32, #tpu.memory_space<hbm>>
    %dma_wait3A_625 = arith.constant 0 : i32
    %dma_wait3A_626 = tpu.memref_slice %arg4[%add3A_622, %dma_wait3A_625] : memref<819200x64xf32, #tpu.memory_space<hbm>> -> memref<512x64xf32, #tpu.memory_space<hbm>>
    tpu.wait_dma2 semaphore(%arg12 : memref<!tpu.dma_semaphore, #tpu.memory_space<semaphore_mem>>) src(%arg6 : memref<512x64xf32, #tpu.memory_space<vmem>>) dst(%dma_wait3A_626 : memref<512x64xf32, #tpu.memory_space<hbm>>)
    %dma_start3A_627 = arith.constant 15360 : i32
    %dma_start3A_628 = tpu.memref_slice %arg5[%dma_start3A_627] : memref<25600xi32, #tpu.memory_space<vmem>> -> memref<512xi32, #tpu.memory_space<vmem>>
    %dma_start3A_629 = arith.constant 0 : i32
    %dma_start3A_630 = arith.constant 0 : i32
    %dma_start3A_631 = tpu.memref_slice %arg2[%dma_start3A_629, %dma_start3A_630] : memref<1000000x64xf32, #tpu.memory_space<hbm>> -> memref<1000000x64xf32, #tpu.memory_space<hbm>>
    tpu.enqueue_indirect_dma source(%dma_start3A_631 : memref<1000000x64xf32, #tpu.memory_space<hbm>>) target(%arg6 : memref<512x64xf32, #tpu.memory_space<vmem>>) offsets(%dma_start3A_628 : memref<512xi32, #tpu.memory_space<vmem>>) semaphore(%arg9 : memref<!tpu.dma_semaphore, #tpu.memory_space<semaphore_mem>>)
    %dma_wait3A_632 = arith.constant 14336 : i32
    %dma_wait3A_633 = tpu.memref_slice %arg5[%dma_wait3A_632] : memref<25600xi32, #tpu.memory_space<vmem>> -> memref<512xi32, #tpu.memory_space<vmem>>
    %dma_wait3A_634 = arith.constant 0 : i32
    %dma_wait3A_635 = arith.constant 0 : i32
    %dma_wait3A_636 = tpu.memref_slice %arg2[%dma_wait3A_634, %dma_wait3A_635] : memref<1000000x64xf32, #tpu.memory_space<hbm>> -> memref<1000000x64xf32, #tpu.memory_space<hbm>>
    tpu.wait_indirect_dma semaphore(%arg10 : memref<!tpu.dma_semaphore, #tpu.memory_space<semaphore_mem>>) src(%dma_wait3A_636 : memref<1000000x64xf32, #tpu.memory_space<hbm>>) dst(%arg7 : memref<512x64xf32, #tpu.memory_space<vmem>>)
    %add3A_637 = arith.constant 14336 : i32
    %add3A_638 = arith.addi %mul3A_2, %add3A_637 : i32
    %dma_start3A_639 = arith.constant 0 : i32
    %dma_start3A_640 = tpu.memref_slice %arg4[%add3A_638, %dma_start3A_639] : memref<819200x64xf32, #tpu.memory_space<hbm>> -> memref<512x64xf32, #tpu.memory_space<hbm>>
    %dma_start3A_641 = arith.constant 0 : i32
    %dma_start3A_642 = tpu.memref_slice %arg4[%add3A_638, %dma_start3A_641] : memref<819200x64xf32, #tpu.memory_space<hbm>> -> memref<512x64xf32, #tpu.memory_space<hbm>>
    tpu.enqueue_dma source(%arg7 : memref<512x64xf32, #tpu.memory_space<vmem>>) target(%dma_start3A_642 : memref<512x64xf32, #tpu.memory_space<hbm>>) target_semaphore(%arg13 : memref<!tpu.dma_semaphore, #tpu.memory_space<semaphore_mem>>)
    %add3A_643 = arith.constant 14336 : i32
    %add3A_644 = arith.addi %mul3A_2, %add3A_643 : i32
    %dma_wait3A_645 = arith.constant 0 : i32
    %dma_wait3A_646 = tpu.memref_slice %arg4[%add3A_644, %dma_wait3A_645] : memref<819200x64xf32, #tpu.memory_space<hbm>> -> memref<512x64xf32, #tpu.memory_space<hbm>>
    %dma_wait3A_647 = arith.constant 0 : i32
    %dma_wait3A_648 = tpu.memref_slice %arg4[%add3A_644, %dma_wait3A_647] : memref<819200x64xf32, #tpu.memory_space<hbm>> -> memref<512x64xf32, #tpu.memory_space<hbm>>
    tpu.wait_dma2 semaphore(%arg13 : memref<!tpu.dma_semaphore, #tpu.memory_space<semaphore_mem>>) src(%arg7 : memref<512x64xf32, #tpu.memory_space<vmem>>) dst(%dma_wait3A_648 : memref<512x64xf32, #tpu.memory_space<hbm>>)
    %dma_start3A_649 = arith.constant 15872 : i32
    %dma_start3A_650 = tpu.memref_slice %arg5[%dma_start3A_649] : memref<25600xi32, #tpu.memory_space<vmem>> -> memref<512xi32, #tpu.memory_space<vmem>>
    %dma_start3A_651 = arith.constant 0 : i32
    %dma_start3A_652 = arith.constant 0 : i32
    %dma_start3A_653 = tpu.memref_slice %arg2[%dma_start3A_651, %dma_start3A_652] : memref<1000000x64xf32, #tpu.memory_space<hbm>> -> memref<1000000x64xf32, #tpu.memory_space<hbm>>
    tpu.enqueue_indirect_dma source(%dma_start3A_653 : memref<1000000x64xf32, #tpu.memory_space<hbm>>) target(%arg7 : memref<512x64xf32, #tpu.memory_space<vmem>>) offsets(%dma_start3A_650 : memref<512xi32, #tpu.memory_space<vmem>>) semaphore(%arg10 : memref<!tpu.dma_semaphore, #tpu.memory_space<semaphore_mem>>)
    %dma_wait3A_654 = arith.constant 14848 : i32
    %dma_wait3A_655 = tpu.memref_slice %arg5[%dma_wait3A_654] : memref<25600xi32, #tpu.memory_space<vmem>> -> memref<512xi32, #tpu.memory_space<vmem>>
    %dma_wait3A_656 = arith.constant 0 : i32
    %dma_wait3A_657 = arith.constant 0 : i32
    %dma_wait3A_658 = tpu.memref_slice %arg2[%dma_wait3A_656, %dma_wait3A_657] : memref<1000000x64xf32, #tpu.memory_space<hbm>> -> memref<1000000x64xf32, #tpu.memory_space<hbm>>
    tpu.wait_indirect_dma semaphore(%arg11 : memref<!tpu.dma_semaphore, #tpu.memory_space<semaphore_mem>>) src(%dma_wait3A_658 : memref<1000000x64xf32, #tpu.memory_space<hbm>>) dst(%arg8 : memref<512x64xf32, #tpu.memory_space<vmem>>)
    %add3A_659 = arith.constant 14848 : i32
    %add3A_660 = arith.addi %mul3A_2, %add3A_659 : i32
    %dma_start3A_661 = arith.constant 0 : i32
    %dma_start3A_662 = tpu.memref_slice %arg4[%add3A_660, %dma_start3A_661] : memref<819200x64xf32, #tpu.memory_space<hbm>> -> memref<512x64xf32, #tpu.memory_space<hbm>>
    %dma_start3A_663 = arith.constant 0 : i32
    %dma_start3A_664 = tpu.memref_slice %arg4[%add3A_660, %dma_start3A_663] : memref<819200x64xf32, #tpu.memory_space<hbm>> -> memref<512x64xf32, #tpu.memory_space<hbm>>
    tpu.enqueue_dma source(%arg8 : memref<512x64xf32, #tpu.memory_space<vmem>>) target(%dma_start3A_664 : memref<512x64xf32, #tpu.memory_space<hbm>>) target_semaphore(%arg14 : memref<!tpu.dma_semaphore, #tpu.memory_space<semaphore_mem>>)
    %add3A_665 = arith.constant 14848 : i32
    %add3A_666 = arith.addi %mul3A_2, %add3A_665 : i32
    %dma_wait3A_667 = arith.constant 0 : i32
    %dma_wait3A_668 = tpu.memref_slice %arg4[%add3A_666, %dma_wait3A_667] : memref<819200x64xf32, #tpu.memory_space<hbm>> -> memref<512x64xf32, #tpu.memory_space<hbm>>
    %dma_wait3A_669 = arith.constant 0 : i32
    %dma_wait3A_670 = tpu.memref_slice %arg4[%add3A_666, %dma_wait3A_669] : memref<819200x64xf32, #tpu.memory_space<hbm>> -> memref<512x64xf32, #tpu.memory_space<hbm>>
    tpu.wait_dma2 semaphore(%arg14 : memref<!tpu.dma_semaphore, #tpu.memory_space<semaphore_mem>>) src(%arg8 : memref<512x64xf32, #tpu.memory_space<vmem>>) dst(%dma_wait3A_670 : memref<512x64xf32, #tpu.memory_space<hbm>>)
    %dma_start3A_671 = arith.constant 16384 : i32
    %dma_start3A_672 = tpu.memref_slice %arg5[%dma_start3A_671] : memref<25600xi32, #tpu.memory_space<vmem>> -> memref<512xi32, #tpu.memory_space<vmem>>
    %dma_start3A_673 = arith.constant 0 : i32
    %dma_start3A_674 = arith.constant 0 : i32
    %dma_start3A_675 = tpu.memref_slice %arg2[%dma_start3A_673, %dma_start3A_674] : memref<1000000x64xf32, #tpu.memory_space<hbm>> -> memref<1000000x64xf32, #tpu.memory_space<hbm>>
    tpu.enqueue_indirect_dma source(%dma_start3A_675 : memref<1000000x64xf32, #tpu.memory_space<hbm>>) target(%arg8 : memref<512x64xf32, #tpu.memory_space<vmem>>) offsets(%dma_start3A_672 : memref<512xi32, #tpu.memory_space<vmem>>) semaphore(%arg11 : memref<!tpu.dma_semaphore, #tpu.memory_space<semaphore_mem>>)
    %dma_wait3A_676 = arith.constant 15360 : i32
    %dma_wait3A_677 = tpu.memref_slice %arg5[%dma_wait3A_676] : memref<25600xi32, #tpu.memory_space<vmem>> -> memref<512xi32, #tpu.memory_space<vmem>>
    %dma_wait3A_678 = arith.constant 0 : i32
    %dma_wait3A_679 = arith.constant 0 : i32
    %dma_wait3A_680 = tpu.memref_slice %arg2[%dma_wait3A_678, %dma_wait3A_679] : memref<1000000x64xf32, #tpu.memory_space<hbm>> -> memref<1000000x64xf32, #tpu.memory_space<hbm>>
    tpu.wait_indirect_dma semaphore(%arg9 : memref<!tpu.dma_semaphore, #tpu.memory_space<semaphore_mem>>) src(%dma_wait3A_680 : memref<1000000x64xf32, #tpu.memory_space<hbm>>) dst(%arg6 : memref<512x64xf32, #tpu.memory_space<vmem>>)
    %add3A_681 = arith.constant 15360 : i32
    %add3A_682 = arith.addi %mul3A_2, %add3A_681 : i32
    %dma_start3A_683 = arith.constant 0 : i32
    %dma_start3A_684 = tpu.memref_slice %arg4[%add3A_682, %dma_start3A_683] : memref<819200x64xf32, #tpu.memory_space<hbm>> -> memref<512x64xf32, #tpu.memory_space<hbm>>
    %dma_start3A_685 = arith.constant 0 : i32
    %dma_start3A_686 = tpu.memref_slice %arg4[%add3A_682, %dma_start3A_685] : memref<819200x64xf32, #tpu.memory_space<hbm>> -> memref<512x64xf32, #tpu.memory_space<hbm>>
    tpu.enqueue_dma source(%arg6 : memref<512x64xf32, #tpu.memory_space<vmem>>) target(%dma_start3A_686 : memref<512x64xf32, #tpu.memory_space<hbm>>) target_semaphore(%arg12 : memref<!tpu.dma_semaphore, #tpu.memory_space<semaphore_mem>>)
    %add3A_687 = arith.constant 15360 : i32
    %add3A_688 = arith.addi %mul3A_2, %add3A_687 : i32
    %dma_wait3A_689 = arith.constant 0 : i32
    %dma_wait3A_690 = tpu.memref_slice %arg4[%add3A_688, %dma_wait3A_689] : memref<819200x64xf32, #tpu.memory_space<hbm>> -> memref<512x64xf32, #tpu.memory_space<hbm>>
    %dma_wait3A_691 = arith.constant 0 : i32
    %dma_wait3A_692 = tpu.memref_slice %arg4[%add3A_688, %dma_wait3A_691] : memref<819200x64xf32, #tpu.memory_space<hbm>> -> memref<512x64xf32, #tpu.memory_space<hbm>>
    tpu.wait_dma2 semaphore(%arg12 : memref<!tpu.dma_semaphore, #tpu.memory_space<semaphore_mem>>) src(%arg6 : memref<512x64xf32, #tpu.memory_space<vmem>>) dst(%dma_wait3A_692 : memref<512x64xf32, #tpu.memory_space<hbm>>)
    %dma_start3A_693 = arith.constant 16896 : i32
    %dma_start3A_694 = tpu.memref_slice %arg5[%dma_start3A_693] : memref<25600xi32, #tpu.memory_space<vmem>> -> memref<512xi32, #tpu.memory_space<vmem>>
    %dma_start3A_695 = arith.constant 0 : i32
    %dma_start3A_696 = arith.constant 0 : i32
    %dma_start3A_697 = tpu.memref_slice %arg2[%dma_start3A_695, %dma_start3A_696] : memref<1000000x64xf32, #tpu.memory_space<hbm>> -> memref<1000000x64xf32, #tpu.memory_space<hbm>>
    tpu.enqueue_indirect_dma source(%dma_start3A_697 : memref<1000000x64xf32, #tpu.memory_space<hbm>>) target(%arg6 : memref<512x64xf32, #tpu.memory_space<vmem>>) offsets(%dma_start3A_694 : memref<512xi32, #tpu.memory_space<vmem>>) semaphore(%arg9 : memref<!tpu.dma_semaphore, #tpu.memory_space<semaphore_mem>>)
    %dma_wait3A_698 = arith.constant 15872 : i32
    %dma_wait3A_699 = tpu.memref_slice %arg5[%dma_wait3A_698] : memref<25600xi32, #tpu.memory_space<vmem>> -> memref<512xi32, #tpu.memory_space<vmem>>
    %dma_wait3A_700 = arith.constant 0 : i32
    %dma_wait3A_701 = arith.constant 0 : i32
    %dma_wait3A_702 = tpu.memref_slice %arg2[%dma_wait3A_700, %dma_wait3A_701] : memref<1000000x64xf32, #tpu.memory_space<hbm>> -> memref<1000000x64xf32, #tpu.memory_space<hbm>>
    tpu.wait_indirect_dma semaphore(%arg10 : memref<!tpu.dma_semaphore, #tpu.memory_space<semaphore_mem>>) src(%dma_wait3A_702 : memref<1000000x64xf32, #tpu.memory_space<hbm>>) dst(%arg7 : memref<512x64xf32, #tpu.memory_space<vmem>>)
    %add3A_703 = arith.constant 15872 : i32
    %add3A_704 = arith.addi %mul3A_2, %add3A_703 : i32
    %dma_start3A_705 = arith.constant 0 : i32
    %dma_start3A_706 = tpu.memref_slice %arg4[%add3A_704, %dma_start3A_705] : memref<819200x64xf32, #tpu.memory_space<hbm>> -> memref<512x64xf32, #tpu.memory_space<hbm>>
    %dma_start3A_707 = arith.constant 0 : i32
    %dma_start3A_708 = tpu.memref_slice %arg4[%add3A_704, %dma_start3A_707] : memref<819200x64xf32, #tpu.memory_space<hbm>> -> memref<512x64xf32, #tpu.memory_space<hbm>>
    tpu.enqueue_dma source(%arg7 : memref<512x64xf32, #tpu.memory_space<vmem>>) target(%dma_start3A_708 : memref<512x64xf32, #tpu.memory_space<hbm>>) target_semaphore(%arg13 : memref<!tpu.dma_semaphore, #tpu.memory_space<semaphore_mem>>)
    %add3A_709 = arith.constant 15872 : i32
    %add3A_710 = arith.addi %mul3A_2, %add3A_709 : i32
    %dma_wait3A_711 = arith.constant 0 : i32
    %dma_wait3A_712 = tpu.memref_slice %arg4[%add3A_710, %dma_wait3A_711] : memref<819200x64xf32, #tpu.memory_space<hbm>> -> memref<512x64xf32, #tpu.memory_space<hbm>>
    %dma_wait3A_713 = arith.constant 0 : i32
    %dma_wait3A_714 = tpu.memref_slice %arg4[%add3A_710, %dma_wait3A_713] : memref<819200x64xf32, #tpu.memory_space<hbm>> -> memref<512x64xf32, #tpu.memory_space<hbm>>
    tpu.wait_dma2 semaphore(%arg13 : memref<!tpu.dma_semaphore, #tpu.memory_space<semaphore_mem>>) src(%arg7 : memref<512x64xf32, #tpu.memory_space<vmem>>) dst(%dma_wait3A_714 : memref<512x64xf32, #tpu.memory_space<hbm>>)
    %dma_start3A_715 = arith.constant 17408 : i32
    %dma_start3A_716 = tpu.memref_slice %arg5[%dma_start3A_715] : memref<25600xi32, #tpu.memory_space<vmem>> -> memref<512xi32, #tpu.memory_space<vmem>>
    %dma_start3A_717 = arith.constant 0 : i32
    %dma_start3A_718 = arith.constant 0 : i32
    %dma_start3A_719 = tpu.memref_slice %arg2[%dma_start3A_717, %dma_start3A_718] : memref<1000000x64xf32, #tpu.memory_space<hbm>> -> memref<1000000x64xf32, #tpu.memory_space<hbm>>
    tpu.enqueue_indirect_dma source(%dma_start3A_719 : memref<1000000x64xf32, #tpu.memory_space<hbm>>) target(%arg7 : memref<512x64xf32, #tpu.memory_space<vmem>>) offsets(%dma_start3A_716 : memref<512xi32, #tpu.memory_space<vmem>>) semaphore(%arg10 : memref<!tpu.dma_semaphore, #tpu.memory_space<semaphore_mem>>)
    %dma_wait3A_720 = arith.constant 16384 : i32
    %dma_wait3A_721 = tpu.memref_slice %arg5[%dma_wait3A_720] : memref<25600xi32, #tpu.memory_space<vmem>> -> memref<512xi32, #tpu.memory_space<vmem>>
    %dma_wait3A_722 = arith.constant 0 : i32
    %dma_wait3A_723 = arith.constant 0 : i32
    %dma_wait3A_724 = tpu.memref_slice %arg2[%dma_wait3A_722, %dma_wait3A_723] : memref<1000000x64xf32, #tpu.memory_space<hbm>> -> memref<1000000x64xf32, #tpu.memory_space<hbm>>
    tpu.wait_indirect_dma semaphore(%arg11 : memref<!tpu.dma_semaphore, #tpu.memory_space<semaphore_mem>>) src(%dma_wait3A_724 : memref<1000000x64xf32, #tpu.memory_space<hbm>>) dst(%arg8 : memref<512x64xf32, #tpu.memory_space<vmem>>)
    %add3A_725 = arith.constant 16384 : i32
    %add3A_726 = arith.addi %mul3A_2, %add3A_725 : i32
    %dma_start3A_727 = arith.constant 0 : i32
    %dma_start3A_728 = tpu.memref_slice %arg4[%add3A_726, %dma_start3A_727] : memref<819200x64xf32, #tpu.memory_space<hbm>> -> memref<512x64xf32, #tpu.memory_space<hbm>>
    %dma_start3A_729 = arith.constant 0 : i32
    %dma_start3A_730 = tpu.memref_slice %arg4[%add3A_726, %dma_start3A_729] : memref<819200x64xf32, #tpu.memory_space<hbm>> -> memref<512x64xf32, #tpu.memory_space<hbm>>
    tpu.enqueue_dma source(%arg8 : memref<512x64xf32, #tpu.memory_space<vmem>>) target(%dma_start3A_730 : memref<512x64xf32, #tpu.memory_space<hbm>>) target_semaphore(%arg14 : memref<!tpu.dma_semaphore, #tpu.memory_space<semaphore_mem>>)
    %add3A_731 = arith.constant 16384 : i32
    %add3A_732 = arith.addi %mul3A_2, %add3A_731 : i32
    %dma_wait3A_733 = arith.constant 0 : i32
    %dma_wait3A_734 = tpu.memref_slice %arg4[%add3A_732, %dma_wait3A_733] : memref<819200x64xf32, #tpu.memory_space<hbm>> -> memref<512x64xf32, #tpu.memory_space<hbm>>
    %dma_wait3A_735 = arith.constant 0 : i32
    %dma_wait3A_736 = tpu.memref_slice %arg4[%add3A_732, %dma_wait3A_735] : memref<819200x64xf32, #tpu.memory_space<hbm>> -> memref<512x64xf32, #tpu.memory_space<hbm>>
    tpu.wait_dma2 semaphore(%arg14 : memref<!tpu.dma_semaphore, #tpu.memory_space<semaphore_mem>>) src(%arg8 : memref<512x64xf32, #tpu.memory_space<vmem>>) dst(%dma_wait3A_736 : memref<512x64xf32, #tpu.memory_space<hbm>>)
    %dma_start3A_737 = arith.constant 17920 : i32
    %dma_start3A_738 = tpu.memref_slice %arg5[%dma_start3A_737] : memref<25600xi32, #tpu.memory_space<vmem>> -> memref<512xi32, #tpu.memory_space<vmem>>
    %dma_start3A_739 = arith.constant 0 : i32
    %dma_start3A_740 = arith.constant 0 : i32
    %dma_start3A_741 = tpu.memref_slice %arg2[%dma_start3A_739, %dma_start3A_740] : memref<1000000x64xf32, #tpu.memory_space<hbm>> -> memref<1000000x64xf32, #tpu.memory_space<hbm>>
    tpu.enqueue_indirect_dma source(%dma_start3A_741 : memref<1000000x64xf32, #tpu.memory_space<hbm>>) target(%arg8 : memref<512x64xf32, #tpu.memory_space<vmem>>) offsets(%dma_start3A_738 : memref<512xi32, #tpu.memory_space<vmem>>) semaphore(%arg11 : memref<!tpu.dma_semaphore, #tpu.memory_space<semaphore_mem>>)
    %dma_wait3A_742 = arith.constant 16896 : i32
    %dma_wait3A_743 = tpu.memref_slice %arg5[%dma_wait3A_742] : memref<25600xi32, #tpu.memory_space<vmem>> -> memref<512xi32, #tpu.memory_space<vmem>>
    %dma_wait3A_744 = arith.constant 0 : i32
    %dma_wait3A_745 = arith.constant 0 : i32
    %dma_wait3A_746 = tpu.memref_slice %arg2[%dma_wait3A_744, %dma_wait3A_745] : memref<1000000x64xf32, #tpu.memory_space<hbm>> -> memref<1000000x64xf32, #tpu.memory_space<hbm>>
    tpu.wait_indirect_dma semaphore(%arg9 : memref<!tpu.dma_semaphore, #tpu.memory_space<semaphore_mem>>) src(%dma_wait3A_746 : memref<1000000x64xf32, #tpu.memory_space<hbm>>) dst(%arg6 : memref<512x64xf32, #tpu.memory_space<vmem>>)
    %add3A_747 = arith.constant 16896 : i32
    %add3A_748 = arith.addi %mul3A_2, %add3A_747 : i32
    %dma_start3A_749 = arith.constant 0 : i32
    %dma_start3A_750 = tpu.memref_slice %arg4[%add3A_748, %dma_start3A_749] : memref<819200x64xf32, #tpu.memory_space<hbm>> -> memref<512x64xf32, #tpu.memory_space<hbm>>
    %dma_start3A_751 = arith.constant 0 : i32
    %dma_start3A_752 = tpu.memref_slice %arg4[%add3A_748, %dma_start3A_751] : memref<819200x64xf32, #tpu.memory_space<hbm>> -> memref<512x64xf32, #tpu.memory_space<hbm>>
    tpu.enqueue_dma source(%arg6 : memref<512x64xf32, #tpu.memory_space<vmem>>) target(%dma_start3A_752 : memref<512x64xf32, #tpu.memory_space<hbm>>) target_semaphore(%arg12 : memref<!tpu.dma_semaphore, #tpu.memory_space<semaphore_mem>>)
    %add3A_753 = arith.constant 16896 : i32
    %add3A_754 = arith.addi %mul3A_2, %add3A_753 : i32
    %dma_wait3A_755 = arith.constant 0 : i32
    %dma_wait3A_756 = tpu.memref_slice %arg4[%add3A_754, %dma_wait3A_755] : memref<819200x64xf32, #tpu.memory_space<hbm>> -> memref<512x64xf32, #tpu.memory_space<hbm>>
    %dma_wait3A_757 = arith.constant 0 : i32
    %dma_wait3A_758 = tpu.memref_slice %arg4[%add3A_754, %dma_wait3A_757] : memref<819200x64xf32, #tpu.memory_space<hbm>> -> memref<512x64xf32, #tpu.memory_space<hbm>>
    tpu.wait_dma2 semaphore(%arg12 : memref<!tpu.dma_semaphore, #tpu.memory_space<semaphore_mem>>) src(%arg6 : memref<512x64xf32, #tpu.memory_space<vmem>>) dst(%dma_wait3A_758 : memref<512x64xf32, #tpu.memory_space<hbm>>)
    %dma_start3A_759 = arith.constant 18432 : i32
    %dma_start3A_760 = tpu.memref_slice %arg5[%dma_start3A_759] : memref<25600xi32, #tpu.memory_space<vmem>> -> memref<512xi32, #tpu.memory_space<vmem>>
    %dma_start3A_761 = arith.constant 0 : i32
    %dma_start3A_762 = arith.constant 0 : i32
    %dma_start3A_763 = tpu.memref_slice %arg2[%dma_start3A_761, %dma_start3A_762] : memref<1000000x64xf32, #tpu.memory_space<hbm>> -> memref<1000000x64xf32, #tpu.memory_space<hbm>>
    tpu.enqueue_indirect_dma source(%dma_start3A_763 : memref<1000000x64xf32, #tpu.memory_space<hbm>>) target(%arg6 : memref<512x64xf32, #tpu.memory_space<vmem>>) offsets(%dma_start3A_760 : memref<512xi32, #tpu.memory_space<vmem>>) semaphore(%arg9 : memref<!tpu.dma_semaphore, #tpu.memory_space<semaphore_mem>>)
    %dma_wait3A_764 = arith.constant 17408 : i32
    %dma_wait3A_765 = tpu.memref_slice %arg5[%dma_wait3A_764] : memref<25600xi32, #tpu.memory_space<vmem>> -> memref<512xi32, #tpu.memory_space<vmem>>
    %dma_wait3A_766 = arith.constant 0 : i32
    %dma_wait3A_767 = arith.constant 0 : i32
    %dma_wait3A_768 = tpu.memref_slice %arg2[%dma_wait3A_766, %dma_wait3A_767] : memref<1000000x64xf32, #tpu.memory_space<hbm>> -> memref<1000000x64xf32, #tpu.memory_space<hbm>>
    tpu.wait_indirect_dma semaphore(%arg10 : memref<!tpu.dma_semaphore, #tpu.memory_space<semaphore_mem>>) src(%dma_wait3A_768 : memref<1000000x64xf32, #tpu.memory_space<hbm>>) dst(%arg7 : memref<512x64xf32, #tpu.memory_space<vmem>>)
    %add3A_769 = arith.constant 17408 : i32
    %add3A_770 = arith.addi %mul3A_2, %add3A_769 : i32
    %dma_start3A_771 = arith.constant 0 : i32
    %dma_start3A_772 = tpu.memref_slice %arg4[%add3A_770, %dma_start3A_771] : memref<819200x64xf32, #tpu.memory_space<hbm>> -> memref<512x64xf32, #tpu.memory_space<hbm>>
    %dma_start3A_773 = arith.constant 0 : i32
    %dma_start3A_774 = tpu.memref_slice %arg4[%add3A_770, %dma_start3A_773] : memref<819200x64xf32, #tpu.memory_space<hbm>> -> memref<512x64xf32, #tpu.memory_space<hbm>>
    tpu.enqueue_dma source(%arg7 : memref<512x64xf32, #tpu.memory_space<vmem>>) target(%dma_start3A_774 : memref<512x64xf32, #tpu.memory_space<hbm>>) target_semaphore(%arg13 : memref<!tpu.dma_semaphore, #tpu.memory_space<semaphore_mem>>)
    %add3A_775 = arith.constant 17408 : i32
    %add3A_776 = arith.addi %mul3A_2, %add3A_775 : i32
    %dma_wait3A_777 = arith.constant 0 : i32
    %dma_wait3A_778 = tpu.memref_slice %arg4[%add3A_776, %dma_wait3A_777] : memref<819200x64xf32, #tpu.memory_space<hbm>> -> memref<512x64xf32, #tpu.memory_space<hbm>>
    %dma_wait3A_779 = arith.constant 0 : i32
    %dma_wait3A_780 = tpu.memref_slice %arg4[%add3A_776, %dma_wait3A_779] : memref<819200x64xf32, #tpu.memory_space<hbm>> -> memref<512x64xf32, #tpu.memory_space<hbm>>
    tpu.wait_dma2 semaphore(%arg13 : memref<!tpu.dma_semaphore, #tpu.memory_space<semaphore_mem>>) src(%arg7 : memref<512x64xf32, #tpu.memory_space<vmem>>) dst(%dma_wait3A_780 : memref<512x64xf32, #tpu.memory_space<hbm>>)
    %dma_start3A_781 = arith.constant 18944 : i32
    %dma_start3A_782 = tpu.memref_slice %arg5[%dma_start3A_781] : memref<25600xi32, #tpu.memory_space<vmem>> -> memref<512xi32, #tpu.memory_space<vmem>>
    %dma_start3A_783 = arith.constant 0 : i32
    %dma_start3A_784 = arith.constant 0 : i32
    %dma_start3A_785 = tpu.memref_slice %arg2[%dma_start3A_783, %dma_start3A_784] : memref<1000000x64xf32, #tpu.memory_space<hbm>> -> memref<1000000x64xf32, #tpu.memory_space<hbm>>
    tpu.enqueue_indirect_dma source(%dma_start3A_785 : memref<1000000x64xf32, #tpu.memory_space<hbm>>) target(%arg7 : memref<512x64xf32, #tpu.memory_space<vmem>>) offsets(%dma_start3A_782 : memref<512xi32, #tpu.memory_space<vmem>>) semaphore(%arg10 : memref<!tpu.dma_semaphore, #tpu.memory_space<semaphore_mem>>)
    %dma_wait3A_786 = arith.constant 17920 : i32
    %dma_wait3A_787 = tpu.memref_slice %arg5[%dma_wait3A_786] : memref<25600xi32, #tpu.memory_space<vmem>> -> memref<512xi32, #tpu.memory_space<vmem>>
    %dma_wait3A_788 = arith.constant 0 : i32
    %dma_wait3A_789 = arith.constant 0 : i32
    %dma_wait3A_790 = tpu.memref_slice %arg2[%dma_wait3A_788, %dma_wait3A_789] : memref<1000000x64xf32, #tpu.memory_space<hbm>> -> memref<1000000x64xf32, #tpu.memory_space<hbm>>
    tpu.wait_indirect_dma semaphore(%arg11 : memref<!tpu.dma_semaphore, #tpu.memory_space<semaphore_mem>>) src(%dma_wait3A_790 : memref<1000000x64xf32, #tpu.memory_space<hbm>>) dst(%arg8 : memref<512x64xf32, #tpu.memory_space<vmem>>)
    %add3A_791 = arith.constant 17920 : i32
    %add3A_792 = arith.addi %mul3A_2, %add3A_791 : i32
    %dma_start3A_793 = arith.constant 0 : i32
    %dma_start3A_794 = tpu.memref_slice %arg4[%add3A_792, %dma_start3A_793] : memref<819200x64xf32, #tpu.memory_space<hbm>> -> memref<512x64xf32, #tpu.memory_space<hbm>>
    %dma_start3A_795 = arith.constant 0 : i32
    %dma_start3A_796 = tpu.memref_slice %arg4[%add3A_792, %dma_start3A_795] : memref<819200x64xf32, #tpu.memory_space<hbm>> -> memref<512x64xf32, #tpu.memory_space<hbm>>
    tpu.enqueue_dma source(%arg8 : memref<512x64xf32, #tpu.memory_space<vmem>>) target(%dma_start3A_796 : memref<512x64xf32, #tpu.memory_space<hbm>>) target_semaphore(%arg14 : memref<!tpu.dma_semaphore, #tpu.memory_space<semaphore_mem>>)
    %add3A_797 = arith.constant 17920 : i32
    %add3A_798 = arith.addi %mul3A_2, %add3A_797 : i32
    %dma_wait3A_799 = arith.constant 0 : i32
    %dma_wait3A_800 = tpu.memref_slice %arg4[%add3A_798, %dma_wait3A_799] : memref<819200x64xf32, #tpu.memory_space<hbm>> -> memref<512x64xf32, #tpu.memory_space<hbm>>
    %dma_wait3A_801 = arith.constant 0 : i32
    %dma_wait3A_802 = tpu.memref_slice %arg4[%add3A_798, %dma_wait3A_801] : memref<819200x64xf32, #tpu.memory_space<hbm>> -> memref<512x64xf32, #tpu.memory_space<hbm>>
    tpu.wait_dma2 semaphore(%arg14 : memref<!tpu.dma_semaphore, #tpu.memory_space<semaphore_mem>>) src(%arg8 : memref<512x64xf32, #tpu.memory_space<vmem>>) dst(%dma_wait3A_802 : memref<512x64xf32, #tpu.memory_space<hbm>>)
    %dma_start3A_803 = arith.constant 19456 : i32
    %dma_start3A_804 = tpu.memref_slice %arg5[%dma_start3A_803] : memref<25600xi32, #tpu.memory_space<vmem>> -> memref<512xi32, #tpu.memory_space<vmem>>
    %dma_start3A_805 = arith.constant 0 : i32
    %dma_start3A_806 = arith.constant 0 : i32
    %dma_start3A_807 = tpu.memref_slice %arg2[%dma_start3A_805, %dma_start3A_806] : memref<1000000x64xf32, #tpu.memory_space<hbm>> -> memref<1000000x64xf32, #tpu.memory_space<hbm>>
    tpu.enqueue_indirect_dma source(%dma_start3A_807 : memref<1000000x64xf32, #tpu.memory_space<hbm>>) target(%arg8 : memref<512x64xf32, #tpu.memory_space<vmem>>) offsets(%dma_start3A_804 : memref<512xi32, #tpu.memory_space<vmem>>) semaphore(%arg11 : memref<!tpu.dma_semaphore, #tpu.memory_space<semaphore_mem>>)
    %dma_wait3A_808 = arith.constant 18432 : i32
    %dma_wait3A_809 = tpu.memref_slice %arg5[%dma_wait3A_808] : memref<25600xi32, #tpu.memory_space<vmem>> -> memref<512xi32, #tpu.memory_space<vmem>>
    %dma_wait3A_810 = arith.constant 0 : i32
    %dma_wait3A_811 = arith.constant 0 : i32
    %dma_wait3A_812 = tpu.memref_slice %arg2[%dma_wait3A_810, %dma_wait3A_811] : memref<1000000x64xf32, #tpu.memory_space<hbm>> -> memref<1000000x64xf32, #tpu.memory_space<hbm>>
    tpu.wait_indirect_dma semaphore(%arg9 : memref<!tpu.dma_semaphore, #tpu.memory_space<semaphore_mem>>) src(%dma_wait3A_812 : memref<1000000x64xf32, #tpu.memory_space<hbm>>) dst(%arg6 : memref<512x64xf32, #tpu.memory_space<vmem>>)
    %add3A_813 = arith.constant 18432 : i32
    %add3A_814 = arith.addi %mul3A_2, %add3A_813 : i32
    %dma_start3A_815 = arith.constant 0 : i32
    %dma_start3A_816 = tpu.memref_slice %arg4[%add3A_814, %dma_start3A_815] : memref<819200x64xf32, #tpu.memory_space<hbm>> -> memref<512x64xf32, #tpu.memory_space<hbm>>
    %dma_start3A_817 = arith.constant 0 : i32
    %dma_start3A_818 = tpu.memref_slice %arg4[%add3A_814, %dma_start3A_817] : memref<819200x64xf32, #tpu.memory_space<hbm>> -> memref<512x64xf32, #tpu.memory_space<hbm>>
    tpu.enqueue_dma source(%arg6 : memref<512x64xf32, #tpu.memory_space<vmem>>) target(%dma_start3A_818 : memref<512x64xf32, #tpu.memory_space<hbm>>) target_semaphore(%arg12 : memref<!tpu.dma_semaphore, #tpu.memory_space<semaphore_mem>>)
    %add3A_819 = arith.constant 18432 : i32
    %add3A_820 = arith.addi %mul3A_2, %add3A_819 : i32
    %dma_wait3A_821 = arith.constant 0 : i32
    %dma_wait3A_822 = tpu.memref_slice %arg4[%add3A_820, %dma_wait3A_821] : memref<819200x64xf32, #tpu.memory_space<hbm>> -> memref<512x64xf32, #tpu.memory_space<hbm>>
    %dma_wait3A_823 = arith.constant 0 : i32
    %dma_wait3A_824 = tpu.memref_slice %arg4[%add3A_820, %dma_wait3A_823] : memref<819200x64xf32, #tpu.memory_space<hbm>> -> memref<512x64xf32, #tpu.memory_space<hbm>>
    tpu.wait_dma2 semaphore(%arg12 : memref<!tpu.dma_semaphore, #tpu.memory_space<semaphore_mem>>) src(%arg6 : memref<512x64xf32, #tpu.memory_space<vmem>>) dst(%dma_wait3A_824 : memref<512x64xf32, #tpu.memory_space<hbm>>)
    %dma_start3A_825 = arith.constant 19968 : i32
    %dma_start3A_826 = tpu.memref_slice %arg5[%dma_start3A_825] : memref<25600xi32, #tpu.memory_space<vmem>> -> memref<512xi32, #tpu.memory_space<vmem>>
    %dma_start3A_827 = arith.constant 0 : i32
    %dma_start3A_828 = arith.constant 0 : i32
    %dma_start3A_829 = tpu.memref_slice %arg2[%dma_start3A_827, %dma_start3A_828] : memref<1000000x64xf32, #tpu.memory_space<hbm>> -> memref<1000000x64xf32, #tpu.memory_space<hbm>>
    tpu.enqueue_indirect_dma source(%dma_start3A_829 : memref<1000000x64xf32, #tpu.memory_space<hbm>>) target(%arg6 : memref<512x64xf32, #tpu.memory_space<vmem>>) offsets(%dma_start3A_826 : memref<512xi32, #tpu.memory_space<vmem>>) semaphore(%arg9 : memref<!tpu.dma_semaphore, #tpu.memory_space<semaphore_mem>>)
    %dma_wait3A_830 = arith.constant 18944 : i32
    %dma_wait3A_831 = tpu.memref_slice %arg5[%dma_wait3A_830] : memref<25600xi32, #tpu.memory_space<vmem>> -> memref<512xi32, #tpu.memory_space<vmem>>
    %dma_wait3A_832 = arith.constant 0 : i32
    %dma_wait3A_833 = arith.constant 0 : i32
    %dma_wait3A_834 = tpu.memref_slice %arg2[%dma_wait3A_832, %dma_wait3A_833] : memref<1000000x64xf32, #tpu.memory_space<hbm>> -> memref<1000000x64xf32, #tpu.memory_space<hbm>>
    tpu.wait_indirect_dma semaphore(%arg10 : memref<!tpu.dma_semaphore, #tpu.memory_space<semaphore_mem>>) src(%dma_wait3A_834 : memref<1000000x64xf32, #tpu.memory_space<hbm>>) dst(%arg7 : memref<512x64xf32, #tpu.memory_space<vmem>>)
    %add3A_835 = arith.constant 18944 : i32
    %add3A_836 = arith.addi %mul3A_2, %add3A_835 : i32
    %dma_start3A_837 = arith.constant 0 : i32
    %dma_start3A_838 = tpu.memref_slice %arg4[%add3A_836, %dma_start3A_837] : memref<819200x64xf32, #tpu.memory_space<hbm>> -> memref<512x64xf32, #tpu.memory_space<hbm>>
    %dma_start3A_839 = arith.constant 0 : i32
    %dma_start3A_840 = tpu.memref_slice %arg4[%add3A_836, %dma_start3A_839] : memref<819200x64xf32, #tpu.memory_space<hbm>> -> memref<512x64xf32, #tpu.memory_space<hbm>>
    tpu.enqueue_dma source(%arg7 : memref<512x64xf32, #tpu.memory_space<vmem>>) target(%dma_start3A_840 : memref<512x64xf32, #tpu.memory_space<hbm>>) target_semaphore(%arg13 : memref<!tpu.dma_semaphore, #tpu.memory_space<semaphore_mem>>)
    %add3A_841 = arith.constant 18944 : i32
    %add3A_842 = arith.addi %mul3A_2, %add3A_841 : i32
    %dma_wait3A_843 = arith.constant 0 : i32
    %dma_wait3A_844 = tpu.memref_slice %arg4[%add3A_842, %dma_wait3A_843] : memref<819200x64xf32, #tpu.memory_space<hbm>> -> memref<512x64xf32, #tpu.memory_space<hbm>>
    %dma_wait3A_845 = arith.constant 0 : i32
    %dma_wait3A_846 = tpu.memref_slice %arg4[%add3A_842, %dma_wait3A_845] : memref<819200x64xf32, #tpu.memory_space<hbm>> -> memref<512x64xf32, #tpu.memory_space<hbm>>
    tpu.wait_dma2 semaphore(%arg13 : memref<!tpu.dma_semaphore, #tpu.memory_space<semaphore_mem>>) src(%arg7 : memref<512x64xf32, #tpu.memory_space<vmem>>) dst(%dma_wait3A_846 : memref<512x64xf32, #tpu.memory_space<hbm>>)
    %dma_start3A_847 = arith.constant 20480 : i32
    %dma_start3A_848 = tpu.memref_slice %arg5[%dma_start3A_847] : memref<25600xi32, #tpu.memory_space<vmem>> -> memref<512xi32, #tpu.memory_space<vmem>>
    %dma_start3A_849 = arith.constant 0 : i32
    %dma_start3A_850 = arith.constant 0 : i32
    %dma_start3A_851 = tpu.memref_slice %arg2[%dma_start3A_849, %dma_start3A_850] : memref<1000000x64xf32, #tpu.memory_space<hbm>> -> memref<1000000x64xf32, #tpu.memory_space<hbm>>
    tpu.enqueue_indirect_dma source(%dma_start3A_851 : memref<1000000x64xf32, #tpu.memory_space<hbm>>) target(%arg7 : memref<512x64xf32, #tpu.memory_space<vmem>>) offsets(%dma_start3A_848 : memref<512xi32, #tpu.memory_space<vmem>>) semaphore(%arg10 : memref<!tpu.dma_semaphore, #tpu.memory_space<semaphore_mem>>)
    %dma_wait3A_852 = arith.constant 19456 : i32
    %dma_wait3A_853 = tpu.memref_slice %arg5[%dma_wait3A_852] : memref<25600xi32, #tpu.memory_space<vmem>> -> memref<512xi32, #tpu.memory_space<vmem>>
    %dma_wait3A_854 = arith.constant 0 : i32
    %dma_wait3A_855 = arith.constant 0 : i32
    %dma_wait3A_856 = tpu.memref_slice %arg2[%dma_wait3A_854, %dma_wait3A_855] : memref<1000000x64xf32, #tpu.memory_space<hbm>> -> memref<1000000x64xf32, #tpu.memory_space<hbm>>
    tpu.wait_indirect_dma semaphore(%arg11 : memref<!tpu.dma_semaphore, #tpu.memory_space<semaphore_mem>>) src(%dma_wait3A_856 : memref<1000000x64xf32, #tpu.memory_space<hbm>>) dst(%arg8 : memref<512x64xf32, #tpu.memory_space<vmem>>)
    %add3A_857 = arith.constant 19456 : i32
    %add3A_858 = arith.addi %mul3A_2, %add3A_857 : i32
    %dma_start3A_859 = arith.constant 0 : i32
    %dma_start3A_860 = tpu.memref_slice %arg4[%add3A_858, %dma_start3A_859] : memref<819200x64xf32, #tpu.memory_space<hbm>> -> memref<512x64xf32, #tpu.memory_space<hbm>>
    %dma_start3A_861 = arith.constant 0 : i32
    %dma_start3A_862 = tpu.memref_slice %arg4[%add3A_858, %dma_start3A_861] : memref<819200x64xf32, #tpu.memory_space<hbm>> -> memref<512x64xf32, #tpu.memory_space<hbm>>
    tpu.enqueue_dma source(%arg8 : memref<512x64xf32, #tpu.memory_space<vmem>>) target(%dma_start3A_862 : memref<512x64xf32, #tpu.memory_space<hbm>>) target_semaphore(%arg14 : memref<!tpu.dma_semaphore, #tpu.memory_space<semaphore_mem>>)
    %add3A_863 = arith.constant 19456 : i32
    %add3A_864 = arith.addi %mul3A_2, %add3A_863 : i32
    %dma_wait3A_865 = arith.constant 0 : i32
    %dma_wait3A_866 = tpu.memref_slice %arg4[%add3A_864, %dma_wait3A_865] : memref<819200x64xf32, #tpu.memory_space<hbm>> -> memref<512x64xf32, #tpu.memory_space<hbm>>
    %dma_wait3A_867 = arith.constant 0 : i32
    %dma_wait3A_868 = tpu.memref_slice %arg4[%add3A_864, %dma_wait3A_867] : memref<819200x64xf32, #tpu.memory_space<hbm>> -> memref<512x64xf32, #tpu.memory_space<hbm>>
    tpu.wait_dma2 semaphore(%arg14 : memref<!tpu.dma_semaphore, #tpu.memory_space<semaphore_mem>>) src(%arg8 : memref<512x64xf32, #tpu.memory_space<vmem>>) dst(%dma_wait3A_868 : memref<512x64xf32, #tpu.memory_space<hbm>>)
    %dma_start3A_869 = arith.constant 20992 : i32
    %dma_start3A_870 = tpu.memref_slice %arg5[%dma_start3A_869] : memref<25600xi32, #tpu.memory_space<vmem>> -> memref<512xi32, #tpu.memory_space<vmem>>
    %dma_start3A_871 = arith.constant 0 : i32
    %dma_start3A_872 = arith.constant 0 : i32
    %dma_start3A_873 = tpu.memref_slice %arg2[%dma_start3A_871, %dma_start3A_872] : memref<1000000x64xf32, #tpu.memory_space<hbm>> -> memref<1000000x64xf32, #tpu.memory_space<hbm>>
    tpu.enqueue_indirect_dma source(%dma_start3A_873 : memref<1000000x64xf32, #tpu.memory_space<hbm>>) target(%arg8 : memref<512x64xf32, #tpu.memory_space<vmem>>) offsets(%dma_start3A_870 : memref<512xi32, #tpu.memory_space<vmem>>) semaphore(%arg11 : memref<!tpu.dma_semaphore, #tpu.memory_space<semaphore_mem>>)
    %dma_wait3A_874 = arith.constant 19968 : i32
    %dma_wait3A_875 = tpu.memref_slice %arg5[%dma_wait3A_874] : memref<25600xi32, #tpu.memory_space<vmem>> -> memref<512xi32, #tpu.memory_space<vmem>>
    %dma_wait3A_876 = arith.constant 0 : i32
    %dma_wait3A_877 = arith.constant 0 : i32
    %dma_wait3A_878 = tpu.memref_slice %arg2[%dma_wait3A_876, %dma_wait3A_877] : memref<1000000x64xf32, #tpu.memory_space<hbm>> -> memref<1000000x64xf32, #tpu.memory_space<hbm>>
    tpu.wait_indirect_dma semaphore(%arg9 : memref<!tpu.dma_semaphore, #tpu.memory_space<semaphore_mem>>) src(%dma_wait3A_878 : memref<1000000x64xf32, #tpu.memory_space<hbm>>) dst(%arg6 : memref<512x64xf32, #tpu.memory_space<vmem>>)
    %add3A_879 = arith.constant 19968 : i32
    %add3A_880 = arith.addi %mul3A_2, %add3A_879 : i32
    %dma_start3A_881 = arith.constant 0 : i32
    %dma_start3A_882 = tpu.memref_slice %arg4[%add3A_880, %dma_start3A_881] : memref<819200x64xf32, #tpu.memory_space<hbm>> -> memref<512x64xf32, #tpu.memory_space<hbm>>
    %dma_start3A_883 = arith.constant 0 : i32
    %dma_start3A_884 = tpu.memref_slice %arg4[%add3A_880, %dma_start3A_883] : memref<819200x64xf32, #tpu.memory_space<hbm>> -> memref<512x64xf32, #tpu.memory_space<hbm>>
    tpu.enqueue_dma source(%arg6 : memref<512x64xf32, #tpu.memory_space<vmem>>) target(%dma_start3A_884 : memref<512x64xf32, #tpu.memory_space<hbm>>) target_semaphore(%arg12 : memref<!tpu.dma_semaphore, #tpu.memory_space<semaphore_mem>>)
    %add3A_885 = arith.constant 19968 : i32
    %add3A_886 = arith.addi %mul3A_2, %add3A_885 : i32
    %dma_wait3A_887 = arith.constant 0 : i32
    %dma_wait3A_888 = tpu.memref_slice %arg4[%add3A_886, %dma_wait3A_887] : memref<819200x64xf32, #tpu.memory_space<hbm>> -> memref<512x64xf32, #tpu.memory_space<hbm>>
    %dma_wait3A_889 = arith.constant 0 : i32
    %dma_wait3A_890 = tpu.memref_slice %arg4[%add3A_886, %dma_wait3A_889] : memref<819200x64xf32, #tpu.memory_space<hbm>> -> memref<512x64xf32, #tpu.memory_space<hbm>>
    tpu.wait_dma2 semaphore(%arg12 : memref<!tpu.dma_semaphore, #tpu.memory_space<semaphore_mem>>) src(%arg6 : memref<512x64xf32, #tpu.memory_space<vmem>>) dst(%dma_wait3A_890 : memref<512x64xf32, #tpu.memory_space<hbm>>)
    %dma_start3A_891 = arith.constant 21504 : i32
    %dma_start3A_892 = tpu.memref_slice %arg5[%dma_start3A_891] : memref<25600xi32, #tpu.memory_space<vmem>> -> memref<512xi32, #tpu.memory_space<vmem>>
    %dma_start3A_893 = arith.constant 0 : i32
    %dma_start3A_894 = arith.constant 0 : i32
    %dma_start3A_895 = tpu.memref_slice %arg2[%dma_start3A_893, %dma_start3A_894] : memref<1000000x64xf32, #tpu.memory_space<hbm>> -> memref<1000000x64xf32, #tpu.memory_space<hbm>>
    tpu.enqueue_indirect_dma source(%dma_start3A_895 : memref<1000000x64xf32, #tpu.memory_space<hbm>>) target(%arg6 : memref<512x64xf32, #tpu.memory_space<vmem>>) offsets(%dma_start3A_892 : memref<512xi32, #tpu.memory_space<vmem>>) semaphore(%arg9 : memref<!tpu.dma_semaphore, #tpu.memory_space<semaphore_mem>>)
    %dma_wait3A_896 = arith.constant 20480 : i32
    %dma_wait3A_897 = tpu.memref_slice %arg5[%dma_wait3A_896] : memref<25600xi32, #tpu.memory_space<vmem>> -> memref<512xi32, #tpu.memory_space<vmem>>
    %dma_wait3A_898 = arith.constant 0 : i32
    %dma_wait3A_899 = arith.constant 0 : i32
    %dma_wait3A_900 = tpu.memref_slice %arg2[%dma_wait3A_898, %dma_wait3A_899] : memref<1000000x64xf32, #tpu.memory_space<hbm>> -> memref<1000000x64xf32, #tpu.memory_space<hbm>>
    tpu.wait_indirect_dma semaphore(%arg10 : memref<!tpu.dma_semaphore, #tpu.memory_space<semaphore_mem>>) src(%dma_wait3A_900 : memref<1000000x64xf32, #tpu.memory_space<hbm>>) dst(%arg7 : memref<512x64xf32, #tpu.memory_space<vmem>>)
    %add3A_901 = arith.constant 20480 : i32
    %add3A_902 = arith.addi %mul3A_2, %add3A_901 : i32
    %dma_start3A_903 = arith.constant 0 : i32
    %dma_start3A_904 = tpu.memref_slice %arg4[%add3A_902, %dma_start3A_903] : memref<819200x64xf32, #tpu.memory_space<hbm>> -> memref<512x64xf32, #tpu.memory_space<hbm>>
    %dma_start3A_905 = arith.constant 0 : i32
    %dma_start3A_906 = tpu.memref_slice %arg4[%add3A_902, %dma_start3A_905] : memref<819200x64xf32, #tpu.memory_space<hbm>> -> memref<512x64xf32, #tpu.memory_space<hbm>>
    tpu.enqueue_dma source(%arg7 : memref<512x64xf32, #tpu.memory_space<vmem>>) target(%dma_start3A_906 : memref<512x64xf32, #tpu.memory_space<hbm>>) target_semaphore(%arg13 : memref<!tpu.dma_semaphore, #tpu.memory_space<semaphore_mem>>)
    %add3A_907 = arith.constant 20480 : i32
    %add3A_908 = arith.addi %mul3A_2, %add3A_907 : i32
    %dma_wait3A_909 = arith.constant 0 : i32
    %dma_wait3A_910 = tpu.memref_slice %arg4[%add3A_908, %dma_wait3A_909] : memref<819200x64xf32, #tpu.memory_space<hbm>> -> memref<512x64xf32, #tpu.memory_space<hbm>>
    %dma_wait3A_911 = arith.constant 0 : i32
    %dma_wait3A_912 = tpu.memref_slice %arg4[%add3A_908, %dma_wait3A_911] : memref<819200x64xf32, #tpu.memory_space<hbm>> -> memref<512x64xf32, #tpu.memory_space<hbm>>
    tpu.wait_dma2 semaphore(%arg13 : memref<!tpu.dma_semaphore, #tpu.memory_space<semaphore_mem>>) src(%arg7 : memref<512x64xf32, #tpu.memory_space<vmem>>) dst(%dma_wait3A_912 : memref<512x64xf32, #tpu.memory_space<hbm>>)
    %dma_start3A_913 = arith.constant 22016 : i32
    %dma_start3A_914 = tpu.memref_slice %arg5[%dma_start3A_913] : memref<25600xi32, #tpu.memory_space<vmem>> -> memref<512xi32, #tpu.memory_space<vmem>>
    %dma_start3A_915 = arith.constant 0 : i32
    %dma_start3A_916 = arith.constant 0 : i32
    %dma_start3A_917 = tpu.memref_slice %arg2[%dma_start3A_915, %dma_start3A_916] : memref<1000000x64xf32, #tpu.memory_space<hbm>> -> memref<1000000x64xf32, #tpu.memory_space<hbm>>
    tpu.enqueue_indirect_dma source(%dma_start3A_917 : memref<1000000x64xf32, #tpu.memory_space<hbm>>) target(%arg7 : memref<512x64xf32, #tpu.memory_space<vmem>>) offsets(%dma_start3A_914 : memref<512xi32, #tpu.memory_space<vmem>>) semaphore(%arg10 : memref<!tpu.dma_semaphore, #tpu.memory_space<semaphore_mem>>)
    %dma_wait3A_918 = arith.constant 20992 : i32
    %dma_wait3A_919 = tpu.memref_slice %arg5[%dma_wait3A_918] : memref<25600xi32, #tpu.memory_space<vmem>> -> memref<512xi32, #tpu.memory_space<vmem>>
    %dma_wait3A_920 = arith.constant 0 : i32
    %dma_wait3A_921 = arith.constant 0 : i32
    %dma_wait3A_922 = tpu.memref_slice %arg2[%dma_wait3A_920, %dma_wait3A_921] : memref<1000000x64xf32, #tpu.memory_space<hbm>> -> memref<1000000x64xf32, #tpu.memory_space<hbm>>
    tpu.wait_indirect_dma semaphore(%arg11 : memref<!tpu.dma_semaphore, #tpu.memory_space<semaphore_mem>>) src(%dma_wait3A_922 : memref<1000000x64xf32, #tpu.memory_space<hbm>>) dst(%arg8 : memref<512x64xf32, #tpu.memory_space<vmem>>)
    %add3A_923 = arith.constant 20992 : i32
    %add3A_924 = arith.addi %mul3A_2, %add3A_923 : i32
    %dma_start3A_925 = arith.constant 0 : i32
    %dma_start3A_926 = tpu.memref_slice %arg4[%add3A_924, %dma_start3A_925] : memref<819200x64xf32, #tpu.memory_space<hbm>> -> memref<512x64xf32, #tpu.memory_space<hbm>>
    %dma_start3A_927 = arith.constant 0 : i32
    %dma_start3A_928 = tpu.memref_slice %arg4[%add3A_924, %dma_start3A_927] : memref<819200x64xf32, #tpu.memory_space<hbm>> -> memref<512x64xf32, #tpu.memory_space<hbm>>
    tpu.enqueue_dma source(%arg8 : memref<512x64xf32, #tpu.memory_space<vmem>>) target(%dma_start3A_928 : memref<512x64xf32, #tpu.memory_space<hbm>>) target_semaphore(%arg14 : memref<!tpu.dma_semaphore, #tpu.memory_space<semaphore_mem>>)
    %add3A_929 = arith.constant 20992 : i32
    %add3A_930 = arith.addi %mul3A_2, %add3A_929 : i32
    %dma_wait3A_931 = arith.constant 0 : i32
    %dma_wait3A_932 = tpu.memref_slice %arg4[%add3A_930, %dma_wait3A_931] : memref<819200x64xf32, #tpu.memory_space<hbm>> -> memref<512x64xf32, #tpu.memory_space<hbm>>
    %dma_wait3A_933 = arith.constant 0 : i32
    %dma_wait3A_934 = tpu.memref_slice %arg4[%add3A_930, %dma_wait3A_933] : memref<819200x64xf32, #tpu.memory_space<hbm>> -> memref<512x64xf32, #tpu.memory_space<hbm>>
    tpu.wait_dma2 semaphore(%arg14 : memref<!tpu.dma_semaphore, #tpu.memory_space<semaphore_mem>>) src(%arg8 : memref<512x64xf32, #tpu.memory_space<vmem>>) dst(%dma_wait3A_934 : memref<512x64xf32, #tpu.memory_space<hbm>>)
    %dma_start3A_935 = arith.constant 22528 : i32
    %dma_start3A_936 = tpu.memref_slice %arg5[%dma_start3A_935] : memref<25600xi32, #tpu.memory_space<vmem>> -> memref<512xi32, #tpu.memory_space<vmem>>
    %dma_start3A_937 = arith.constant 0 : i32
    %dma_start3A_938 = arith.constant 0 : i32
    %dma_start3A_939 = tpu.memref_slice %arg2[%dma_start3A_937, %dma_start3A_938] : memref<1000000x64xf32, #tpu.memory_space<hbm>> -> memref<1000000x64xf32, #tpu.memory_space<hbm>>
    tpu.enqueue_indirect_dma source(%dma_start3A_939 : memref<1000000x64xf32, #tpu.memory_space<hbm>>) target(%arg8 : memref<512x64xf32, #tpu.memory_space<vmem>>) offsets(%dma_start3A_936 : memref<512xi32, #tpu.memory_space<vmem>>) semaphore(%arg11 : memref<!tpu.dma_semaphore, #tpu.memory_space<semaphore_mem>>)
    %dma_wait3A_940 = arith.constant 21504 : i32
    %dma_wait3A_941 = tpu.memref_slice %arg5[%dma_wait3A_940] : memref<25600xi32, #tpu.memory_space<vmem>> -> memref<512xi32, #tpu.memory_space<vmem>>
    %dma_wait3A_942 = arith.constant 0 : i32
    %dma_wait3A_943 = arith.constant 0 : i32
    %dma_wait3A_944 = tpu.memref_slice %arg2[%dma_wait3A_942, %dma_wait3A_943] : memref<1000000x64xf32, #tpu.memory_space<hbm>> -> memref<1000000x64xf32, #tpu.memory_space<hbm>>
    tpu.wait_indirect_dma semaphore(%arg9 : memref<!tpu.dma_semaphore, #tpu.memory_space<semaphore_mem>>) src(%dma_wait3A_944 : memref<1000000x64xf32, #tpu.memory_space<hbm>>) dst(%arg6 : memref<512x64xf32, #tpu.memory_space<vmem>>)
    %add3A_945 = arith.constant 21504 : i32
    %add3A_946 = arith.addi %mul3A_2, %add3A_945 : i32
    %dma_start3A_947 = arith.constant 0 : i32
    %dma_start3A_948 = tpu.memref_slice %arg4[%add3A_946, %dma_start3A_947] : memref<819200x64xf32, #tpu.memory_space<hbm>> -> memref<512x64xf32, #tpu.memory_space<hbm>>
    %dma_start3A_949 = arith.constant 0 : i32
    %dma_start3A_950 = tpu.memref_slice %arg4[%add3A_946, %dma_start3A_949] : memref<819200x64xf32, #tpu.memory_space<hbm>> -> memref<512x64xf32, #tpu.memory_space<hbm>>
    tpu.enqueue_dma source(%arg6 : memref<512x64xf32, #tpu.memory_space<vmem>>) target(%dma_start3A_950 : memref<512x64xf32, #tpu.memory_space<hbm>>) target_semaphore(%arg12 : memref<!tpu.dma_semaphore, #tpu.memory_space<semaphore_mem>>)
    %add3A_951 = arith.constant 21504 : i32
    %add3A_952 = arith.addi %mul3A_2, %add3A_951 : i32
    %dma_wait3A_953 = arith.constant 0 : i32
    %dma_wait3A_954 = tpu.memref_slice %arg4[%add3A_952, %dma_wait3A_953] : memref<819200x64xf32, #tpu.memory_space<hbm>> -> memref<512x64xf32, #tpu.memory_space<hbm>>
    %dma_wait3A_955 = arith.constant 0 : i32
    %dma_wait3A_956 = tpu.memref_slice %arg4[%add3A_952, %dma_wait3A_955] : memref<819200x64xf32, #tpu.memory_space<hbm>> -> memref<512x64xf32, #tpu.memory_space<hbm>>
    tpu.wait_dma2 semaphore(%arg12 : memref<!tpu.dma_semaphore, #tpu.memory_space<semaphore_mem>>) src(%arg6 : memref<512x64xf32, #tpu.memory_space<vmem>>) dst(%dma_wait3A_956 : memref<512x64xf32, #tpu.memory_space<hbm>>)
    %dma_start3A_957 = arith.constant 23040 : i32
    %dma_start3A_958 = tpu.memref_slice %arg5[%dma_start3A_957] : memref<25600xi32, #tpu.memory_space<vmem>> -> memref<512xi32, #tpu.memory_space<vmem>>
    %dma_start3A_959 = arith.constant 0 : i32
    %dma_start3A_960 = arith.constant 0 : i32
    %dma_start3A_961 = tpu.memref_slice %arg2[%dma_start3A_959, %dma_start3A_960] : memref<1000000x64xf32, #tpu.memory_space<hbm>> -> memref<1000000x64xf32, #tpu.memory_space<hbm>>
    tpu.enqueue_indirect_dma source(%dma_start3A_961 : memref<1000000x64xf32, #tpu.memory_space<hbm>>) target(%arg6 : memref<512x64xf32, #tpu.memory_space<vmem>>) offsets(%dma_start3A_958 : memref<512xi32, #tpu.memory_space<vmem>>) semaphore(%arg9 : memref<!tpu.dma_semaphore, #tpu.memory_space<semaphore_mem>>)
    %dma_wait3A_962 = arith.constant 22016 : i32
    %dma_wait3A_963 = tpu.memref_slice %arg5[%dma_wait3A_962] : memref<25600xi32, #tpu.memory_space<vmem>> -> memref<512xi32, #tpu.memory_space<vmem>>
    %dma_wait3A_964 = arith.constant 0 : i32
    %dma_wait3A_965 = arith.constant 0 : i32
    %dma_wait3A_966 = tpu.memref_slice %arg2[%dma_wait3A_964, %dma_wait3A_965] : memref<1000000x64xf32, #tpu.memory_space<hbm>> -> memref<1000000x64xf32, #tpu.memory_space<hbm>>
    tpu.wait_indirect_dma semaphore(%arg10 : memref<!tpu.dma_semaphore, #tpu.memory_space<semaphore_mem>>) src(%dma_wait3A_966 : memref<1000000x64xf32, #tpu.memory_space<hbm>>) dst(%arg7 : memref<512x64xf32, #tpu.memory_space<vmem>>)
    %add3A_967 = arith.constant 22016 : i32
    %add3A_968 = arith.addi %mul3A_2, %add3A_967 : i32
    %dma_start3A_969 = arith.constant 0 : i32
    %dma_start3A_970 = tpu.memref_slice %arg4[%add3A_968, %dma_start3A_969] : memref<819200x64xf32, #tpu.memory_space<hbm>> -> memref<512x64xf32, #tpu.memory_space<hbm>>
    %dma_start3A_971 = arith.constant 0 : i32
    %dma_start3A_972 = tpu.memref_slice %arg4[%add3A_968, %dma_start3A_971] : memref<819200x64xf32, #tpu.memory_space<hbm>> -> memref<512x64xf32, #tpu.memory_space<hbm>>
    tpu.enqueue_dma source(%arg7 : memref<512x64xf32, #tpu.memory_space<vmem>>) target(%dma_start3A_972 : memref<512x64xf32, #tpu.memory_space<hbm>>) target_semaphore(%arg13 : memref<!tpu.dma_semaphore, #tpu.memory_space<semaphore_mem>>)
    %add3A_973 = arith.constant 22016 : i32
    %add3A_974 = arith.addi %mul3A_2, %add3A_973 : i32
    %dma_wait3A_975 = arith.constant 0 : i32
    %dma_wait3A_976 = tpu.memref_slice %arg4[%add3A_974, %dma_wait3A_975] : memref<819200x64xf32, #tpu.memory_space<hbm>> -> memref<512x64xf32, #tpu.memory_space<hbm>>
    %dma_wait3A_977 = arith.constant 0 : i32
    %dma_wait3A_978 = tpu.memref_slice %arg4[%add3A_974, %dma_wait3A_977] : memref<819200x64xf32, #tpu.memory_space<hbm>> -> memref<512x64xf32, #tpu.memory_space<hbm>>
    tpu.wait_dma2 semaphore(%arg13 : memref<!tpu.dma_semaphore, #tpu.memory_space<semaphore_mem>>) src(%arg7 : memref<512x64xf32, #tpu.memory_space<vmem>>) dst(%dma_wait3A_978 : memref<512x64xf32, #tpu.memory_space<hbm>>)
    %dma_start3A_979 = arith.constant 23552 : i32
    %dma_start3A_980 = tpu.memref_slice %arg5[%dma_start3A_979] : memref<25600xi32, #tpu.memory_space<vmem>> -> memref<512xi32, #tpu.memory_space<vmem>>
    %dma_start3A_981 = arith.constant 0 : i32
    %dma_start3A_982 = arith.constant 0 : i32
    %dma_start3A_983 = tpu.memref_slice %arg2[%dma_start3A_981, %dma_start3A_982] : memref<1000000x64xf32, #tpu.memory_space<hbm>> -> memref<1000000x64xf32, #tpu.memory_space<hbm>>
    tpu.enqueue_indirect_dma source(%dma_start3A_983 : memref<1000000x64xf32, #tpu.memory_space<hbm>>) target(%arg7 : memref<512x64xf32, #tpu.memory_space<vmem>>) offsets(%dma_start3A_980 : memref<512xi32, #tpu.memory_space<vmem>>) semaphore(%arg10 : memref<!tpu.dma_semaphore, #tpu.memory_space<semaphore_mem>>)
    %dma_wait3A_984 = arith.constant 22528 : i32
    %dma_wait3A_985 = tpu.memref_slice %arg5[%dma_wait3A_984] : memref<25600xi32, #tpu.memory_space<vmem>> -> memref<512xi32, #tpu.memory_space<vmem>>
    %dma_wait3A_986 = arith.constant 0 : i32
    %dma_wait3A_987 = arith.constant 0 : i32
    %dma_wait3A_988 = tpu.memref_slice %arg2[%dma_wait3A_986, %dma_wait3A_987] : memref<1000000x64xf32, #tpu.memory_space<hbm>> -> memref<1000000x64xf32, #tpu.memory_space<hbm>>
    tpu.wait_indirect_dma semaphore(%arg11 : memref<!tpu.dma_semaphore, #tpu.memory_space<semaphore_mem>>) src(%dma_wait3A_988 : memref<1000000x64xf32, #tpu.memory_space<hbm>>) dst(%arg8 : memref<512x64xf32, #tpu.memory_space<vmem>>)
    %add3A_989 = arith.constant 22528 : i32
    %add3A_990 = arith.addi %mul3A_2, %add3A_989 : i32
    %dma_start3A_991 = arith.constant 0 : i32
    %dma_start3A_992 = tpu.memref_slice %arg4[%add3A_990, %dma_start3A_991] : memref<819200x64xf32, #tpu.memory_space<hbm>> -> memref<512x64xf32, #tpu.memory_space<hbm>>
    %dma_start3A_993 = arith.constant 0 : i32
    %dma_start3A_994 = tpu.memref_slice %arg4[%add3A_990, %dma_start3A_993] : memref<819200x64xf32, #tpu.memory_space<hbm>> -> memref<512x64xf32, #tpu.memory_space<hbm>>
    tpu.enqueue_dma source(%arg8 : memref<512x64xf32, #tpu.memory_space<vmem>>) target(%dma_start3A_994 : memref<512x64xf32, #tpu.memory_space<hbm>>) target_semaphore(%arg14 : memref<!tpu.dma_semaphore, #tpu.memory_space<semaphore_mem>>)
    %add3A_995 = arith.constant 22528 : i32
    %add3A_996 = arith.addi %mul3A_2, %add3A_995 : i32
    %dma_wait3A_997 = arith.constant 0 : i32
    %dma_wait3A_998 = tpu.memref_slice %arg4[%add3A_996, %dma_wait3A_997] : memref<819200x64xf32, #tpu.memory_space<hbm>> -> memref<512x64xf32, #tpu.memory_space<hbm>>
    %dma_wait3A_999 = arith.constant 0 : i32
    %dma_wait3A_1000 = tpu.memref_slice %arg4[%add3A_996, %dma_wait3A_999] : memref<819200x64xf32, #tpu.memory_space<hbm>> -> memref<512x64xf32, #tpu.memory_space<hbm>>
    tpu.wait_dma2 semaphore(%arg14 : memref<!tpu.dma_semaphore, #tpu.memory_space<semaphore_mem>>) src(%arg8 : memref<512x64xf32, #tpu.memory_space<vmem>>) dst(%dma_wait3A_1000 : memref<512x64xf32, #tpu.memory_space<hbm>>)
    %dma_start3A_1001 = arith.constant 24064 : i32
    %dma_start3A_1002 = tpu.memref_slice %arg5[%dma_start3A_1001] : memref<25600xi32, #tpu.memory_space<vmem>> -> memref<512xi32, #tpu.memory_space<vmem>>
    %dma_start3A_1003 = arith.constant 0 : i32
    %dma_start3A_1004 = arith.constant 0 : i32
    %dma_start3A_1005 = tpu.memref_slice %arg2[%dma_start3A_1003, %dma_start3A_1004] : memref<1000000x64xf32, #tpu.memory_space<hbm>> -> memref<1000000x64xf32, #tpu.memory_space<hbm>>
    tpu.enqueue_indirect_dma source(%dma_start3A_1005 : memref<1000000x64xf32, #tpu.memory_space<hbm>>) target(%arg8 : memref<512x64xf32, #tpu.memory_space<vmem>>) offsets(%dma_start3A_1002 : memref<512xi32, #tpu.memory_space<vmem>>) semaphore(%arg11 : memref<!tpu.dma_semaphore, #tpu.memory_space<semaphore_mem>>)
    %dma_wait3A_1006 = arith.constant 23040 : i32
    %dma_wait3A_1007 = tpu.memref_slice %arg5[%dma_wait3A_1006] : memref<25600xi32, #tpu.memory_space<vmem>> -> memref<512xi32, #tpu.memory_space<vmem>>
    %dma_wait3A_1008 = arith.constant 0 : i32
    %dma_wait3A_1009 = arith.constant 0 : i32
    %dma_wait3A_1010 = tpu.memref_slice %arg2[%dma_wait3A_1008, %dma_wait3A_1009] : memref<1000000x64xf32, #tpu.memory_space<hbm>> -> memref<1000000x64xf32, #tpu.memory_space<hbm>>
    tpu.wait_indirect_dma semaphore(%arg9 : memref<!tpu.dma_semaphore, #tpu.memory_space<semaphore_mem>>) src(%dma_wait3A_1010 : memref<1000000x64xf32, #tpu.memory_space<hbm>>) dst(%arg6 : memref<512x64xf32, #tpu.memory_space<vmem>>)
    %add3A_1011 = arith.constant 23040 : i32
    %add3A_1012 = arith.addi %mul3A_2, %add3A_1011 : i32
    %dma_start3A_1013 = arith.constant 0 : i32
    %dma_start3A_1014 = tpu.memref_slice %arg4[%add3A_1012, %dma_start3A_1013] : memref<819200x64xf32, #tpu.memory_space<hbm>> -> memref<512x64xf32, #tpu.memory_space<hbm>>
    %dma_start3A_1015 = arith.constant 0 : i32
    %dma_start3A_1016 = tpu.memref_slice %arg4[%add3A_1012, %dma_start3A_1015] : memref<819200x64xf32, #tpu.memory_space<hbm>> -> memref<512x64xf32, #tpu.memory_space<hbm>>
    tpu.enqueue_dma source(%arg6 : memref<512x64xf32, #tpu.memory_space<vmem>>) target(%dma_start3A_1016 : memref<512x64xf32, #tpu.memory_space<hbm>>) target_semaphore(%arg12 : memref<!tpu.dma_semaphore, #tpu.memory_space<semaphore_mem>>)
    %add3A_1017 = arith.constant 23040 : i32
    %add3A_1018 = arith.addi %mul3A_2, %add3A_1017 : i32
    %dma_wait3A_1019 = arith.constant 0 : i32
    %dma_wait3A_1020 = tpu.memref_slice %arg4[%add3A_1018, %dma_wait3A_1019] : memref<819200x64xf32, #tpu.memory_space<hbm>> -> memref<512x64xf32, #tpu.memory_space<hbm>>
    %dma_wait3A_1021 = arith.constant 0 : i32
    %dma_wait3A_1022 = tpu.memref_slice %arg4[%add3A_1018, %dma_wait3A_1021] : memref<819200x64xf32, #tpu.memory_space<hbm>> -> memref<512x64xf32, #tpu.memory_space<hbm>>
    tpu.wait_dma2 semaphore(%arg12 : memref<!tpu.dma_semaphore, #tpu.memory_space<semaphore_mem>>) src(%arg6 : memref<512x64xf32, #tpu.memory_space<vmem>>) dst(%dma_wait3A_1022 : memref<512x64xf32, #tpu.memory_space<hbm>>)
    %dma_start3A_1023 = arith.constant 24576 : i32
    %dma_start3A_1024 = tpu.memref_slice %arg5[%dma_start3A_1023] : memref<25600xi32, #tpu.memory_space<vmem>> -> memref<512xi32, #tpu.memory_space<vmem>>
    %dma_start3A_1025 = arith.constant 0 : i32
    %dma_start3A_1026 = arith.constant 0 : i32
    %dma_start3A_1027 = tpu.memref_slice %arg2[%dma_start3A_1025, %dma_start3A_1026] : memref<1000000x64xf32, #tpu.memory_space<hbm>> -> memref<1000000x64xf32, #tpu.memory_space<hbm>>
    tpu.enqueue_indirect_dma source(%dma_start3A_1027 : memref<1000000x64xf32, #tpu.memory_space<hbm>>) target(%arg6 : memref<512x64xf32, #tpu.memory_space<vmem>>) offsets(%dma_start3A_1024 : memref<512xi32, #tpu.memory_space<vmem>>) semaphore(%arg9 : memref<!tpu.dma_semaphore, #tpu.memory_space<semaphore_mem>>)
    %dma_wait3A_1028 = arith.constant 23552 : i32
    %dma_wait3A_1029 = tpu.memref_slice %arg5[%dma_wait3A_1028] : memref<25600xi32, #tpu.memory_space<vmem>> -> memref<512xi32, #tpu.memory_space<vmem>>
    %dma_wait3A_1030 = arith.constant 0 : i32
    %dma_wait3A_1031 = arith.constant 0 : i32
    %dma_wait3A_1032 = tpu.memref_slice %arg2[%dma_wait3A_1030, %dma_wait3A_1031] : memref<1000000x64xf32, #tpu.memory_space<hbm>> -> memref<1000000x64xf32, #tpu.memory_space<hbm>>
    tpu.wait_indirect_dma semaphore(%arg10 : memref<!tpu.dma_semaphore, #tpu.memory_space<semaphore_mem>>) src(%dma_wait3A_1032 : memref<1000000x64xf32, #tpu.memory_space<hbm>>) dst(%arg7 : memref<512x64xf32, #tpu.memory_space<vmem>>)
    %add3A_1033 = arith.constant 23552 : i32
    %add3A_1034 = arith.addi %mul3A_2, %add3A_1033 : i32
    %dma_start3A_1035 = arith.constant 0 : i32
    %dma_start3A_1036 = tpu.memref_slice %arg4[%add3A_1034, %dma_start3A_1035] : memref<819200x64xf32, #tpu.memory_space<hbm>> -> memref<512x64xf32, #tpu.memory_space<hbm>>
    %dma_start3A_1037 = arith.constant 0 : i32
    %dma_start3A_1038 = tpu.memref_slice %arg4[%add3A_1034, %dma_start3A_1037] : memref<819200x64xf32, #tpu.memory_space<hbm>> -> memref<512x64xf32, #tpu.memory_space<hbm>>
    tpu.enqueue_dma source(%arg7 : memref<512x64xf32, #tpu.memory_space<vmem>>) target(%dma_start3A_1038 : memref<512x64xf32, #tpu.memory_space<hbm>>) target_semaphore(%arg13 : memref<!tpu.dma_semaphore, #tpu.memory_space<semaphore_mem>>)
    %add3A_1039 = arith.constant 23552 : i32
    %add3A_1040 = arith.addi %mul3A_2, %add3A_1039 : i32
    %dma_wait3A_1041 = arith.constant 0 : i32
    %dma_wait3A_1042 = tpu.memref_slice %arg4[%add3A_1040, %dma_wait3A_1041] : memref<819200x64xf32, #tpu.memory_space<hbm>> -> memref<512x64xf32, #tpu.memory_space<hbm>>
    %dma_wait3A_1043 = arith.constant 0 : i32
    %dma_wait3A_1044 = tpu.memref_slice %arg4[%add3A_1040, %dma_wait3A_1043] : memref<819200x64xf32, #tpu.memory_space<hbm>> -> memref<512x64xf32, #tpu.memory_space<hbm>>
    tpu.wait_dma2 semaphore(%arg13 : memref<!tpu.dma_semaphore, #tpu.memory_space<semaphore_mem>>) src(%arg7 : memref<512x64xf32, #tpu.memory_space<vmem>>) dst(%dma_wait3A_1044 : memref<512x64xf32, #tpu.memory_space<hbm>>)
    %dma_start3A_1045 = arith.constant 25088 : i32
    %dma_start3A_1046 = tpu.memref_slice %arg5[%dma_start3A_1045] : memref<25600xi32, #tpu.memory_space<vmem>> -> memref<512xi32, #tpu.memory_space<vmem>>
    %dma_start3A_1047 = arith.constant 0 : i32
    %dma_start3A_1048 = arith.constant 0 : i32
    %dma_start3A_1049 = tpu.memref_slice %arg2[%dma_start3A_1047, %dma_start3A_1048] : memref<1000000x64xf32, #tpu.memory_space<hbm>> -> memref<1000000x64xf32, #tpu.memory_space<hbm>>
    tpu.enqueue_indirect_dma source(%dma_start3A_1049 : memref<1000000x64xf32, #tpu.memory_space<hbm>>) target(%arg7 : memref<512x64xf32, #tpu.memory_space<vmem>>) offsets(%dma_start3A_1046 : memref<512xi32, #tpu.memory_space<vmem>>) semaphore(%arg10 : memref<!tpu.dma_semaphore, #tpu.memory_space<semaphore_mem>>)
    %dma_wait3A_1050 = arith.constant 24064 : i32
    %dma_wait3A_1051 = tpu.memref_slice %arg5[%dma_wait3A_1050] : memref<25600xi32, #tpu.memory_space<vmem>> -> memref<512xi32, #tpu.memory_space<vmem>>
    %dma_wait3A_1052 = arith.constant 0 : i32
    %dma_wait3A_1053 = arith.constant 0 : i32
    %dma_wait3A_1054 = tpu.memref_slice %arg2[%dma_wait3A_1052, %dma_wait3A_1053] : memref<1000000x64xf32, #tpu.memory_space<hbm>> -> memref<1000000x64xf32, #tpu.memory_space<hbm>>
    tpu.wait_indirect_dma semaphore(%arg11 : memref<!tpu.dma_semaphore, #tpu.memory_space<semaphore_mem>>) src(%dma_wait3A_1054 : memref<1000000x64xf32, #tpu.memory_space<hbm>>) dst(%arg8 : memref<512x64xf32, #tpu.memory_space<vmem>>)
    %add3A_1055 = arith.constant 24064 : i32
    %add3A_1056 = arith.addi %mul3A_2, %add3A_1055 : i32
    %dma_start3A_1057 = arith.constant 0 : i32
    %dma_start3A_1058 = tpu.memref_slice %arg4[%add3A_1056, %dma_start3A_1057] : memref<819200x64xf32, #tpu.memory_space<hbm>> -> memref<512x64xf32, #tpu.memory_space<hbm>>
    %dma_start3A_1059 = arith.constant 0 : i32
    %dma_start3A_1060 = tpu.memref_slice %arg4[%add3A_1056, %dma_start3A_1059] : memref<819200x64xf32, #tpu.memory_space<hbm>> -> memref<512x64xf32, #tpu.memory_space<hbm>>
    tpu.enqueue_dma source(%arg8 : memref<512x64xf32, #tpu.memory_space<vmem>>) target(%dma_start3A_1060 : memref<512x64xf32, #tpu.memory_space<hbm>>) target_semaphore(%arg14 : memref<!tpu.dma_semaphore, #tpu.memory_space<semaphore_mem>>)
    %dma_wait3A_1061 = arith.constant 24576 : i32
    %dma_wait3A_1062 = tpu.memref_slice %arg5[%dma_wait3A_1061] : memref<25600xi32, #tpu.memory_space<vmem>> -> memref<512xi32, #tpu.memory_space<vmem>>
    %dma_wait3A_1063 = arith.constant 0 : i32
    %dma_wait3A_1064 = arith.constant 0 : i32
    %dma_wait3A_1065 = tpu.memref_slice %arg2[%dma_wait3A_1063, %dma_wait3A_1064] : memref<1000000x64xf32, #tpu.memory_space<hbm>> -> memref<1000000x64xf32, #tpu.memory_space<hbm>>
    tpu.wait_indirect_dma semaphore(%arg9 : memref<!tpu.dma_semaphore, #tpu.memory_space<semaphore_mem>>) src(%dma_wait3A_1065 : memref<1000000x64xf32, #tpu.memory_space<hbm>>) dst(%arg6 : memref<512x64xf32, #tpu.memory_space<vmem>>)
    %add3A_1066 = arith.constant 24576 : i32
    %add3A_1067 = arith.addi %mul3A_2, %add3A_1066 : i32
    %dma_start3A_1068 = arith.constant 0 : i32
    %dma_start3A_1069 = tpu.memref_slice %arg4[%add3A_1067, %dma_start3A_1068] : memref<819200x64xf32, #tpu.memory_space<hbm>> -> memref<512x64xf32, #tpu.memory_space<hbm>>
    %dma_start3A_1070 = arith.constant 0 : i32
    %dma_start3A_1071 = tpu.memref_slice %arg4[%add3A_1067, %dma_start3A_1070] : memref<819200x64xf32, #tpu.memory_space<hbm>> -> memref<512x64xf32, #tpu.memory_space<hbm>>
    tpu.enqueue_dma source(%arg6 : memref<512x64xf32, #tpu.memory_space<vmem>>) target(%dma_start3A_1071 : memref<512x64xf32, #tpu.memory_space<hbm>>) target_semaphore(%arg12 : memref<!tpu.dma_semaphore, #tpu.memory_space<semaphore_mem>>)
    %dma_wait3A_1072 = arith.constant 25088 : i32
    %dma_wait3A_1073 = tpu.memref_slice %arg5[%dma_wait3A_1072] : memref<25600xi32, #tpu.memory_space<vmem>> -> memref<512xi32, #tpu.memory_space<vmem>>
    %dma_wait3A_1074 = arith.constant 0 : i32
    %dma_wait3A_1075 = arith.constant 0 : i32
    %dma_wait3A_1076 = tpu.memref_slice %arg2[%dma_wait3A_1074, %dma_wait3A_1075] : memref<1000000x64xf32, #tpu.memory_space<hbm>> -> memref<1000000x64xf32, #tpu.memory_space<hbm>>
    tpu.wait_indirect_dma semaphore(%arg10 : memref<!tpu.dma_semaphore, #tpu.memory_space<semaphore_mem>>) src(%dma_wait3A_1076 : memref<1000000x64xf32, #tpu.memory_space<hbm>>) dst(%arg7 : memref<512x64xf32, #tpu.memory_space<vmem>>)
    %add3A_1077 = arith.constant 25088 : i32
    %add3A_1078 = arith.addi %mul3A_2, %add3A_1077 : i32
    %dma_start3A_1079 = arith.constant 0 : i32
    %dma_start3A_1080 = tpu.memref_slice %arg4[%add3A_1078, %dma_start3A_1079] : memref<819200x64xf32, #tpu.memory_space<hbm>> -> memref<512x64xf32, #tpu.memory_space<hbm>>
    %dma_start3A_1081 = arith.constant 0 : i32
    %dma_start3A_1082 = tpu.memref_slice %arg4[%add3A_1078, %dma_start3A_1081] : memref<819200x64xf32, #tpu.memory_space<hbm>> -> memref<512x64xf32, #tpu.memory_space<hbm>>
    tpu.enqueue_dma source(%arg7 : memref<512x64xf32, #tpu.memory_space<vmem>>) target(%dma_start3A_1082 : memref<512x64xf32, #tpu.memory_space<hbm>>) target_semaphore(%arg13 : memref<!tpu.dma_semaphore, #tpu.memory_space<semaphore_mem>>)
    %add3A_1083 = arith.constant 24064 : i32
    %add3A_1084 = arith.addi %mul3A_2, %add3A_1083 : i32
    %dma_wait3A_1085 = arith.constant 0 : i32
    %dma_wait3A_1086 = tpu.memref_slice %arg4[%add3A_1084, %dma_wait3A_1085] : memref<819200x64xf32, #tpu.memory_space<hbm>> -> memref<512x64xf32, #tpu.memory_space<hbm>>
    %dma_wait3A_1087 = arith.constant 0 : i32
    %dma_wait3A_1088 = tpu.memref_slice %arg4[%add3A_1084, %dma_wait3A_1087] : memref<819200x64xf32, #tpu.memory_space<hbm>> -> memref<512x64xf32, #tpu.memory_space<hbm>>
    tpu.wait_dma2 semaphore(%arg14 : memref<!tpu.dma_semaphore, #tpu.memory_space<semaphore_mem>>) src(%arg8 : memref<512x64xf32, #tpu.memory_space<vmem>>) dst(%dma_wait3A_1088 : memref<512x64xf32, #tpu.memory_space<hbm>>)
    %add3A_1089 = arith.constant 24576 : i32
    %add3A_1090 = arith.addi %mul3A_2, %add3A_1089 : i32
    %dma_wait3A_1091 = arith.constant 0 : i32
    %dma_wait3A_1092 = tpu.memref_slice %arg4[%add3A_1090, %dma_wait3A_1091] : memref<819200x64xf32, #tpu.memory_space<hbm>> -> memref<512x64xf32, #tpu.memory_space<hbm>>
    %dma_wait3A_1093 = arith.constant 0 : i32
    %dma_wait3A_1094 = tpu.memref_slice %arg4[%add3A_1090, %dma_wait3A_1093] : memref<819200x64xf32, #tpu.memory_space<hbm>> -> memref<512x64xf32, #tpu.memory_space<hbm>>
    tpu.wait_dma2 semaphore(%arg12 : memref<!tpu.dma_semaphore, #tpu.memory_space<semaphore_mem>>) src(%arg6 : memref<512x64xf32, #tpu.memory_space<vmem>>) dst(%dma_wait3A_1094 : memref<512x64xf32, #tpu.memory_space<hbm>>)
    %add3A_1095 = arith.constant 25088 : i32
    %add3A_1096 = arith.addi %mul3A_2, %add3A_1095 : i32
    %dma_wait3A_1097 = arith.constant 0 : i32
    %dma_wait3A_1098 = tpu.memref_slice %arg4[%add3A_1096, %dma_wait3A_1097] : memref<819200x64xf32, #tpu.memory_space<hbm>> -> memref<512x64xf32, #tpu.memory_space<hbm>>
    %dma_wait3A_1099 = arith.constant 0 : i32
    %dma_wait3A_1100 = tpu.memref_slice %arg4[%add3A_1096, %dma_wait3A_1099] : memref<819200x64xf32, #tpu.memory_space<hbm>> -> memref<512x64xf32, #tpu.memory_space<hbm>>
    tpu.wait_dma2 semaphore(%arg13 : memref<!tpu.dma_semaphore, #tpu.memory_space<semaphore_mem>>) src(%arg7 : memref<512x64xf32, #tpu.memory_space<vmem>>) dst(%dma_wait3A_1100 : memref<512x64xf32, #tpu.memory_space<hbm>>)
    return
  }
}

</mosaic_0001>

<sc_bundles>
// kernel: kernel.3.cloned.1.call-start
scs
__scs_entry_jumppad:
0x0: {  	(pc) =	sbr.rel $0x88, $3  }
0x1: {  	(tag) =	ssettag $0x0;
	lr =	simm.s32 $0x1  }
0x2: {  	[smem:$0x3F9F] =	sst lr;
	_ =	strace $0xD0000000  }
0x3: {  	_ = 	snop  }
0x4: {  	_ = 	snop  }
0x5: {  	_ = 	snop  }
0x6: {  	_ = 	snop  }
0x7: {  	_ = 	snop  }
__scs_overlays_trampoline_lowered:
0x8: {  	[smem:$0x3FAE] =	sst s0  }
0x9: {  	[smem:$0x3FAF] =	sst s1  }
0xa: {  	[smem:$0x3FB0] =	sst s2  }
0xb: {  	[smem:$0x3FB1] =	sst s3  }
0xc: {  	[smem:$0x3FB2] =	sst s4  }
0xd: {  	[smem:$0x3FB3] =	sst s5  }
0xe: {  	[smem:$0x3FB4] =	sst s6  }
0xf: {  	[smem:$0x3FB5] =	sst s7  }
0x10: {  	[smem:$0x3FB6] =	sst s8  }
0x11: {  	[smem:$0x3FB7] =	sst s9;
	s0 =	simm.s32 @!p0 $0x0  }
0x12: {  	s1 =	sld [smem:$0x3F9D];
	s0 =	simm.s32 @p0 $0x1  }
0x13: {  	[smem:$0x3FB8] =	sst s0;
	s0 =	simm.s32 @!p1 $0x0  }
0x14: {  	s2 =	sld [smem:$0x3F9C];
	s0 =	simm.s32 @p1 $0x1  }
0x15: {  	[smem:$0x3FB9] =	sst s0;
	s0 =	simm.s32 @!p2 $0x0  }
0x16: {  	s3 =	sld [smem:$0x3FDB];
	s0 =	simm.s32 @p2 $0x1  }
0x17: {  	s4 =	simm.s32 $0x1BF5;
	[smem:$0x3FBB] =	sst s0  }
0x18: {  	s0 =	sld [smem:$0x3F9E];
	_ =	swait.ge [sflag:s4], $0x0  }
0x19: {  	s7 =	sld [smem:$0x3F9F]  }
0x1a: {  	s8 =	sadd.s32 $0xFFFFE003, lr  }
0x1b: {  	s9 =	sadd.s32 $0xFFFFFEF7, lr;
	s5 =	simm.s32 $0xFFFFFFFF;
	p2 =	slt.u32 s8, $0xFFFFF086  }
0x1c: {  	p1 =	slt.u32 s9, $0xF7A;
	s5 =	simm.s32 @!p2 $0x0  }
0x1d: {  	s5 =	simm.s32 @p1 $0x1;
	p0 =	seq.s32 s7, s2  }
0x1e: {  	s7 =	smul.u32 @!p0 $0xF7A, s2;
	p2 =	seq.s32 @!p0 s5, $0x0  }
0x1f: {  	s9 =	smul.u32 $0xF7A, s1;
	s8 =	simm.s32 @!p0 $0x1BF5;
	p2 =	por !p2, p0  }
0x20: {  	[sflag:s8] =	ssyncset.s32 @!p0 $0xFFFFF086;
	s6 =	sadd.s32 @!p0 s3, s7;
	s7 =	simm.s32 @!p0 $0x108  }
0x21: {  	s3 =	sadd.s32 s3, s9;
	s6 =	sadd.s32 @!p0 $0x88, s6;
	s7 =	simm.s32 @p2 $0x1082  }
0x22: {  	[simem:s7], [sflag:s8] =	dma.local @!p0 [hbm:s6], $0xF7A  }
0x23: {  	s9 =	sor.u32 $0xD0000000, s2;
	s6 =	simm.s32 $0x108;
	_ =	swait.ge @!p0 [sflag:s8], $0x0  }
0x24: {  	s3 =	sadd.s32 $0x88, s3;
	s6 =	simm.s32 @!p1 $0x1082;
	[sflag:s4] =	ssyncset.s32 $0xFFFFF086  }
0x25: {  	[simem:s6], [sflag:s4] =	dma.local [hbm:s3], $0xF7A  }
0x26: {  	[smem:$0x3F9F] =	sst s1;
	(tag) =	ssettag s2;
	_ =	strace s9  }
0x27: {  	s1 =	sld [smem:$0x3FAF]  }
0x28: {  	s2 =	sld [smem:$0x3FB0]  }
0x29: {  	s4 =	sld [smem:$0x3FB2]  }
0x2a: {  	p0 =	seq.s32 s5, $0x0;
	s5 =	sld [smem:$0x3FB3]  }
0x2b: {  	s6 =	sld [smem:$0x3FB4]  }
0x2c: {  	s7 =	sld [smem:$0x3FB5]  }
0x2d: {  	s3 =	simm.s32 $0x108;
	s8 =	sld [smem:$0x3FB6]  }
0x2e: {  	s3 =	simm.s32 @!p0 $0x1082;
	s9 =	sld [smem:$0x3FB7]  }
0x2f: {  	lr =	sadd.s32 s0, s3;
	s0 =	sld [smem:$0x3FAE]  }
0x30: {  	s3 =	sld [smem:$0x3FB1]  }
0x31: {  	[smem:$0x3FBA] =	sst s10  }
0x32: {  	s10 =	sld [smem:$0x3FB8];
	_ =	sdelay $0x3  }
0x33: {  	p0 =	seq.s32 s10, $0x1;
	s10 =	sld [smem:$0x3FBA];
	_ =	sdelay $0x3  }
0x34: {  	[smem:$0x3FBA] =	sst s10  }
0x35: {  	s10 =	sld [smem:$0x3FB9];
	_ =	sdelay $0x3  }
0x36: {  	p1 =	seq.s32 s10, $0x1;
	s10 =	sld [smem:$0x3FBA];
	_ =	sdelay $0x3  }
0x37: {  	[smem:$0x3FBA] =	sst s10  }
0x38: {  	s10 =	sld [smem:$0x3FBB]  }
0x39: {  	_ = 	snop;
	(pc) =	sbr.ind lr, $3  }
0x3a: {  	_ = 	snop  }
0x3b: {  	_ = 	snop  }
0x3c: {  	p2 =	seq.s32 s10, $0x1;
	s10 =	sld [smem:$0x3FBA]  }
0x3d: {  	_ =	shalt  }
0x3e: {  	_ =	shalt  }
0x3f: {  	_ =	shalt  }
0x40: {  	_ =	shalt  }
0x41: {  	_ =	shalt  }
0x42: {  	_ =	shalt  }
0x43: {  	_ =	shalt  }
0x44: {  	_ =	shalt  }
0x45: {  	_ =	shalt  }
0x46: {  	_ =	shalt  }
0x47: {  	_ =	shalt  }
0x48: {  	_ =	shalt  }
0x49: {  	_ =	shalt  }
0x4a: {  	_ =	shalt  }
0x4b: {  	_ =	shalt  }
0x4c: {  	_ =	shalt  }
0x4d: {  	_ =	shalt  }
0x4e: {  	_ =	shalt  }
0x4f: {  	_ =	shalt  }
0x50: {  	_ =	shalt  }
0x51: {  	_ =	shalt  }
0x52: {  	_ =	shalt  }
0x53: {  	_ =	shalt  }
0x54: {  	_ =	shalt  }
0x55: {  	_ =	shalt  }
0x56: {  	_ =	shalt  }
0x57: {  	_ =	shalt  }
0x58: {  	_ =	shalt  }
0x59: {  	_ =	shalt  }
0x5a: {  	_ =	shalt  }
0x5b: {  	_ =	shalt  }
0x5c: {  	_ =	shalt  }
0x5d: {  	_ =	shalt  }
0x5e: {  	_ =	shalt  }
0x5f: {  	_ =	shalt  }
0x60: {  	_ =	shalt  }
0x61: {  	_ =	shalt  }
0x62: {  	_ =	shalt  }
0x63: {  	_ =	shalt  }
0x64: {  	_ =	shalt  }
0x65: {  	_ =	shalt  }
0x66: {  	_ =	shalt  }
0x67: {  	_ =	shalt  }
0x68: {  	_ =	shalt  }
0x69: {  	_ =	shalt  }
0x6a: {  	_ =	shalt  }
0x6b: {  	_ =	shalt  }
0x6c: {  	_ =	shalt  }
0x6d: {  	_ =	shalt  }
0x6e: {  	_ =	shalt  }
0x6f: {  	_ =	shalt  }
0x70: {  	_ =	shalt  }
0x71: {  	_ =	shalt  }
0x72: {  	_ =	shalt  }
0x73: {  	_ =	shalt  }
0x74: {  	_ =	shalt  }
0x75: {  	_ =	shalt  }
0x76: {  	_ =	shalt  }
0x77: {  	_ =	shalt  }
0x78: {  	_ =	shalt  }
0x79: {  	_ =	shalt  }
0x7a: {  	_ =	shalt  }
0x7b: {  	_ =	shalt  }
0x7c: {  	_ =	shalt  }
0x7d: {  	_ =	shalt  }
0x7e: {  	_ =	shalt  }
0x7f: {  	_ =	shalt  }
0x80: {  	_ =	shalt  }
0x81: {  	_ =	shalt  }
0x82: {  	_ =	shalt  }
0x83: {  	_ =	shalt  }
0x84: {  	_ =	shalt  }
0x85: {  	_ =	shalt  }
0x86: {  	_ =	shalt  }
0x87: {  	_ =	shalt  }
.Lfunc_end0:
.L_simem_size_0:
called_computation.1_lowered:
.L_overlay_start_0:
0x88: {  	s2 =	sld [smem:$0x3FD9]  }
0x89: {  	s3 =	sld [smem:$0x3FFE];
	_ =	sdelay $0x1  }
0x8a: {  	s1 =	srdreg.scid  }
0x8b: {  	s0 =	sand.u32 $0x1, s1  }
0x8c: {  	s17 =	sshll.u32 s0, $0xA;
	s2 =	sadd.s32 s3, s2  }
0x8d: {  	s2 =	sadd.s32 s2, s17  }
0x8e: {  	[smem:$0x3FC6] =	sst s2  }
0x8f: {  	_ = 	snop  }
0x90: {  	s2 =	sld [smem:$0x3FD0];
	(tm) =	ssettm $0x1  }
0x91: {  	s18 =	sld [smem:$0x3FFB];
	_ =	sdelay $0x3  }
0x92: {  	_ =	strace s18  }
0x93: {  	s3 =	sld [smem:$0x3FFC];
	_ =	sdelay $0x3  }
0x94: {  	_ =	strace s3  }
0x95: {  	s3 =	sld [smem:$0x3FFD];
	_ =	sdelay $0x3  }
0x96: {  	_ =	strace s3  }
0x97: {  	_ =	strace $0x8FFFFFFF  }
0x98: {  	s19 =	sld [smem:$0x3FDB];
	_ =	sdelay $0x1  }
0x99: {  	s4 =	simm.s32 $_scs_section_size  }
0x9a: {  	s5 =	simm.s32 $_size__tile_overlayer_lowered;
	s6 =	simm.s32 $_tile_overlayer_lowered  }
0x9b: {  	s22 =	simm.s32 $0x1BFF;
	s21 =	sshll.u32 s6, $0x1;
	s3 =	sadd.s32 s4, s19  }
0x9c: {  	s7 =	simm.s32 $0x0;
	s20 =	sshll.u32 s5, $0x1;
	s5 =	sadd.s32 s21, s3  }
0x9d: {  	[timem:s7], [sflag:s22] =	dma.local [hbm:s5], s20  }
0x9e: {  	_ =	swait.ge [sflag:s22], s20  }
0x9f: {  	s4 =	ssub.s32 $0x0, s20;
	[sflag:s22] =	ssyncset.done $0x0  }
0xa0: {  	[sflag:s22] =	ssyncadd.s32 s4;
	_ =	sdelay $0x1  }
0xa1: {  	s23 =	simm.s32 $0x1B8B  }
0xa2: {  	_ =	swait.ge [sflag:s23], $0x1  }
0xa3: {  	[sflag:s23] =	ssyncset.done $0x0  }
0xa4: {  	s25 =	simm.s32 $0x1B8E;
	s24 =	sld [smem:$0x3FFE];
	[sflag:s23] =	ssyncadd.s32 $0xFFFFFFFF  }
0xa5: {  	s26 =	simm.s32 $execute0_lowered;
	[smem:$0x3FD2] =	sst s25  }
0xa6: {  	s5 =	sshll.u32 s26, $0x1;
	_ =	strace $0x80000046;
	[dreg:$0x1] =	wrdreg $0xFFFFFFFF  }
0xa7: {  	s28 =	simm.s32 $_size_execute0_lowered;
	s3 =	sadd.s32 s3, s5;
	[dreg:$0x0] =	wrdreg $0x0  }
0xa8: {  	s5 =	sshll.u32 s28, $0x1;
	[dreg:$0x2] =	wrdreg s3  }
0xa9: {  	[dreg:$0x3] =	wrdreg s5  }
0xaa: {  	[dreg:$0x4] =	wrdreg $0xC0  }
0xab: {  	_ =	task [dreg:s7], $0x5FFFF  }
0xac: {  	[dreg:$0x1] =	wrdreg $0xFFFFFFFF  }
0xad: {  	[dreg:$0x0] =	wrdreg $0x60  }
0xae: {  	[dreg:$0x2] =	wrdreg s24  }
0xaf: {  	[dreg:$0x3] =	wrdreg s2  }
0xb0: {  	[dreg:$0x4] =	wrdreg $0x9  }
0xb1: {  	_ =	task.clear_ibuf [dreg:s7], $0x5FFFF;
	_ =	strace $0x90000046  }
0xb2: {  	s29 =	simm.s32 $0x9;
	_ =	strace $0x80000048  }
0xb3: {  	_ =	swait.ge [sflag:s29], $0x1  }
0xb4: {  	[sflag:s29] =	ssyncadd.s32 $0xFFFFFFFF  }
0xb5: {  	_ =	strace $0x90000048  }
0xb6: {  	_ =	sfence  }
0xb7: {  	s30 =	sld [smem:$0x0];
	_ =	sdelay $0x2  }
0xb8: {  	s31 =	sshll.u32 s1, $0xD;
	s1 =	sshrl.u32 s1, $0x2  }
0xb9: {  	s3 =	sand.u32 $0x4000, s31;
	s1 =	sadd.s32 s1, s30  }
0xba: {  	s0 =	sor.u32 s3, s0;
	s1 =	sshll.u32 s1, $0x11  }
0xbb: {  	s0 =	sor.u32 s1, s0  }
0xbc: {  	s0 =	sadd.s32 $0x8F2B, s0  }
0xbd: {  	[sflag:s0] =	ssyncadd.remote.s32 $0x1  }
0xbe: {  	_ =	sfence.sel $0xFFFF  }
0xbf: {  	[dreg:$0x0] =	wrdreg $0xFFFFFFFF;
	(pc) =	sbr.abs _section_cstart, $3  }
0xc0: {  	[dreg:$0x1] =	wrdreg $0xFFFFFFFF  }
0xc1: {  	_ =	task.clear_ibuf [dreg:s7], $0x2FFFF;
	_ =	strace $0x9FFFFFFF  }
0xc2: {  	(tm) =	ssettm $0x7FFFFFFF  }
0xc3: {  	_ =	shalt  }
tec
execute0_lowered:
.L_overlay_start_1:
0x0: {  	(tag) =	ssettag $0x1  }
0x1: {  	s0 =	srdreg.scid;
	s2 =	stileid.u32  }
0x2: {  	s1 =	sand.u32 $0x1, s0;
	s11 =	sshll.u32 s2, $0x1  }
0x3: {  	s0 =	sor.u32 s1, s11  }
0x4: {  	s5 =	smul.u32 $0xC80, s0  }
0x5: {  	s3 =	rddreg [dreg:$0x0];
	s2 =	simm.s32 $0x0;
	s6 =	smul.u32 $0x32000, s0  }
0x6: {  	[smem:$0x7FF] =	sst s2;
	s0 =	smul.u32 $0x190000, s0  }
0x7: {  	s4 =	rddreg [dreg:$0x1];
	_ =	strace $0x80000047;
	s5 =	sadd.s32 s5, s3  }
0x8: {  	s30 =	sadd.s32 s4, s6;
	s0 =	sshrl.u32 s0, $0x3;
	s5 =	sadd.s32 $0xA00, s5  }
0x9: {  	s12 =	sadd.s32 $0x1000, s30;
	s4 =	sadd.s32 s4, s0;
	[dreg:$0x3] =	wrdreg s5  }
0xa: {  	[dreg:$0x4] =	wrdreg s12;
	s0 =	sadd.s32 $0x2000, s4  }
0xb: {  	s13 =	sadd.s32 $0x3000, s4;
	[dreg:$0x5] =	wrdreg s0  }
0xc: {  	s14 =	sadd.s32 $0x4000, s4;
	[dreg:$0x6] =	wrdreg s13  }
0xd: {  	s15 =	sadd.s32 $0x5000, s4;
	[dreg:$0x7] =	wrdreg s14  }
0xe: {  	s16 =	sadd.s32 $0x6000, s4;
	[dreg:$0x8] =	wrdreg s15  }
0xf: {  	s17 =	sadd.s32 $0x7000, s4;
	[dreg:$0x9] =	wrdreg s16  }
0x10: {  	s18 =	sadd.s32 $0x8000, s4;
	[dreg:$0xa] =	wrdreg s17  }
0x11: {  	s19 =	sadd.s32 $0x9000, s4;
	[dreg:$0xb] =	wrdreg s18  }
0x12: {  	s20 =	sadd.s32 $0xA000, s4;
	[dreg:$0xc] =	wrdreg s19  }
0x13: {  	s21 =	sadd.s32 $0xB000, s4;
	[dreg:$0xd] =	wrdreg s20  }
0x14: {  	s22 =	sadd.s32 $0xC000, s4;
	[dreg:$0xe] =	wrdreg s21  }
0x15: {  	s23 =	sadd.s32 $0xD000, s4;
	[dreg:$0xf] =	wrdreg s22  }
0x16: {  	s24 =	sadd.s32 $0xE000, s4;
	[dreg:$0x10] =	wrdreg s23  }
0x17: {  	s25 =	sadd.s32 $0xF000, s4;
	[dreg:$0x11] =	wrdreg s24  }
0x18: {  	s26 =	sadd.s32 $0x10000, s4;
	[dreg:$0x12] =	wrdreg s25  }
0x19: {  	s5 =	sadd.s32 $0x11000, s4;
	[dreg:$0x13] =	wrdreg s26  }
0x1a: {  	s6 =	sadd.s32 $0x12000, s4;
	[dreg:$0x14] =	wrdreg s5  }
0x1b: {  	s7 =	sadd.s32 $0x13000, s4;
	[dreg:$0x15] =	wrdreg s6  }
0x1c: {  	s8 =	sadd.s32 $0x14000, s4;
	[dreg:$0x16] =	wrdreg s7  }
0x1d: {  	s9 =	sadd.s32 $0x15000, s4;
	[dreg:$0x17] =	wrdreg s8  }
0x1e: {  	s10 =	sadd.s32 $0x16000, s4;
	[dreg:$0x18] =	wrdreg s9  }
0x1f: {  	s11 =	sadd.s32 $0x17000, s4;
	[dreg:$0x19] =	wrdreg s10  }
0x20: {  	s12 =	sadd.s32 $0x18000, s4;
	[dreg:$0x1a] =	wrdreg s11  }
0x21: {  	[dreg:$0x1b] =	wrdreg s12  }
0x22: {  	s13 =	sadd.s32 $0x19000, s4;
	s0 =	rddreg [dreg:$0x3]  }
0x23: {  	s14 =	sadd.s32 $0x1A000, s4;
	[dreg:$0x1c] =	wrdreg s13  }
0x24: {  	s15 =	sadd.s32 $0x1B000, s4;
	[dreg:$0x1d] =	wrdreg s14  }
0x25: {  	s16 =	sadd.s32 $0x1C000, s4;
	[dreg:$0x1e] =	wrdreg s15  }
0x26: {  	s17 =	sadd.s32 $0x1D000, s4;
	[dreg:$0x1f] =	wrdreg s16  }
0x27: {  	s18 =	sadd.s32 $0x1E000, s4;
	[smem:$0x7C8] =	sst s17  }
0x28: {  	s19 =	sadd.s32 $0x1F000, s4;
	[smem:$0x7C9] =	sst s18  }
0x29: {  	s20 =	sadd.s32 $0x20000, s4;
	[smem:$0x7CA] =	sst s19  }
0x2a: {  	s21 =	sadd.s32 $0x21000, s4;
	[smem:$0x7CB] =	sst s20  }
0x2b: {  	s22 =	sadd.s32 $0x22000, s4;
	[smem:$0x7CC] =	sst s21  }
0x2c: {  	s23 =	sadd.s32 $0x23000, s4;
	[smem:$0x7CD] =	sst s22  }
0x2d: {  	s24 =	sadd.s32 $0x24000, s4;
	[smem:$0x7CE] =	sst s23  }
0x2e: {  	s25 =	sadd.s32 $0x25000, s4;
	[smem:$0x7CF] =	sst s24  }
0x2f: {  	s26 =	sadd.s32 $0x26000, s4;
	[smem:$0x7D0] =	sst s25  }
0x30: {  	s5 =	sadd.s32 $0x27000, s4;
	[smem:$0x7D1] =	sst s26  }
0x31: {  	s6 =	sadd.s32 $0x28000, s4;
	[smem:$0x7D2] =	sst s5  }
0x32: {  	s7 =	sadd.s32 $0x29000, s4;
	[smem:$0x7D3] =	sst s6  }
0x33: {  	s8 =	sadd.s32 $0x2A000, s4;
	[smem:$0x7D4] =	sst s7  }
0x34: {  	s9 =	sadd.s32 $0x2B000, s4;
	[smem:$0x7D5] =	sst s8  }
0x35: {  	s10 =	sadd.s32 $0x2C000, s4;
	[smem:$0x7D6] =	sst s9  }
0x36: {  	s11 =	sadd.s32 $0x2D000, s4;
	[smem:$0x7D7] =	sst s10  }
0x37: {  	s12 =	sadd.s32 $0x2E000, s4;
	[smem:$0x7D8] =	sst s11  }
0x38: {  	[smem:$0x7D9] =	sst s12;
	s13 =	sadd.s32 $0x2F000, s4  }
0x39: {  	s14 =	sadd.s32 $0x30000, s4;
	[smem:$0x7DA] =	sst s13  }
0x3a: {  	s15 =	sadd.s32 $0x31000, s4;
	[smem:$0x7DB] =	sst s14  }
0x3b: {  	s16 =	simm.s32 $0x400;
	[smem:$0x7DC] =	sst s15  }
0x3c: {  	s17 =	simm.s32 $0x600;
	[smem:$0x7DD] =	sst s16  }
0x3d: {  	s18 =	simm.s32 $0x800;
	[smem:$0x7DE] =	sst s17  }
0x3e: {  	s19 =	simm.s32 $0xA00;
	[smem:$0x7DF] =	sst s18  }
0x3f: {  	s20 =	simm.s32 $0xC00;
	[smem:$0x7E0] =	sst s19  }
0x40: {  	s21 =	simm.s32 $0xE00;
	[smem:$0x7E1] =	sst s20  }
0x41: {  	s22 =	simm.s32 $0x1000;
	[smem:$0x7E2] =	sst s21  }
0x42: {  	s23 =	simm.s32 $0x1200;
	[smem:$0x7E3] =	sst s22  }
0x43: {  	s24 =	simm.s32 $0x1400;
	[smem:$0x7E4] =	sst s23  }
0x44: {  	s25 =	simm.s32 $0x1600;
	[smem:$0x7E5] =	sst s24  }
0x45: {  	s26 =	simm.s32 $0x1800;
	[smem:$0x7E6] =	sst s25  }
0x46: {  	s4 =	simm.s32 $0x1A00;
	[smem:$0x7E7] =	sst s26  }
0x47: {  	s5 =	simm.s32 $0x1C00;
	[smem:$0x7E8] =	sst s4  }
0x48: {  	s6 =	simm.s32 $0x1E00;
	[smem:$0x7E9] =	sst s5  }
0x49: {  	s7 =	simm.s32 $0x2000;
	[smem:$0x7EA] =	sst s6  }
0x4a: {  	s31 =	simm.s32 $0x7;
	s8 =	simm.s32 $0x2200;
	[smem:$0x7EB] =	sst s7  }
0x4b: {  	s29 =	simm.s32 $0x4600;
	s9 =	simm.s32 $0x2400;
	[smem:$0x7EC] =	sst s8  }
0x4c: {  	s28 =	simm.s32 $0x4800;
	s10 =	simm.s32 $0x2600;
	[smem:$0x7ED] =	sst s9  }
0x4d: {  	p0 =	por $0x0, $0x0;
	s11 =	simm.s32 $0x2800;
	[smem:$0x7EE] =	sst s10  }
0x4e: {  	s1 =	ssub.s32 $0x2, s1;
	s12 =	simm.s32 $0x2A00;
	[smem:$0x7EF] =	sst s11  }
0x4f: {  	s3 =	sadd.s32 $0xF42E00, s3;
	[smem:$0x7F0] =	sst s12;
	s14 =	simm.s32 $0x2C00  }
0x50: {  	s13 =	sshrl.u32 s1, $0x1;
	s15 =	simm.s32 $0x2E00;
	[smem:$0x7F1] =	sst s14  }
0x51: {  	s16 =	simm.s32 $0x3000;
	s17 =	simm.s32 $0x3200;
	[smem:$0x7F2] =	sst s15  }
0x52: {  	s8 =	simm.s32 $0x200;
	s18 =	simm.s32 $0x3400;
	[smem:$0x7F3] =	sst s16  }
0x53: {  	s5 =	simm.s32 $0x6400;
	s19 =	simm.s32 $0x3600;
	[smem:$0x7F4] =	sst s17  }
0x54: {  	s4 =	simm.s32 $0xE400;
	s20 =	simm.s32 $0x3800;
	[smem:$0x7F5] =	sst s18  }
0x55: {  	s10 =	simm.s32 $0x16400;
	s21 =	simm.s32 $0x3A00;
	[smem:$0x7F6] =	sst s19  }
0x56: {  	s9 =	simm.s32 $0x1;
	s22 =	simm.s32 $0x3C00;
	[smem:$0x7F7] =	sst s20  }
0x57: {  	s6 =	simm.s32 $0x4;
	s23 =	simm.s32 $0x3E00;
	[smem:$0x7F8] =	sst s21  }
0x58: {  	s11 =	simm.s32 $0x2;
	s24 =	simm.s32 $0x4000;
	[smem:$0x7F9] =	sst s22  }
0x59: {  	s7 =	simm.s32 $0x5;
	s25 =	simm.s32 $0x4200;
	[smem:$0x7FA] =	sst s23  }
0x5a: {  	s26 =	simm.s32 $0x4400;
	s1 =	ssub.s32 s1, s13;
	[smem:$0x7FB] =	sst s24  }
0x5b: {  	s12 =	simm.s32 $0x6;
	[smem:$0x7FC] =	sst s25;
	s1 =	smax.u32 s1, $0x1  }
0x5c: {  	s13 =	simm.s32 $0x3;
	[smem:$0x7FD] =	sst s26;
	p1 =	sne.s32 s1, $0x1  }
.Ltmp0:
0x5d: {  	s26 =	simm.s32 $0x4A00;
	s25 =	simm.s32 $0x4C00;
	(pc) =	sbr.rel @!p1 .LBB2_3-.Ltmp0, $4  }
0x5e: {  	s24 =	simm.s32 $0x4E00;
	s23 =	simm.s32 $0x5000;
	s22 =	simm.s32 $0x5200  }
0x5f: {  	s21 =	simm.s32 $0x5400;
	s20 =	simm.s32 $0x5600;
	s19 =	simm.s32 $0x5800  }
0x60: {  	s18 =	simm.s32 $0x5A00;
	s17 =	simm.s32 $0x5C00;
	s16 =	simm.s32 $0x5E00  }
0x61: {  	s15 =	simm.s32 $0x6000;
	s14 =	simm.s32 $0x6200;
	s1 =	sadd.s32 $0xFFFFFFFF, s1  }
0x62: {  	[tilespmem:s2], [sflag:$0x7] =	stream.linear.gather [hbm4b:s0+s2], $0x6400, $0x38;
	[tilespmem:$0x1E400] =	vst v63  }
0x63: {  	_ =	swait.ge [sflag:s31], $0x6400  }
0x64: {  	[sflag:s31] =	ssyncset.done $0x0  }
0x65: {  	[sflag:s31] =	ssyncadd.s32 $0xFFFF9C00  }
0x66: {  	[tilespmem:s5], [sflag:$0x1] =	stream.indirect.gather [hbm4b:s3+s8], $0x40, s2, s8, $0xb8;
	[tilespmem:$0x1E400] =	vst v63  }
0x67: {  	s0 =	sld [smem:$0x7DD]  }
0x68: {  	[tilespmem:s4], [sflag:$0x2] =	stream.indirect.gather [hbm4b:s3+s8], $0x40, s8, s8, $0xb8;
	[tilespmem:$0x1E400] =	vst v63  }
0x69: {  	_ = 	snop  }
0x6a: {  	[tilespmem:s10], [sflag:$0x3] =	stream.indirect.gather [hbm4b:s3+s8], $0x40, s0, s8, $0xb8;
	[tilespmem:$0x1E400] =	vst v63  }
0x6b: {  	_ =	swait.ge [sflag:s9], $0x8000  }
0x6c: {  	[sflag:s9] =	ssyncset.done $0x0  }
0x6d: {  	[sflag:s9] =	ssyncadd.s32 $0xFFFF8000  }
0x6e: {  	[hbm4b:s30+s2] =	stream.linear.scatter [tilespmem:s5], [sflag:$0x4], $0x8000, $0x38;
	[tilespmem:$0x1E400] =	vst v63  }
0x6f: {  	_ =	swait.ge [sflag:s6], $0x8000  }
0x70: {  	s0 =	sld [smem:$0x7DE]  }
0x71: {  	[sflag:s6] =	ssyncset.done $0x0  }
0x72: {  	[sflag:s6] =	ssyncadd.s32 $0xFFFF8000  }
0x73: {  	[tilespmem:s5], [sflag:$0x1] =	stream.indirect.gather [hbm4b:s3+s8], $0x40, s0, s8, $0xb8;
	[tilespmem:$0x1E400] =	vst v63  }
0x74: {  	_ =	swait.ge [sflag:s11], $0x8000  }
0x75: {  	[sflag:s11] =	ssyncset.done $0x0  }
0x76: {  	s0 =	rddreg [dreg:$0x4];
	[sflag:s11] =	ssyncadd.s32 $0xFFFF8000  }
0x77: {  	[hbm4b:s0+s2] =	stream.linear.scatter [tilespmem:s4], [sflag:$0x5], $0x8000, $0x38;
	[tilespmem:$0x1E400] =	vst v63  }
0x78: {  	_ =	swait.ge [sflag:s7], $0x8000  }
0x79: {  	s0 =	sld [smem:$0x7DF]  }
0x7a: {  	[sflag:s7] =	ssyncset.done $0x0  }
0x7b: {  	[sflag:s7] =	ssyncadd.s32 $0xFFFF8000  }
0x7c: {  	[tilespmem:s4], [sflag:$0x2] =	stream.indirect.gather [hbm4b:s3+s8], $0x40, s0, s8, $0xb8;
	[tilespmem:$0x1E400] =	vst v63  }
0x7d: {  	_ =	swait.ge [sflag:s13], $0x8000  }
0x7e: {  	[sflag:s13] =	ssyncset.done $0x0  }
0x7f: {  	s0 =	rddreg [dreg:$0x5];
	[sflag:s13] =	ssyncadd.s32 $0xFFFF8000  }
0x80: {  	[hbm4b:s0+s2] =	stream.linear.scatter [tilespmem:s10], [sflag:$0x6], $0x8000, $0x38;
	[tilespmem:$0x1E400] =	vst v63  }
0x81: {  	_ =	swait.ge [sflag:s12], $0x8000  }
0x82: {  	s0 =	sld [smem:$0x7E0]  }
0x83: {  	[sflag:s12] =	ssyncset.done $0x0  }
0x84: {  	[sflag:s12] =	ssyncadd.s32 $0xFFFF8000  }
0x85: {  	[tilespmem:s10], [sflag:$0x3] =	stream.indirect.gather [hbm4b:s3+s8], $0x40, s0, s8, $0xb8;
	[tilespmem:$0x1E400] =	vst v63  }
0x86: {  	_ =	swait.ge [sflag:s9], $0x8000  }
0x87: {  	[sflag:s9] =	ssyncset.done $0x0  }
0x88: {  	s0 =	rddreg [dreg:$0x6];
	[sflag:s9] =	ssyncadd.s32 $0xFFFF8000  }
0x89: {  	[hbm4b:s0+s2] =	stream.linear.scatter [tilespmem:s5], [sflag:$0x4], $0x8000, $0x38;
	[tilespmem:$0x1E400] =	vst v63  }
0x8a: {  	_ =	swait.ge [sflag:s6], $0x8000  }
0x8b: {  	s0 =	sld [smem:$0x7E1]  }
0x8c: {  	[sflag:s6] =	ssyncset.done $0x0  }
0x8d: {  	[sflag:s6] =	ssyncadd.s32 $0xFFFF8000  }
0x8e: {  	[tilespmem:s5], [sflag:$0x1] =	stream.indirect.gather [hbm4b:s3+s8], $0x40, s0, s8, $0xb8;
	[tilespmem:$0x1E400] =	vst v63  }
0x8f: {  	_ =	swait.ge [sflag:s11], $0x8000  }
0x90: {  	[sflag:s11] =	ssyncset.done $0x0  }
0x91: {  	s0 =	rddreg [dreg:$0x7];
	[sflag:s11] =	ssyncadd.s32 $0xFFFF8000  }
0x92: {  	[hbm4b:s0+s2] =	stream.linear.scatter [tilespmem:s4], [sflag:$0x5], $0x8000, $0x38;
	[tilespmem:$0x1E400] =	vst v63  }
0x93: {  	_ =	swait.ge [sflag:s7], $0x8000  }
0x94: {  	s0 =	sld [smem:$0x7E2]  }
0x95: {  	[sflag:s7] =	ssyncset.done $0x0  }
0x96: {  	[sflag:s7] =	ssyncadd.s32 $0xFFFF8000  }
0x97: {  	[tilespmem:s4], [sflag:$0x2] =	stream.indirect.gather [hbm4b:s3+s8], $0x40, s0, s8, $0xb8;
	[tilespmem:$0x1E400] =	vst v63  }
0x98: {  	_ =	swait.ge [sflag:s13], $0x8000  }
0x99: {  	[sflag:s13] =	ssyncset.done $0x0  }
0x9a: {  	s0 =	rddreg [dreg:$0x8];
	[sflag:s13] =	ssyncadd.s32 $0xFFFF8000  }
0x9b: {  	[hbm4b:s0+s2] =	stream.linear.scatter [tilespmem:s10], [sflag:$0x6], $0x8000, $0x38;
	[tilespmem:$0x1E400] =	vst v63  }
0x9c: {  	_ =	swait.ge [sflag:s12], $0x8000  }
0x9d: {  	s0 =	sld [smem:$0x7E3]  }
0x9e: {  	[sflag:s12] =	ssyncset.done $0x0  }
0x9f: {  	[sflag:s12] =	ssyncadd.s32 $0xFFFF8000  }
0xa0: {  	[tilespmem:s10], [sflag:$0x3] =	stream.indirect.gather [hbm4b:s3+s8], $0x40, s0, s8, $0xb8;
	[tilespmem:$0x1E400] =	vst v63  }
0xa1: {  	_ =	swait.ge [sflag:s9], $0x8000  }
0xa2: {  	[sflag:s9] =	ssyncset.done $0x0  }
0xa3: {  	s0 =	rddreg [dreg:$0x9];
	[sflag:s9] =	ssyncadd.s32 $0xFFFF8000  }
0xa4: {  	[hbm4b:s0+s2] =	stream.linear.scatter [tilespmem:s5], [sflag:$0x4], $0x8000, $0x38;
	[tilespmem:$0x1E400] =	vst v63  }
0xa5: {  	_ =	swait.ge [sflag:s6], $0x8000  }
0xa6: {  	s0 =	sld [smem:$0x7E4]  }
0xa7: {  	[sflag:s6] =	ssyncset.done $0x0  }
0xa8: {  	[sflag:s6] =	ssyncadd.s32 $0xFFFF8000  }
0xa9: {  	[tilespmem:s5], [sflag:$0x1] =	stream.indirect.gather [hbm4b:s3+s8], $0x40, s0, s8, $0xb8;
	[tilespmem:$0x1E400] =	vst v63  }
0xaa: {  	_ =	swait.ge [sflag:s11], $0x8000  }
0xab: {  	[sflag:s11] =	ssyncset.done $0x0  }
0xac: {  	s0 =	rddreg [dreg:$0xa];
	[sflag:s11] =	ssyncadd.s32 $0xFFFF8000  }
0xad: {  	[hbm4b:s0+s2] =	stream.linear.scatter [tilespmem:s4], [sflag:$0x5], $0x8000, $0x38;
	[tilespmem:$0x1E400] =	vst v63  }
0xae: {  	_ =	swait.ge [sflag:s7], $0x8000  }
0xaf: {  	s0 =	sld [smem:$0x7E5]  }
0xb0: {  	[sflag:s7] =	ssyncset.done $0x0  }
0xb1: {  	[sflag:s7] =	ssyncadd.s32 $0xFFFF8000  }
0xb2: {  	[tilespmem:s4], [sflag:$0x2] =	stream.indirect.gather [hbm4b:s3+s8], $0x40, s0, s8, $0xb8;
	[tilespmem:$0x1E400] =	vst v63  }
0xb3: {  	_ =	swait.ge [sflag:s13], $0x8000  }
0xb4: {  	[sflag:s13] =	ssyncset.done $0x0  }
0xb5: {  	s0 =	rddreg [dreg:$0xb];
	[sflag:s13] =	ssyncadd.s32 $0xFFFF8000  }
0xb6: {  	[hbm4b:s0+s2] =	stream.linear.scatter [tilespmem:s10], [sflag:$0x6], $0x8000, $0x38;
	[tilespmem:$0x1E400] =	vst v63  }
0xb7: {  	_ =	swait.ge [sflag:s12], $0x8000  }
0xb8: {  	s0 =	sld [smem:$0x7E6]  }
0xb9: {  	[sflag:s12] =	ssyncset.done $0x0  }
0xba: {  	[sflag:s12] =	ssyncadd.s32 $0xFFFF8000  }
0xbb: {  	[tilespmem:s10], [sflag:$0x3] =	stream.indirect.gather [hbm4b:s3+s8], $0x40, s0, s8, $0xb8;
	[tilespmem:$0x1E400] =	vst v63  }
0xbc: {  	_ =	swait.ge [sflag:s9], $0x8000  }
0xbd: {  	[sflag:s9] =	ssyncset.done $0x0  }
0xbe: {  	s0 =	rddreg [dreg:$0xc];
	[sflag:s9] =	ssyncadd.s32 $0xFFFF8000  }
0xbf: {  	[hbm4b:s0+s2] =	stream.linear.scatter [tilespmem:s5], [sflag:$0x4], $0x8000, $0x38;
	[tilespmem:$0x1E400] =	vst v63  }
0xc0: {  	_ =	swait.ge [sflag:s6], $0x8000  }
0xc1: {  	s0 =	sld [smem:$0x7E7]  }
0xc2: {  	[sflag:s6] =	ssyncset.done $0x0  }
0xc3: {  	[sflag:s6] =	ssyncadd.s32 $0xFFFF8000  }
0xc4: {  	[tilespmem:s5], [sflag:$0x1] =	stream.indirect.gather [hbm4b:s3+s8], $0x40, s0, s8, $0xb8;
	[tilespmem:$0x1E400] =	vst v63  }
0xc5: {  	_ =	swait.ge [sflag:s11], $0x8000  }
0xc6: {  	[sflag:s11] =	ssyncset.done $0x0  }
0xc7: {  	s0 =	rddreg [dreg:$0xd];
	[sflag:s11] =	ssyncadd.s32 $0xFFFF8000  }
0xc8: {  	[hbm4b:s0+s2] =	stream.linear.scatter [tilespmem:s4], [sflag:$0x5], $0x8000, $0x38;
	[tilespmem:$0x1E400] =	vst v63  }
0xc9: {  	_ =	swait.ge [sflag:s7], $0x8000  }
0xca: {  	s0 =	sld [smem:$0x7E8]  }
0xcb: {  	[sflag:s7] =	ssyncset.done $0x0  }
0xcc: {  	[sflag:s7] =	ssyncadd.s32 $0xFFFF8000  }
0xcd: {  	[tilespmem:s4], [sflag:$0x2] =	stream.indirect.gather [hbm4b:s3+s8], $0x40, s0, s8, $0xb8;
	[tilespmem:$0x1E400] =	vst v63  }
0xce: {  	_ =	swait.ge [sflag:s13], $0x8000  }
0xcf: {  	[sflag:s13] =	ssyncset.done $0x0  }
0xd0: {  	s0 =	rddreg [dreg:$0xe];
	[sflag:s13] =	ssyncadd.s32 $0xFFFF8000  }
0xd1: {  	[hbm4b:s0+s2] =	stream.linear.scatter [tilespmem:s10], [sflag:$0x6], $0x8000, $0x38;
	[tilespmem:$0x1E400] =	vst v63  }
0xd2: {  	_ =	swait.ge [sflag:s12], $0x8000  }
0xd3: {  	s0 =	sld [smem:$0x7E9]  }
0xd4: {  	[sflag:s12] =	ssyncset.done $0x0  }
0xd5: {  	[sflag:s12] =	ssyncadd.s32 $0xFFFF8000  }
0xd6: {  	[tilespmem:s10], [sflag:$0x3] =	stream.indirect.gather [hbm4b:s3+s8], $0x40, s0, s8, $0xb8;
	[tilespmem:$0x1E400] =	vst v63  }
0xd7: {  	_ =	swait.ge [sflag:s9], $0x8000  }
0xd8: {  	[sflag:s9] =	ssyncset.done $0x0  }
0xd9: {  	s0 =	rddreg [dreg:$0xf];
	[sflag:s9] =	ssyncadd.s32 $0xFFFF8000  }
0xda: {  	[hbm4b:s0+s2] =	stream.linear.scatter [tilespmem:s5], [sflag:$0x4], $0x8000, $0x38;
	[tilespmem:$0x1E400] =	vst v63  }
0xdb: {  	_ =	swait.ge [sflag:s6], $0x8000  }
0xdc: {  	s0 =	sld [smem:$0x7EA]  }
0xdd: {  	[sflag:s6] =	ssyncset.done $0x0  }
0xde: {  	[sflag:s6] =	ssyncadd.s32 $0xFFFF8000  }
0xdf: {  	[tilespmem:s5], [sflag:$0x1] =	stream.indirect.gather [hbm4b:s3+s8], $0x40, s0, s8, $0xb8;
	[tilespmem:$0x1E400] =	vst v63  }
0xe0: {  	_ =	swait.ge [sflag:s11], $0x8000  }
0xe1: {  	[sflag:s11] =	ssyncset.done $0x0  }
0xe2: {  	s0 =	rddreg [dreg:$0x10];
	[sflag:s11] =	ssyncadd.s32 $0xFFFF8000  }
0xe3: {  	[hbm4b:s0+s2] =	stream.linear.scatter [tilespmem:s4], [sflag:$0x5], $0x8000, $0x38;
	[tilespmem:$0x1E400] =	vst v63  }
0xe4: {  	_ =	swait.ge [sflag:s7], $0x8000  }
0xe5: {  	s0 =	sld [smem:$0x7EB]  }
0xe6: {  	[sflag:s7] =	ssyncset.done $0x0  }
0xe7: {  	[sflag:s7] =	ssyncadd.s32 $0xFFFF8000  }
0xe8: {  	[tilespmem:s4], [sflag:$0x2] =	stream.indirect.gather [hbm4b:s3+s8], $0x40, s0, s8, $0xb8;
	[tilespmem:$0x1E400] =	vst v63  }
0xe9: {  	_ =	swait.ge [sflag:s13], $0x8000  }
0xea: {  	[sflag:s13] =	ssyncset.done $0x0  }
0xeb: {  	s0 =	rddreg [dreg:$0x11];
	[sflag:s13] =	ssyncadd.s32 $0xFFFF8000  }
0xec: {  	[hbm4b:s0+s2] =	stream.linear.scatter [tilespmem:s10], [sflag:$0x6], $0x8000, $0x38;
	[tilespmem:$0x1E400] =	vst v63  }
0xed: {  	_ =	swait.ge [sflag:s12], $0x8000  }
0xee: {  	s0 =	sld [smem:$0x7EC]  }
0xef: {  	[sflag:s12] =	ssyncset.done $0x0  }
0xf0: {  	[sflag:s12] =	ssyncadd.s32 $0xFFFF8000  }
0xf1: {  	[tilespmem:s10], [sflag:$0x3] =	stream.indirect.gather [hbm4b:s3+s8], $0x40, s0, s8, $0xb8;
	[tilespmem:$0x1E400] =	vst v63  }
0xf2: {  	_ =	swait.ge [sflag:s9], $0x8000  }
0xf3: {  	[sflag:s9] =	ssyncset.done $0x0  }
0xf4: {  	s0 =	rddreg [dreg:$0x12];
	[sflag:s9] =	ssyncadd.s32 $0xFFFF8000  }
0xf5: {  	[hbm4b:s0+s2] =	stream.linear.scatter [tilespmem:s5], [sflag:$0x4], $0x8000, $0x38;
	[tilespmem:$0x1E400] =	vst v63  }
0xf6: {  	_ =	swait.ge [sflag:s6], $0x8000  }
0xf7: {  	s0 =	sld [smem:$0x7ED]  }
0xf8: {  	[sflag:s6] =	ssyncset.done $0x0  }
0xf9: {  	[sflag:s6] =	ssyncadd.s32 $0xFFFF8000  }
0xfa: {  	[tilespmem:s5], [sflag:$0x1] =	stream.indirect.gather [hbm4b:s3+s8], $0x40, s0, s8, $0xb8;
	[tilespmem:$0x1E400] =	vst v63  }
0xfb: {  	_ =	swait.ge [sflag:s11], $0x8000  }
0xfc: {  	[sflag:s11] =	ssyncset.done $0x0  }
0xfd: {  	s0 =	rddreg [dreg:$0x13];
	[sflag:s11] =	ssyncadd.s32 $0xFFFF8000  }
0xfe: {  	[hbm4b:s0+s2] =	stream.linear.scatter [tilespmem:s4], [sflag:$0x5], $0x8000, $0x38;
	[tilespmem:$0x1E400] =	vst v63  }
0xff: {  	_ =	swait.ge [sflag:s7], $0x8000  }
0x100: {  	s0 =	sld [smem:$0x7EE]  }
0x101: {  	[sflag:s7] =	ssyncset.done $0x0  }
0x102: {  	[sflag:s7] =	ssyncadd.s32 $0xFFFF8000  }
0x103: {  	[tilespmem:s4], [sflag:$0x2] =	stream.indirect.gather [hbm4b:s3+s8], $0x40, s0, s8, $0xb8;
	[tilespmem:$0x1E400] =	vst v63  }
0x104: {  	_ =	swait.ge [sflag:s13], $0x8000  }
0x105: {  	[sflag:s13] =	ssyncset.done $0x0  }
0x106: {  	s0 =	rddreg [dreg:$0x14];
	[sflag:s13] =	ssyncadd.s32 $0xFFFF8000  }
0x107: {  	[hbm4b:s0+s2] =	stream.linear.scatter [tilespmem:s10], [sflag:$0x6], $0x8000, $0x38;
	[tilespmem:$0x1E400] =	vst v63  }
0x108: {  	_ =	swait.ge [sflag:s12], $0x8000  }
0x109: {  	s0 =	sld [smem:$0x7EF]  }
0x10a: {  	[sflag:s12] =	ssyncset.done $0x0  }
0x10b: {  	[sflag:s12] =	ssyncadd.s32 $0xFFFF8000  }
0x10c: {  	[tilespmem:s10], [sflag:$0x3] =	stream.indirect.gather [hbm4b:s3+s8], $0x40, s0, s8, $0xb8;
	[tilespmem:$0x1E400] =	vst v63  }
0x10d: {  	_ =	swait.ge [sflag:s9], $0x8000  }
0x10e: {  	[sflag:s9] =	ssyncset.done $0x0  }
0x10f: {  	s0 =	rddreg [dreg:$0x15];
	[sflag:s9] =	ssyncadd.s32 $0xFFFF8000  }
0x110: {  	[hbm4b:s0+s2] =	stream.linear.scatter [tilespmem:s5], [sflag:$0x4], $0x8000, $0x38;
	[tilespmem:$0x1E400] =	vst v63  }
0x111: {  	_ =	swait.ge [sflag:s6], $0x8000  }
0x112: {  	s0 =	sld [smem:$0x7F0]  }
0x113: {  	[sflag:s6] =	ssyncset.done $0x0  }
0x114: {  	[sflag:s6] =	ssyncadd.s32 $0xFFFF8000  }
0x115: {  	[tilespmem:s5], [sflag:$0x1] =	stream.indirect.gather [hbm4b:s3+s8], $0x40, s0, s8, $0xb8;
	[tilespmem:$0x1E400] =	vst v63  }
0x116: {  	_ =	swait.ge [sflag:s11], $0x8000  }
0x117: {  	[sflag:s11] =	ssyncset.done $0x0  }
0x118: {  	s0 =	rddreg [dreg:$0x16];
	[sflag:s11] =	ssyncadd.s32 $0xFFFF8000  }
0x119: {  	[hbm4b:s0+s2] =	stream.linear.scatter [tilespmem:s4], [sflag:$0x5], $0x8000, $0x38;
	[tilespmem:$0x1E400] =	vst v63  }
0x11a: {  	_ =	swait.ge [sflag:s7], $0x8000  }
0x11b: {  	s0 =	sld [smem:$0x7F1]  }
0x11c: {  	[sflag:s7] =	ssyncset.done $0x0  }
0x11d: {  	[sflag:s7] =	ssyncadd.s32 $0xFFFF8000  }
0x11e: {  	[tilespmem:s4], [sflag:$0x2] =	stream.indirect.gather [hbm4b:s3+s8], $0x40, s0, s8, $0xb8;
	[tilespmem:$0x1E400] =	vst v63  }
0x11f: {  	_ =	swait.ge [sflag:s13], $0x8000  }
0x120: {  	[sflag:s13] =	ssyncset.done $0x0  }
0x121: {  	s0 =	rddreg [dreg:$0x17];
	[sflag:s13] =	ssyncadd.s32 $0xFFFF8000  }
0x122: {  	[hbm4b:s0+s2] =	stream.linear.scatter [tilespmem:s10], [sflag:$0x6], $0x8000, $0x38;
	[tilespmem:$0x1E400] =	vst v63  }
0x123: {  	_ =	swait.ge [sflag:s12], $0x8000  }
0x124: {  	s0 =	sld [smem:$0x7F2]  }
0x125: {  	[sflag:s12] =	ssyncset.done $0x0  }
0x126: {  	[sflag:s12] =	ssyncadd.s32 $0xFFFF8000  }
0x127: {  	[tilespmem:s10], [sflag:$0x3] =	stream.indirect.gather [hbm4b:s3+s8], $0x40, s0, s8, $0xb8;
	[tilespmem:$0x1E400] =	vst v63  }
0x128: {  	_ =	swait.ge [sflag:s9], $0x8000  }
0x129: {  	[sflag:s9] =	ssyncset.done $0x0  }
0x12a: {  	s0 =	rddreg [dreg:$0x18];
	[sflag:s9] =	ssyncadd.s32 $0xFFFF8000  }
0x12b: {  	[hbm4b:s0+s2] =	stream.linear.scatter [tilespmem:s5], [sflag:$0x4], $0x8000, $0x38;
	[tilespmem:$0x1E400] =	vst v63  }
0x12c: {  	_ =	swait.ge [sflag:s6], $0x8000  }
0x12d: {  	s0 =	sld [smem:$0x7F3]  }
0x12e: {  	[sflag:s6] =	ssyncset.done $0x0  }
0x12f: {  	[sflag:s6] =	ssyncadd.s32 $0xFFFF8000  }
0x130: {  	[tilespmem:s5], [sflag:$0x1] =	stream.indirect.gather [hbm4b:s3+s8], $0x40, s0, s8, $0xb8;
	[tilespmem:$0x1E400] =	vst v63  }
0x131: {  	_ =	swait.ge [sflag:s11], $0x8000  }
0x132: {  	[sflag:s11] =	ssyncset.done $0x0  }
0x133: {  	s0 =	rddreg [dreg:$0x19];
	[sflag:s11] =	ssyncadd.s32 $0xFFFF8000  }
0x134: {  	[hbm4b:s0+s2] =	stream.linear.scatter [tilespmem:s4], [sflag:$0x5], $0x8000, $0x38;
	[tilespmem:$0x1E400] =	vst v63  }
0x135: {  	_ =	swait.ge [sflag:s7], $0x8000  }
0x136: {  	s0 =	sld [smem:$0x7F4]  }
0x137: {  	[sflag:s7] =	ssyncset.done $0x0  }
0x138: {  	[sflag:s7] =	ssyncadd.s32 $0xFFFF8000  }
0x139: {  	[tilespmem:s4], [sflag:$0x2] =	stream.indirect.gather [hbm4b:s3+s8], $0x40, s0, s8, $0xb8;
	[tilespmem:$0x1E400] =	vst v63  }
0x13a: {  	_ =	swait.ge [sflag:s13], $0x8000  }
0x13b: {  	[sflag:s13] =	ssyncset.done $0x0  }
0x13c: {  	s0 =	rddreg [dreg:$0x1a];
	[sflag:s13] =	ssyncadd.s32 $0xFFFF8000  }
0x13d: {  	[hbm4b:s0+s2] =	stream.linear.scatter [tilespmem:s10], [sflag:$0x6], $0x8000, $0x38;
	[tilespmem:$0x1E400] =	vst v63  }
0x13e: {  	_ =	swait.ge [sflag:s12], $0x8000  }
0x13f: {  	s0 =	sld [smem:$0x7F5]  }
0x140: {  	[sflag:s12] =	ssyncset.done $0x0  }
0x141: {  	[sflag:s12] =	ssyncadd.s32 $0xFFFF8000  }
0x142: {  	[tilespmem:s10], [sflag:$0x3] =	stream.indirect.gather [hbm4b:s3+s8], $0x40, s0, s8, $0xb8;
	[tilespmem:$0x1E400] =	vst v63  }
0x143: {  	_ =	swait.ge [sflag:s9], $0x8000  }
0x144: {  	[sflag:s9] =	ssyncset.done $0x0  }
0x145: {  	s0 =	rddreg [dreg:$0x1b];
	[sflag:s9] =	ssyncadd.s32 $0xFFFF8000  }
0x146: {  	[hbm4b:s0+s2] =	stream.linear.scatter [tilespmem:s5], [sflag:$0x4], $0x8000, $0x38;
	[tilespmem:$0x1E400] =	vst v63  }
0x147: {  	_ =	swait.ge [sflag:s6], $0x8000  }
0x148: {  	s0 =	sld [smem:$0x7F6]  }
0x149: {  	[sflag:s6] =	ssyncset.done $0x0  }
0x14a: {  	[sflag:s6] =	ssyncadd.s32 $0xFFFF8000  }
0x14b: {  	[tilespmem:s5], [sflag:$0x1] =	stream.indirect.gather [hbm4b:s3+s8], $0x40, s0, s8, $0xb8;
	[tilespmem:$0x1E400] =	vst v63  }
0x14c: {  	_ =	swait.ge [sflag:s11], $0x8000  }
0x14d: {  	[sflag:s11] =	ssyncset.done $0x0  }
0x14e: {  	s0 =	rddreg [dreg:$0x1c];
	[sflag:s11] =	ssyncadd.s32 $0xFFFF8000  }
0x14f: {  	[hbm4b:s0+s2] =	stream.linear.scatter [tilespmem:s4], [sflag:$0x5], $0x8000, $0x38;
	[tilespmem:$0x1E400] =	vst v63  }
0x150: {  	_ =	swait.ge [sflag:s7], $0x8000  }
0x151: {  	s0 =	sld [smem:$0x7F7]  }
0x152: {  	[sflag:s7] =	ssyncset.done $0x0  }
0x153: {  	[sflag:s7] =	ssyncadd.s32 $0xFFFF8000  }
0x154: {  	[tilespmem:s4], [sflag:$0x2] =	stream.indirect.gather [hbm4b:s3+s8], $0x40, s0, s8, $0xb8;
	[tilespmem:$0x1E400] =	vst v63  }
0x155: {  	_ =	swait.ge [sflag:s13], $0x8000  }
0x156: {  	[sflag:s13] =	ssyncset.done $0x0  }
0x157: {  	s0 =	rddreg [dreg:$0x1d];
	[sflag:s13] =	ssyncadd.s32 $0xFFFF8000  }
0x158: {  	[hbm4b:s0+s2] =	stream.linear.scatter [tilespmem:s10], [sflag:$0x6], $0x8000, $0x38;
	[tilespmem:$0x1E400] =	vst v63  }
0x159: {  	_ =	swait.ge [sflag:s12], $0x8000  }
0x15a: {  	s0 =	sld [smem:$0x7F8]  }
0x15b: {  	[sflag:s12] =	ssyncset.done $0x0  }
0x15c: {  	[sflag:s12] =	ssyncadd.s32 $0xFFFF8000  }
0x15d: {  	[tilespmem:s10], [sflag:$0x3] =	stream.indirect.gather [hbm4b:s3+s8], $0x40, s0, s8, $0xb8;
	[tilespmem:$0x1E400] =	vst v63  }
0x15e: {  	_ =	swait.ge [sflag:s9], $0x8000  }
0x15f: {  	[sflag:s9] =	ssyncset.done $0x0  }
0x160: {  	s0 =	rddreg [dreg:$0x1e];
	[sflag:s9] =	ssyncadd.s32 $0xFFFF8000  }
0x161: {  	[hbm4b:s0+s2] =	stream.linear.scatter [tilespmem:s5], [sflag:$0x4], $0x8000, $0x38;
	[tilespmem:$0x1E400] =	vst v63  }
0x162: {  	_ =	swait.ge [sflag:s6], $0x8000  }
0x163: {  	s0 =	sld [smem:$0x7F9]  }
0x164: {  	[sflag:s6] =	ssyncset.done $0x0  }
0x165: {  	[sflag:s6] =	ssyncadd.s32 $0xFFFF8000  }
0x166: {  	[tilespmem:s5], [sflag:$0x1] =	stream.indirect.gather [hbm4b:s3+s8], $0x40, s0, s8, $0xb8;
	[tilespmem:$0x1E400] =	vst v63  }
0x167: {  	_ =	swait.ge [sflag:s11], $0x8000  }
0x168: {  	[sflag:s11] =	ssyncset.done $0x0  }
0x169: {  	s0 =	rddreg [dreg:$0x1f];
	[sflag:s11] =	ssyncadd.s32 $0xFFFF8000  }
0x16a: {  	[hbm4b:s0+s2] =	stream.linear.scatter [tilespmem:s4], [sflag:$0x5], $0x8000, $0x38;
	[tilespmem:$0x1E400] =	vst v63  }
0x16b: {  	_ =	swait.ge [sflag:s7], $0x8000  }
0x16c: {  	s0 =	sld [smem:$0x7FA]  }
0x16d: {  	[sflag:s7] =	ssyncset.done $0x0  }
0x16e: {  	[sflag:s7] =	ssyncadd.s32 $0xFFFF8000  }
0x16f: {  	[tilespmem:s4], [sflag:$0x2] =	stream.indirect.gather [hbm4b:s3+s8], $0x40, s0, s8, $0xb8;
	[tilespmem:$0x1E400] =	vst v63  }
0x170: {  	_ =	swait.ge [sflag:s13], $0x8000  }
0x171: {  	s0 =	sld [smem:$0x7C8]  }
0x172: {  	[sflag:s13] =	ssyncset.done $0x0  }
0x173: {  	[sflag:s13] =	ssyncadd.s32 $0xFFFF8000  }
0x174: {  	[hbm4b:s0+s2] =	stream.linear.scatter [tilespmem:s10], [sflag:$0x6], $0x8000, $0x38;
	[tilespmem:$0x1E400] =	vst v63  }
0x175: {  	_ =	swait.ge [sflag:s12], $0x8000  }
0x176: {  	s0 =	sld [smem:$0x7FB]  }
0x177: {  	[sflag:s12] =	ssyncset.done $0x0  }
0x178: {  	[sflag:s12] =	ssyncadd.s32 $0xFFFF8000  }
0x179: {  	[tilespmem:s10], [sflag:$0x3] =	stream.indirect.gather [hbm4b:s3+s8], $0x40, s0, s8, $0xb8;
	[tilespmem:$0x1E400] =	vst v63  }
0x17a: {  	_ =	swait.ge [sflag:s9], $0x8000  }
0x17b: {  	s0 =	sld [smem:$0x7C9]  }
0x17c: {  	[sflag:s9] =	ssyncset.done $0x0  }
0x17d: {  	[sflag:s9] =	ssyncadd.s32 $0xFFFF8000  }
0x17e: {  	[hbm4b:s0+s2] =	stream.linear.scatter [tilespmem:s5], [sflag:$0x4], $0x8000, $0x38;
	[tilespmem:$0x1E400] =	vst v63  }
0x17f: {  	_ =	swait.ge [sflag:s6], $0x8000  }
0x180: {  	s0 =	sld [smem:$0x7FC]  }
0x181: {  	[sflag:s6] =	ssyncset.done $0x0  }
0x182: {  	[sflag:s6] =	ssyncadd.s32 $0xFFFF8000  }
0x183: {  	[tilespmem:s5], [sflag:$0x1] =	stream.indirect.gather [hbm4b:s3+s8], $0x40, s0, s8, $0xb8;
	[tilespmem:$0x1E400] =	vst v63  }
0x184: {  	_ =	swait.ge [sflag:s11], $0x8000  }
0x185: {  	s0 =	sld [smem:$0x7CA]  }
0x186: {  	[sflag:s11] =	ssyncset.done $0x0  }
0x187: {  	[sflag:s11] =	ssyncadd.s32 $0xFFFF8000  }
0x188: {  	[hbm4b:s0+s2] =	stream.linear.scatter [tilespmem:s4], [sflag:$0x5], $0x8000, $0x38;
	[tilespmem:$0x1E400] =	vst v63  }
0x189: {  	_ =	swait.ge [sflag:s7], $0x8000  }
0x18a: {  	s0 =	sld [smem:$0x7FD]  }
0x18b: {  	[sflag:s7] =	ssyncset.done $0x0  }
0x18c: {  	[sflag:s7] =	ssyncadd.s32 $0xFFFF8000  }
0x18d: {  	[tilespmem:s4], [sflag:$0x2] =	stream.indirect.gather [hbm4b:s3+s8], $0x40, s0, s8, $0xb8;
	[tilespmem:$0x1E400] =	vst v63  }
0x18e: {  	_ =	swait.ge [sflag:s13], $0x8000  }
0x18f: {  	s0 =	sld [smem:$0x7CB]  }
0x190: {  	[sflag:s13] =	ssyncset.done $0x0  }
0x191: {  	[sflag:s13] =	ssyncadd.s32 $0xFFFF8000  }
0x192: {  	[hbm4b:s0+s2] =	stream.linear.scatter [tilespmem:s10], [sflag:$0x6], $0x8000, $0x38;
	[tilespmem:$0x1E400] =	vst v63  }
0x193: {  	_ =	swait.ge [sflag:s12], $0x8000  }
0x194: {  	[sflag:s12] =	ssyncset.done $0x0  }
0x195: {  	[sflag:s12] =	ssyncadd.s32 $0xFFFF8000  }
0x196: {  	[tilespmem:s10], [sflag:$0x3] =	stream.indirect.gather [hbm4b:s3+s8], $0x40, s29, s8, $0xb8;
	[tilespmem:$0x1E400] =	vst v63  }
0x197: {  	_ =	swait.ge [sflag:s9], $0x8000  }
0x198: {  	s0 =	sld [smem:$0x7CC]  }
0x199: {  	[sflag:s9] =	ssyncset.done $0x0  }
0x19a: {  	[sflag:s9] =	ssyncadd.s32 $0xFFFF8000  }
0x19b: {  	[hbm4b:s0+s2] =	stream.linear.scatter [tilespmem:s5], [sflag:$0x4], $0x8000, $0x38;
	[tilespmem:$0x1E400] =	vst v63  }
0x19c: {  	_ =	swait.ge [sflag:s6], $0x8000  }
0x19d: {  	[sflag:s6] =	ssyncset.done $0x0  }
0x19e: {  	[sflag:s6] =	ssyncadd.s32 $0xFFFF8000  }
0x19f: {  	[tilespmem:s5], [sflag:$0x1] =	stream.indirect.gather [hbm4b:s3+s8], $0x40, s28, s8, $0xb8;
	[tilespmem:$0x1E400] =	vst v63  }
0x1a0: {  	_ =	swait.ge [sflag:s11], $0x8000  }
0x1a1: {  	s0 =	sld [smem:$0x7CD]  }
0x1a2: {  	[sflag:s11] =	ssyncset.done $0x0  }
0x1a3: {  	[sflag:s11] =	ssyncadd.s32 $0xFFFF8000  }
0x1a4: {  	[hbm4b:s0+s2] =	stream.linear.scatter [tilespmem:s4], [sflag:$0x5], $0x8000, $0x38;
	[tilespmem:$0x1E400] =	vst v63  }
0x1a5: {  	_ =	swait.ge [sflag:s7], $0x8000  }
0x1a6: {  	[sflag:s7] =	ssyncset.done $0x0  }
0x1a7: {  	[sflag:s7] =	ssyncadd.s32 $0xFFFF8000  }
0x1a8: {  	[tilespmem:s4], [sflag:$0x2] =	stream.indirect.gather [hbm4b:s3+s8], $0x40, s26, s8, $0xb8;
	[tilespmem:$0x1E400] =	vst v63  }
0x1a9: {  	_ =	swait.ge [sflag:s13], $0x8000  }
0x1aa: {  	s0 =	sld [smem:$0x7CE]  }
0x1ab: {  	[sflag:s13] =	ssyncset.done $0x0  }
0x1ac: {  	[sflag:s13] =	ssyncadd.s32 $0xFFFF8000  }
0x1ad: {  	[hbm4b:s0+s2] =	stream.linear.scatter [tilespmem:s10], [sflag:$0x6], $0x8000, $0x38;
	[tilespmem:$0x1E400] =	vst v63  }
0x1ae: {  	_ =	swait.ge [sflag:s12], $0x8000  }
0x1af: {  	[sflag:s12] =	ssyncset.done $0x0  }
0x1b0: {  	[sflag:s12] =	ssyncadd.s32 $0xFFFF8000  }
0x1b1: {  	[tilespmem:s10], [sflag:$0x3] =	stream.indirect.gather [hbm4b:s3+s8], $0x40, s25, s8, $0xb8;
	[tilespmem:$0x1E400] =	vst v63  }
0x1b2: {  	_ =	swait.ge [sflag:s9], $0x8000  }
0x1b3: {  	s0 =	sld [smem:$0x7CF]  }
0x1b4: {  	[sflag:s9] =	ssyncset.done $0x0  }
0x1b5: {  	[sflag:s9] =	ssyncadd.s32 $0xFFFF8000  }
0x1b6: {  	[hbm4b:s0+s2] =	stream.linear.scatter [tilespmem:s5], [sflag:$0x4], $0x8000, $0x38;
	[tilespmem:$0x1E400] =	vst v63  }
0x1b7: {  	_ =	swait.ge [sflag:s6], $0x8000  }
0x1b8: {  	[sflag:s6] =	ssyncset.done $0x0  }
0x1b9: {  	[sflag:s6] =	ssyncadd.s32 $0xFFFF8000  }
0x1ba: {  	[tilespmem:s5], [sflag:$0x1] =	stream.indirect.gather [hbm4b:s3+s8], $0x40, s24, s8, $0xb8;
	[tilespmem:$0x1E400] =	vst v63  }
0x1bb: {  	_ =	swait.ge [sflag:s11], $0x8000  }
0x1bc: {  	s0 =	sld [smem:$0x7D0]  }
0x1bd: {  	[sflag:s11] =	ssyncset.done $0x0  }
0x1be: {  	[sflag:s11] =	ssyncadd.s32 $0xFFFF8000  }
0x1bf: {  	[hbm4b:s0+s2] =	stream.linear.scatter [tilespmem:s4], [sflag:$0x5], $0x8000, $0x38;
	[tilespmem:$0x1E400] =	vst v63  }
0x1c0: {  	_ =	swait.ge [sflag:s7], $0x8000  }
0x1c1: {  	[sflag:s7] =	ssyncset.done $0x0  }
0x1c2: {  	[sflag:s7] =	ssyncadd.s32 $0xFFFF8000  }
0x1c3: {  	[tilespmem:s4], [sflag:$0x2] =	stream.indirect.gather [hbm4b:s3+s8], $0x40, s23, s8, $0xb8;
	[tilespmem:$0x1E400] =	vst v63  }
0x1c4: {  	_ =	swait.ge [sflag:s13], $0x8000  }
0x1c5: {  	s0 =	sld [smem:$0x7D1]  }
0x1c6: {  	[sflag:s13] =	ssyncset.done $0x0  }
0x1c7: {  	[sflag:s13] =	ssyncadd.s32 $0xFFFF8000  }
0x1c8: {  	[hbm4b:s0+s2] =	stream.linear.scatter [tilespmem:s10], [sflag:$0x6], $0x8000, $0x38;
	[tilespmem:$0x1E400] =	vst v63  }
0x1c9: {  	_ =	swait.ge [sflag:s12], $0x8000  }
0x1ca: {  	[sflag:s12] =	ssyncset.done $0x0  }
0x1cb: {  	[sflag:s12] =	ssyncadd.s32 $0xFFFF8000  }
0x1cc: {  	[tilespmem:s10], [sflag:$0x3] =	stream.indirect.gather [hbm4b:s3+s8], $0x40, s22, s8, $0xb8;
	[tilespmem:$0x1E400] =	vst v63  }
0x1cd: {  	_ =	swait.ge [sflag:s9], $0x8000  }
0x1ce: {  	s0 =	sld [smem:$0x7D2]  }
0x1cf: {  	[sflag:s9] =	ssyncset.done $0x0  }
0x1d0: {  	[sflag:s9] =	ssyncadd.s32 $0xFFFF8000  }
0x1d1: {  	[hbm4b:s0+s2] =	stream.linear.scatter [tilespmem:s5], [sflag:$0x4], $0x8000, $0x38;
	[tilespmem:$0x1E400] =	vst v63  }
0x1d2: {  	_ =	swait.ge [sflag:s6], $0x8000  }
0x1d3: {  	[sflag:s6] =	ssyncset.done $0x0  }
0x1d4: {  	[sflag:s6] =	ssyncadd.s32 $0xFFFF8000  }
0x1d5: {  	[tilespmem:s5], [sflag:$0x1] =	stream.indirect.gather [hbm4b:s3+s8], $0x40, s21, s8, $0xb8;
	[tilespmem:$0x1E400] =	vst v63  }
0x1d6: {  	_ =	swait.ge [sflag:s11], $0x8000  }
0x1d7: {  	s0 =	sld [smem:$0x7D3]  }
0x1d8: {  	[sflag:s11] =	ssyncset.done $0x0  }
0x1d9: {  	[sflag:s11] =	ssyncadd.s32 $0xFFFF8000  }
0x1da: {  	[hbm4b:s0+s2] =	stream.linear.scatter [tilespmem:s4], [sflag:$0x5], $0x8000, $0x38;
	[tilespmem:$0x1E400] =	vst v63  }
0x1db: {  	_ =	swait.ge [sflag:s7], $0x8000  }
0x1dc: {  	[sflag:s7] =	ssyncset.done $0x0  }
0x1dd: {  	[sflag:s7] =	ssyncadd.s32 $0xFFFF8000  }
0x1de: {  	[tilespmem:s4], [sflag:$0x2] =	stream.indirect.gather [hbm4b:s3+s8], $0x40, s20, s8, $0xb8;
	[tilespmem:$0x1E400] =	vst v63  }
0x1df: {  	_ =	swait.ge [sflag:s13], $0x8000  }
0x1e0: {  	s0 =	sld [smem:$0x7D4]  }
0x1e1: {  	[sflag:s13] =	ssyncset.done $0x0  }
0x1e2: {  	[sflag:s13] =	ssyncadd.s32 $0xFFFF8000  }
0x1e3: {  	[hbm4b:s0+s2] =	stream.linear.scatter [tilespmem:s10], [sflag:$0x6], $0x8000, $0x38;
	[tilespmem:$0x1E400] =	vst v63  }
0x1e4: {  	_ =	swait.ge [sflag:s12], $0x8000  }
0x1e5: {  	[sflag:s12] =	ssyncset.done $0x0  }
0x1e6: {  	[sflag:s12] =	ssyncadd.s32 $0xFFFF8000  }
0x1e7: {  	[tilespmem:s10], [sflag:$0x3] =	stream.indirect.gather [hbm4b:s3+s8], $0x40, s19, s8, $0xb8;
	[tilespmem:$0x1E400] =	vst v63  }
0x1e8: {  	_ =	swait.ge [sflag:s9], $0x8000  }
0x1e9: {  	s0 =	sld [smem:$0x7D5]  }
0x1ea: {  	[sflag:s9] =	ssyncset.done $0x0  }
0x1eb: {  	[sflag:s9] =	ssyncadd.s32 $0xFFFF8000  }
0x1ec: {  	[hbm4b:s0+s2] =	stream.linear.scatter [tilespmem:s5], [sflag:$0x4], $0x8000, $0x38;
	[tilespmem:$0x1E400] =	vst v63  }
0x1ed: {  	_ =	swait.ge [sflag:s6], $0x8000  }
0x1ee: {  	[sflag:s6] =	ssyncset.done $0x0  }
0x1ef: {  	[sflag:s6] =	ssyncadd.s32 $0xFFFF8000  }
0x1f0: {  	[tilespmem:s5], [sflag:$0x1] =	stream.indirect.gather [hbm4b:s3+s8], $0x40, s18, s8, $0xb8;
	[tilespmem:$0x1E400] =	vst v63  }
0x1f1: {  	_ =	swait.ge [sflag:s11], $0x8000  }
0x1f2: {  	s0 =	sld [smem:$0x7D6]  }
0x1f3: {  	[sflag:s11] =	ssyncset.done $0x0  }
0x1f4: {  	[sflag:s11] =	ssyncadd.s32 $0xFFFF8000  }
0x1f5: {  	[hbm4b:s0+s2] =	stream.linear.scatter [tilespmem:s4], [sflag:$0x5], $0x8000, $0x38;
	[tilespmem:$0x1E400] =	vst v63  }
0x1f6: {  	_ =	swait.ge [sflag:s7], $0x8000  }
0x1f7: {  	[sflag:s7] =	ssyncset.done $0x0  }
0x1f8: {  	[sflag:s7] =	ssyncadd.s32 $0xFFFF8000  }
0x1f9: {  	[tilespmem:s4], [sflag:$0x2] =	stream.indirect.gather [hbm4b:s3+s8], $0x40, s17, s8, $0xb8;
	[tilespmem:$0x1E400] =	vst v63  }
0x1fa: {  	_ =	swait.ge [sflag:s13], $0x8000  }
0x1fb: {  	s0 =	sld [smem:$0x7D7]  }
0x1fc: {  	[sflag:s13] =	ssyncset.done $0x0  }
0x1fd: {  	[sflag:s13] =	ssyncadd.s32 $0xFFFF8000  }
0x1fe: {  	[hbm4b:s0+s2] =	stream.linear.scatter [tilespmem:s10], [sflag:$0x6], $0x8000, $0x38;
	[tilespmem:$0x1E400] =	vst v63  }
0x1ff: {  	_ =	swait.ge [sflag:s12], $0x8000  }
0x200: {  	[sflag:s12] =	ssyncset.done $0x0  }
0x201: {  	[sflag:s12] =	ssyncadd.s32 $0xFFFF8000  }
0x202: {  	[tilespmem:s10], [sflag:$0x3] =	stream.indirect.gather [hbm4b:s3+s8], $0x40, s16, s8, $0xb8;
	[tilespmem:$0x1E400] =	vst v63  }
0x203: {  	_ =	swait.ge [sflag:s9], $0x8000  }
0x204: {  	s0 =	sld [smem:$0x7D8]  }
0x205: {  	[sflag:s9] =	ssyncset.done $0x0  }
0x206: {  	[sflag:s9] =	ssyncadd.s32 $0xFFFF8000  }
0x207: {  	[hbm4b:s0+s2] =	stream.linear.scatter [tilespmem:s5], [sflag:$0x4], $0x8000, $0x38;
	[tilespmem:$0x1E400] =	vst v63  }
0x208: {  	_ =	swait.ge [sflag:s6], $0x8000  }
0x209: {  	[sflag:s6] =	ssyncset.done $0x0  }
0x20a: {  	[sflag:s6] =	ssyncadd.s32 $0xFFFF8000  }
0x20b: {  	[tilespmem:s5], [sflag:$0x1] =	stream.indirect.gather [hbm4b:s3+s8], $0x40, s15, s8, $0xb8;
	[tilespmem:$0x1E400] =	vst v63  }
0x20c: {  	_ =	swait.ge [sflag:s11], $0x8000  }
0x20d: {  	s0 =	sld [smem:$0x7D9]  }
0x20e: {  	[sflag:s11] =	ssyncset.done $0x0  }
0x20f: {  	[sflag:s11] =	ssyncadd.s32 $0xFFFF8000  }
0x210: {  	[hbm4b:s0+s2] =	stream.linear.scatter [tilespmem:s4], [sflag:$0x5], $0x8000, $0x38;
	[tilespmem:$0x1E400] =	vst v63  }
0x211: {  	_ =	swait.ge [sflag:s7], $0x8000  }
0x212: {  	[sflag:s7] =	ssyncset.done $0x0  }
0x213: {  	[sflag:s7] =	ssyncadd.s32 $0xFFFF8000  }
0x214: {  	[tilespmem:s4], [sflag:$0x2] =	stream.indirect.gather [hbm4b:s3+s8], $0x40, s14, s8, $0xb8;
	[tilespmem:$0x1E400] =	vst v63  }
0x215: {  	_ =	swait.ge [sflag:s13], $0x8000  }
0x216: {  	s0 =	sld [smem:$0x7DA]  }
0x217: {  	[sflag:s13] =	ssyncset.done $0x0  }
0x218: {  	[sflag:s13] =	ssyncadd.s32 $0xFFFF8000  }
0x219: {  	[hbm4b:s0+s2] =	stream.linear.scatter [tilespmem:s10], [sflag:$0x6], $0x8000, $0x38;
	[tilespmem:$0x1E400] =	vst v63  }
0x21a: {  	_ =	swait.ge [sflag:s9], $0x8000  }
0x21b: {  	s0 =	sld [smem:$0x7DB]  }
0x21c: {  	[sflag:s9] =	ssyncset.done $0x0  }
0x21d: {  	[sflag:s9] =	ssyncadd.s32 $0xFFFF8000  }
0x21e: {  	[hbm4b:s0+s2] =	stream.linear.scatter [tilespmem:s5], [sflag:$0x4], $0x8000, $0x38;
	[tilespmem:$0x1E400] =	vst v63  }
0x21f: {  	_ =	swait.ge [sflag:s11], $0x8000  }
0x220: {  	s0 =	sld [smem:$0x7DC]  }
0x221: {  	[sflag:s11] =	ssyncset.done $0x0  }
0x222: {  	[sflag:s11] =	ssyncadd.s32 $0xFFFF8000  }
0x223: {  	[hbm4b:s0+s2] =	stream.linear.scatter [tilespmem:s4], [sflag:$0x5], $0x8000, $0x38;
	[tilespmem:$0x1E400] =	vst v63  }
0x224: {  	_ =	swait.ge [sflag:s12], $0x8000  }
0x225: {  	[sflag:s12] =	ssyncset.done $0x0  }
0x226: {  	p1 =	sne.s32 s1, $0x1;
	[sflag:s12] =	ssyncadd.s32 $0xFFFF8000  }
.Ltmp1:
0x227: {  	_ =	swait.ge [sflag:s6], $0x8000;
	(pc) =	sbr.rel @!p1 .LBB2_3-.Ltmp1, $4  }
0x228: {  	[sflag:s6] =	ssyncset.done $0x0  }
0x229: {  	[sflag:s6] =	ssyncadd.s32 $0xFFFF8000  }
0x22a: {  	s1 =	sadd.s32 $0xFFFFFFFF, s1;
	_ =	swait.ge [sflag:s7], $0x8000  }
0x22b: {  	p0 =	por $0x1, $0x1;
	s0 =	rddreg [dreg:$0x3];
	[sflag:s7] =	ssyncset.done $0x0  }
.LBB2_2:
0x22c: {  	[sflag:s7] =	ssyncadd.s32 $0xFFFF8000  }
0x22d: {  	[tilespmem:s2], [sflag:$0x7] =	stream.linear.gather [hbm4b:s0+s2], $0x6400, $0x38;
	[tilespmem:$0x1E400] =	vst v63  }
0x22e: {  	_ =	swait.ge [sflag:s31], $0x6400  }
0x22f: {  	[sflag:s31] =	ssyncset.done $0x0  }
0x230: {  	[sflag:s31] =	ssyncadd.s32 $0xFFFF9C00  }
0x231: {  	[tilespmem:s5], [sflag:$0x1] =	stream.indirect.gather [hbm4b:s3+s8], $0x40, s2, s8, $0xb8;
	[tilespmem:$0x1E400] =	vst v63  }
0x232: {  	s0 =	sld [smem:$0x7DD]  }
0x233: {  	[tilespmem:s4], [sflag:$0x2] =	stream.indirect.gather [hbm4b:s3+s8], $0x40, s8, s8, $0xb8;
	[tilespmem:$0x1E400] =	vst v63  }
0x234: {  	_ = 	snop  }
0x235: {  	[tilespmem:s10], [sflag:$0x3] =	stream.indirect.gather [hbm4b:s3+s8], $0x40, s0, s8, $0xb8;
	[tilespmem:$0x1E400] =	vst v63  }
0x236: {  	_ =	swait.ge [sflag:s9], $0x8000  }
0x237: {  	[sflag:s9] =	ssyncset.done $0x0  }
0x238: {  	[sflag:s9] =	ssyncadd.s32 $0xFFFF8000  }
0x239: {  	[hbm4b:s30+s2] =	stream.linear.scatter [tilespmem:s5], [sflag:$0x4], $0x8000, $0x38;
	[tilespmem:$0x1E400] =	vst v63  }
0x23a: {  	_ =	swait.ge [sflag:s6], $0x8000  }
0x23b: {  	s0 =	sld [smem:$0x7DE]  }
0x23c: {  	[sflag:s6] =	ssyncset.done $0x0  }
0x23d: {  	[sflag:s6] =	ssyncadd.s32 $0xFFFF8000  }
0x23e: {  	[tilespmem:s5], [sflag:$0x1] =	stream.indirect.gather [hbm4b:s3+s8], $0x40, s0, s8, $0xb8;
	[tilespmem:$0x1E400] =	vst v63  }
0x23f: {  	_ =	swait.ge [sflag:s11], $0x8000  }
0x240: {  	[sflag:s11] =	ssyncset.done $0x0  }
0x241: {  	s0 =	rddreg [dreg:$0x4];
	[sflag:s11] =	ssyncadd.s32 $0xFFFF8000  }
0x242: {  	[hbm4b:s0+s2] =	stream.linear.scatter [tilespmem:s4], [sflag:$0x5], $0x8000, $0x38;
	[tilespmem:$0x1E400] =	vst v63  }
0x243: {  	_ =	swait.ge [sflag:s7], $0x8000  }
0x244: {  	s0 =	sld [smem:$0x7DF]  }
0x245: {  	[sflag:s7] =	ssyncset.done $0x0  }
0x246: {  	[sflag:s7] =	ssyncadd.s32 $0xFFFF8000  }
0x247: {  	[tilespmem:s4], [sflag:$0x2] =	stream.indirect.gather [hbm4b:s3+s8], $0x40, s0, s8, $0xb8;
	[tilespmem:$0x1E400] =	vst v63  }
0x248: {  	_ =	swait.ge [sflag:s13], $0x8000  }
0x249: {  	[sflag:s13] =	ssyncset.done $0x0  }
0x24a: {  	s0 =	rddreg [dreg:$0x5];
	[sflag:s13] =	ssyncadd.s32 $0xFFFF8000  }
0x24b: {  	[hbm4b:s0+s2] =	stream.linear.scatter [tilespmem:s10], [sflag:$0x6], $0x8000, $0x38;
	[tilespmem:$0x1E400] =	vst v63  }
0x24c: {  	_ =	swait.ge [sflag:s12], $0x8000  }
0x24d: {  	s0 =	sld [smem:$0x7E0]  }
0x24e: {  	[sflag:s12] =	ssyncset.done $0x0  }
0x24f: {  	[sflag:s12] =	ssyncadd.s32 $0xFFFF8000  }
0x250: {  	[tilespmem:s10], [sflag:$0x3] =	stream.indirect.gather [hbm4b:s3+s8], $0x40, s0, s8, $0xb8;
	[tilespmem:$0x1E400] =	vst v63  }
0x251: {  	_ =	swait.ge [sflag:s9], $0x8000  }
0x252: {  	[sflag:s9] =	ssyncset.done $0x0  }
0x253: {  	s0 =	rddreg [dreg:$0x6];
	[sflag:s9] =	ssyncadd.s32 $0xFFFF8000  }
0x254: {  	[hbm4b:s0+s2] =	stream.linear.scatter [tilespmem:s5], [sflag:$0x4], $0x8000, $0x38;
	[tilespmem:$0x1E400] =	vst v63  }
0x255: {  	_ =	swait.ge [sflag:s6], $0x8000  }
0x256: {  	s0 =	sld [smem:$0x7E1]  }
0x257: {  	[sflag:s6] =	ssyncset.done $0x0  }
0x258: {  	[sflag:s6] =	ssyncadd.s32 $0xFFFF8000  }
0x259: {  	[tilespmem:s5], [sflag:$0x1] =	stream.indirect.gather [hbm4b:s3+s8], $0x40, s0, s8, $0xb8;
	[tilespmem:$0x1E400] =	vst v63  }
0x25a: {  	_ =	swait.ge [sflag:s11], $0x8000  }
0x25b: {  	[sflag:s11] =	ssyncset.done $0x0  }
0x25c: {  	s0 =	rddreg [dreg:$0x7];
	[sflag:s11] =	ssyncadd.s32 $0xFFFF8000  }
0x25d: {  	[hbm4b:s0+s2] =	stream.linear.scatter [tilespmem:s4], [sflag:$0x5], $0x8000, $0x38;
	[tilespmem:$0x1E400] =	vst v63  }
0x25e: {  	_ =	swait.ge [sflag:s7], $0x8000  }
0x25f: {  	s0 =	sld [smem:$0x7E2]  }
0x260: {  	[sflag:s7] =	ssyncset.done $0x0  }
0x261: {  	[sflag:s7] =	ssyncadd.s32 $0xFFFF8000  }
0x262: {  	[tilespmem:s4], [sflag:$0x2] =	stream.indirect.gather [hbm4b:s3+s8], $0x40, s0, s8, $0xb8;
	[tilespmem:$0x1E400] =	vst v63  }
0x263: {  	_ =	swait.ge [sflag:s13], $0x8000  }
0x264: {  	[sflag:s13] =	ssyncset.done $0x0  }
0x265: {  	s0 =	rddreg [dreg:$0x8];
	[sflag:s13] =	ssyncadd.s32 $0xFFFF8000  }
0x266: {  	[hbm4b:s0+s2] =	stream.linear.scatter [tilespmem:s10], [sflag:$0x6], $0x8000, $0x38;
	[tilespmem:$0x1E400] =	vst v63  }
0x267: {  	_ =	swait.ge [sflag:s12], $0x8000  }
0x268: {  	s0 =	sld [smem:$0x7E3]  }
0x269: {  	[sflag:s12] =	ssyncset.done $0x0  }
0x26a: {  	[sflag:s12] =	ssyncadd.s32 $0xFFFF8000  }
0x26b: {  	[tilespmem:s10], [sflag:$0x3] =	stream.indirect.gather [hbm4b:s3+s8], $0x40, s0, s8, $0xb8;
	[tilespmem:$0x1E400] =	vst v63  }
0x26c: {  	_ =	swait.ge [sflag:s9], $0x8000  }
0x26d: {  	[sflag:s9] =	ssyncset.done $0x0  }
0x26e: {  	s0 =	rddreg [dreg:$0x9];
	[sflag:s9] =	ssyncadd.s32 $0xFFFF8000  }
0x26f: {  	[hbm4b:s0+s2] =	stream.linear.scatter [tilespmem:s5], [sflag:$0x4], $0x8000, $0x38;
	[tilespmem:$0x1E400] =	vst v63  }
0x270: {  	_ =	swait.ge [sflag:s6], $0x8000  }
0x271: {  	s0 =	sld [smem:$0x7E4]  }
0x272: {  	[sflag:s6] =	ssyncset.done $0x0  }
0x273: {  	[sflag:s6] =	ssyncadd.s32 $0xFFFF8000  }
0x274: {  	[tilespmem:s5], [sflag:$0x1] =	stream.indirect.gather [hbm4b:s3+s8], $0x40, s0, s8, $0xb8;
	[tilespmem:$0x1E400] =	vst v63  }
0x275: {  	_ =	swait.ge [sflag:s11], $0x8000  }
0x276: {  	[sflag:s11] =	ssyncset.done $0x0  }
0x277: {  	s0 =	rddreg [dreg:$0xa];
	[sflag:s11] =	ssyncadd.s32 $0xFFFF8000  }
0x278: {  	[hbm4b:s0+s2] =	stream.linear.scatter [tilespmem:s4], [sflag:$0x5], $0x8000, $0x38;
	[tilespmem:$0x1E400] =	vst v63  }
0x279: {  	_ =	swait.ge [sflag:s7], $0x8000  }
0x27a: {  	s0 =	sld [smem:$0x7E5]  }
0x27b: {  	[sflag:s7] =	ssyncset.done $0x0  }
0x27c: {  	[sflag:s7] =	ssyncadd.s32 $0xFFFF8000  }
0x27d: {  	[tilespmem:s4], [sflag:$0x2] =	stream.indirect.gather [hbm4b:s3+s8], $0x40, s0, s8, $0xb8;
	[tilespmem:$0x1E400] =	vst v63  }
0x27e: {  	_ =	swait.ge [sflag:s13], $0x8000  }
0x27f: {  	[sflag:s13] =	ssyncset.done $0x0  }
0x280: {  	s0 =	rddreg [dreg:$0xb];
	[sflag:s13] =	ssyncadd.s32 $0xFFFF8000  }
0x281: {  	[hbm4b:s0+s2] =	stream.linear.scatter [tilespmem:s10], [sflag:$0x6], $0x8000, $0x38;
	[tilespmem:$0x1E400] =	vst v63  }
0x282: {  	_ =	swait.ge [sflag:s12], $0x8000  }
0x283: {  	s0 =	sld [smem:$0x7E6]  }
0x284: {  	[sflag:s12] =	ssyncset.done $0x0  }
0x285: {  	[sflag:s12] =	ssyncadd.s32 $0xFFFF8000  }
0x286: {  	[tilespmem:s10], [sflag:$0x3] =	stream.indirect.gather [hbm4b:s3+s8], $0x40, s0, s8, $0xb8;
	[tilespmem:$0x1E400] =	vst v63  }
0x287: {  	_ =	swait.ge [sflag:s9], $0x8000  }
0x288: {  	[sflag:s9] =	ssyncset.done $0x0  }
0x289: {  	s0 =	rddreg [dreg:$0xc];
	[sflag:s9] =	ssyncadd.s32 $0xFFFF8000  }
0x28a: {  	[hbm4b:s0+s2] =	stream.linear.scatter [tilespmem:s5], [sflag:$0x4], $0x8000, $0x38;
	[tilespmem:$0x1E400] =	vst v63  }
0x28b: {  	_ =	swait.ge [sflag:s6], $0x8000  }
0x28c: {  	s0 =	sld [smem:$0x7E7]  }
0x28d: {  	[sflag:s6] =	ssyncset.done $0x0  }
0x28e: {  	[sflag:s6] =	ssyncadd.s32 $0xFFFF8000  }
0x28f: {  	[tilespmem:s5], [sflag:$0x1] =	stream.indirect.gather [hbm4b:s3+s8], $0x40, s0, s8, $0xb8;
	[tilespmem:$0x1E400] =	vst v63  }
0x290: {  	_ =	swait.ge [sflag:s11], $0x8000  }
0x291: {  	[sflag:s11] =	ssyncset.done $0x0  }
0x292: {  	s0 =	rddreg [dreg:$0xd];
	[sflag:s11] =	ssyncadd.s32 $0xFFFF8000  }
0x293: {  	[hbm4b:s0+s2] =	stream.linear.scatter [tilespmem:s4], [sflag:$0x5], $0x8000, $0x38;
	[tilespmem:$0x1E400] =	vst v63  }
0x294: {  	_ =	swait.ge [sflag:s7], $0x8000  }
0x295: {  	s0 =	sld [smem:$0x7E8]  }
0x296: {  	[sflag:s7] =	ssyncset.done $0x0  }
0x297: {  	[sflag:s7] =	ssyncadd.s32 $0xFFFF8000  }
0x298: {  	[tilespmem:s4], [sflag:$0x2] =	stream.indirect.gather [hbm4b:s3+s8], $0x40, s0, s8, $0xb8;
	[tilespmem:$0x1E400] =	vst v63  }
0x299: {  	_ =	swait.ge [sflag:s13], $0x8000  }
0x29a: {  	[sflag:s13] =	ssyncset.done $0x0  }
0x29b: {  	s0 =	rddreg [dreg:$0xe];
	[sflag:s13] =	ssyncadd.s32 $0xFFFF8000  }
0x29c: {  	[hbm4b:s0+s2] =	stream.linear.scatter [tilespmem:s10], [sflag:$0x6], $0x8000, $0x38;
	[tilespmem:$0x1E400] =	vst v63  }
0x29d: {  	_ =	swait.ge [sflag:s12], $0x8000  }
0x29e: {  	s0 =	sld [smem:$0x7E9]  }
0x29f: {  	[sflag:s12] =	ssyncset.done $0x0  }
0x2a0: {  	[sflag:s12] =	ssyncadd.s32 $0xFFFF8000  }
0x2a1: {  	[tilespmem:s10], [sflag:$0x3] =	stream.indirect.gather [hbm4b:s3+s8], $0x40, s0, s8, $0xb8;
	[tilespmem:$0x1E400] =	vst v63  }
0x2a2: {  	_ =	swait.ge [sflag:s9], $0x8000  }
0x2a3: {  	[sflag:s9] =	ssyncset.done $0x0  }
0x2a4: {  	s0 =	rddreg [dreg:$0xf];
	[sflag:s9] =	ssyncadd.s32 $0xFFFF8000  }
0x2a5: {  	[hbm4b:s0+s2] =	stream.linear.scatter [tilespmem:s5], [sflag:$0x4], $0x8000, $0x38;
	[tilespmem:$0x1E400] =	vst v63  }
0x2a6: {  	_ =	swait.ge [sflag:s6], $0x8000  }
0x2a7: {  	s0 =	sld [smem:$0x7EA]  }
0x2a8: {  	[sflag:s6] =	ssyncset.done $0x0  }
0x2a9: {  	[sflag:s6] =	ssyncadd.s32 $0xFFFF8000  }
0x2aa: {  	[tilespmem:s5], [sflag:$0x1] =	stream.indirect.gather [hbm4b:s3+s8], $0x40, s0, s8, $0xb8;
	[tilespmem:$0x1E400] =	vst v63  }
0x2ab: {  	_ =	swait.ge [sflag:s11], $0x8000  }
0x2ac: {  	[sflag:s11] =	ssyncset.done $0x0  }
0x2ad: {  	s0 =	rddreg [dreg:$0x10];
	[sflag:s11] =	ssyncadd.s32 $0xFFFF8000  }
0x2ae: {  	[hbm4b:s0+s2] =	stream.linear.scatter [tilespmem:s4], [sflag:$0x5], $0x8000, $0x38;
	[tilespmem:$0x1E400] =	vst v63  }
0x2af: {  	_ =	swait.ge [sflag:s7], $0x8000  }
0x2b0: {  	s0 =	sld [smem:$0x7EB]  }
0x2b1: {  	[sflag:s7] =	ssyncset.done $0x0  }
0x2b2: {  	[sflag:s7] =	ssyncadd.s32 $0xFFFF8000  }
0x2b3: {  	[tilespmem:s4], [sflag:$0x2] =	stream.indirect.gather [hbm4b:s3+s8], $0x40, s0, s8, $0xb8;
	[tilespmem:$0x1E400] =	vst v63  }
0x2b4: {  	_ =	swait.ge [sflag:s13], $0x8000  }
0x2b5: {  	[sflag:s13] =	ssyncset.done $0x0  }
0x2b6: {  	s0 =	rddreg [dreg:$0x11];
	[sflag:s13] =	ssyncadd.s32 $0xFFFF8000  }
0x2b7: {  	[hbm4b:s0+s2] =	stream.linear.scatter [tilespmem:s10], [sflag:$0x6], $0x8000, $0x38;
	[tilespmem:$0x1E400] =	vst v63  }
0x2b8: {  	_ =	swait.ge [sflag:s12], $0x8000  }
0x2b9: {  	s0 =	sld [smem:$0x7EC]  }
0x2ba: {  	[sflag:s12] =	ssyncset.done $0x0  }
0x2bb: {  	[sflag:s12] =	ssyncadd.s32 $0xFFFF8000  }
0x2bc: {  	[tilespmem:s10], [sflag:$0x3] =	stream.indirect.gather [hbm4b:s3+s8], $0x40, s0, s8, $0xb8;
	[tilespmem:$0x1E400] =	vst v63  }
0x2bd: {  	_ =	swait.ge [sflag:s9], $0x8000  }
0x2be: {  	[sflag:s9] =	ssyncset.done $0x0  }
0x2bf: {  	s0 =	rddreg [dreg:$0x12];
	[sflag:s9] =	ssyncadd.s32 $0xFFFF8000  }
0x2c0: {  	[hbm4b:s0+s2] =	stream.linear.scatter [tilespmem:s5], [sflag:$0x4], $0x8000, $0x38;
	[tilespmem:$0x1E400] =	vst v63  }
0x2c1: {  	_ =	swait.ge [sflag:s6], $0x8000  }
0x2c2: {  	s0 =	sld [smem:$0x7ED]  }
0x2c3: {  	[sflag:s6] =	ssyncset.done $0x0  }
0x2c4: {  	[sflag:s6] =	ssyncadd.s32 $0xFFFF8000  }
0x2c5: {  	[tilespmem:s5], [sflag:$0x1] =	stream.indirect.gather [hbm4b:s3+s8], $0x40, s0, s8, $0xb8;
	[tilespmem:$0x1E400] =	vst v63  }
0x2c6: {  	_ =	swait.ge [sflag:s11], $0x8000  }
0x2c7: {  	[sflag:s11] =	ssyncset.done $0x0  }
0x2c8: {  	s0 =	rddreg [dreg:$0x13];
	[sflag:s11] =	ssyncadd.s32 $0xFFFF8000  }
0x2c9: {  	[hbm4b:s0+s2] =	stream.linear.scatter [tilespmem:s4], [sflag:$0x5], $0x8000, $0x38;
	[tilespmem:$0x1E400] =	vst v63  }
0x2ca: {  	_ =	swait.ge [sflag:s7], $0x8000  }
0x2cb: {  	s0 =	sld [smem:$0x7EE]  }
0x2cc: {  	[sflag:s7] =	ssyncset.done $0x0  }
0x2cd: {  	[sflag:s7] =	ssyncadd.s32 $0xFFFF8000  }
0x2ce: {  	[tilespmem:s4], [sflag:$0x2] =	stream.indirect.gather [hbm4b:s3+s8], $0x40, s0, s8, $0xb8;
	[tilespmem:$0x1E400] =	vst v63  }
0x2cf: {  	_ =	swait.ge [sflag:s13], $0x8000  }
0x2d0: {  	[sflag:s13] =	ssyncset.done $0x0  }
0x2d1: {  	s0 =	rddreg [dreg:$0x14];
	[sflag:s13] =	ssyncadd.s32 $0xFFFF8000  }
0x2d2: {  	[hbm4b:s0+s2] =	stream.linear.scatter [tilespmem:s10], [sflag:$0x6], $0x8000, $0x38;
	[tilespmem:$0x1E400] =	vst v63  }
0x2d3: {  	_ =	swait.ge [sflag:s12], $0x8000  }
0x2d4: {  	s0 =	sld [smem:$0x7EF]  }
0x2d5: {  	[sflag:s12] =	ssyncset.done $0x0  }
0x2d6: {  	[sflag:s12] =	ssyncadd.s32 $0xFFFF8000  }
0x2d7: {  	[tilespmem:s10], [sflag:$0x3] =	stream.indirect.gather [hbm4b:s3+s8], $0x40, s0, s8, $0xb8;
	[tilespmem:$0x1E400] =	vst v63  }
0x2d8: {  	_ =	swait.ge [sflag:s9], $0x8000  }
0x2d9: {  	[sflag:s9] =	ssyncset.done $0x0  }
0x2da: {  	s0 =	rddreg [dreg:$0x15];
	[sflag:s9] =	ssyncadd.s32 $0xFFFF8000  }
0x2db: {  	[hbm4b:s0+s2] =	stream.linear.scatter [tilespmem:s5], [sflag:$0x4], $0x8000, $0x38;
	[tilespmem:$0x1E400] =	vst v63  }
0x2dc: {  	_ =	swait.ge [sflag:s6], $0x8000  }
0x2dd: {  	s0 =	sld [smem:$0x7F0]  }
0x2de: {  	[sflag:s6] =	ssyncset.done $0x0  }
0x2df: {  	[sflag:s6] =	ssyncadd.s32 $0xFFFF8000  }
0x2e0: {  	[tilespmem:s5], [sflag:$0x1] =	stream.indirect.gather [hbm4b:s3+s8], $0x40, s0, s8, $0xb8;
	[tilespmem:$0x1E400] =	vst v63  }
0x2e1: {  	_ =	swait.ge [sflag:s11], $0x8000  }
0x2e2: {  	[sflag:s11] =	ssyncset.done $0x0  }
0x2e3: {  	s0 =	rddreg [dreg:$0x16];
	[sflag:s11] =	ssyncadd.s32 $0xFFFF8000  }
0x2e4: {  	[hbm4b:s0+s2] =	stream.linear.scatter [tilespmem:s4], [sflag:$0x5], $0x8000, $0x38;
	[tilespmem:$0x1E400] =	vst v63  }
0x2e5: {  	_ =	swait.ge [sflag:s7], $0x8000  }
0x2e6: {  	s0 =	sld [smem:$0x7F1]  }
0x2e7: {  	[sflag:s7] =	ssyncset.done $0x0  }
0x2e8: {  	[sflag:s7] =	ssyncadd.s32 $0xFFFF8000  }
0x2e9: {  	[tilespmem:s4], [sflag:$0x2] =	stream.indirect.gather [hbm4b:s3+s8], $0x40, s0, s8, $0xb8;
	[tilespmem:$0x1E400] =	vst v63  }
0x2ea: {  	_ =	swait.ge [sflag:s13], $0x8000  }
0x2eb: {  	[sflag:s13] =	ssyncset.done $0x0  }
0x2ec: {  	s0 =	rddreg [dreg:$0x17];
	[sflag:s13] =	ssyncadd.s32 $0xFFFF8000  }
0x2ed: {  	[hbm4b:s0+s2] =	stream.linear.scatter [tilespmem:s10], [sflag:$0x6], $0x8000, $0x38;
	[tilespmem:$0x1E400] =	vst v63  }
0x2ee: {  	_ =	swait.ge [sflag:s12], $0x8000  }
0x2ef: {  	s0 =	sld [smem:$0x7F2]  }
0x2f0: {  	[sflag:s12] =	ssyncset.done $0x0  }
0x2f1: {  	[sflag:s12] =	ssyncadd.s32 $0xFFFF8000  }
0x2f2: {  	[tilespmem:s10], [sflag:$0x3] =	stream.indirect.gather [hbm4b:s3+s8], $0x40, s0, s8, $0xb8;
	[tilespmem:$0x1E400] =	vst v63  }
0x2f3: {  	_ =	swait.ge [sflag:s9], $0x8000  }
0x2f4: {  	[sflag:s9] =	ssyncset.done $0x0  }
0x2f5: {  	s0 =	rddreg [dreg:$0x18];
	[sflag:s9] =	ssyncadd.s32 $0xFFFF8000  }
0x2f6: {  	[hbm4b:s0+s2] =	stream.linear.scatter [tilespmem:s5], [sflag:$0x4], $0x8000, $0x38;
	[tilespmem:$0x1E400] =	vst v63  }
0x2f7: {  	_ =	swait.ge [sflag:s6], $0x8000  }
0x2f8: {  	s0 =	sld [smem:$0x7F3]  }
0x2f9: {  	[sflag:s6] =	ssyncset.done $0x0  }
0x2fa: {  	[sflag:s6] =	ssyncadd.s32 $0xFFFF8000  }
0x2fb: {  	[tilespmem:s5], [sflag:$0x1] =	stream.indirect.gather [hbm4b:s3+s8], $0x40, s0, s8, $0xb8;
	[tilespmem:$0x1E400] =	vst v63  }
0x2fc: {  	_ =	swait.ge [sflag:s11], $0x8000  }
0x2fd: {  	[sflag:s11] =	ssyncset.done $0x0  }
0x2fe: {  	s0 =	rddreg [dreg:$0x19];
	[sflag:s11] =	ssyncadd.s32 $0xFFFF8000  }
0x2ff: {  	[hbm4b:s0+s2] =	stream.linear.scatter [tilespmem:s4], [sflag:$0x5], $0x8000, $0x38;
	[tilespmem:$0x1E400] =	vst v63  }
0x300: {  	_ =	swait.ge [sflag:s7], $0x8000  }
0x301: {  	s0 =	sld [smem:$0x7F4]  }
0x302: {  	[sflag:s7] =	ssyncset.done $0x0  }
0x303: {  	[sflag:s7] =	ssyncadd.s32 $0xFFFF8000  }
0x304: {  	[tilespmem:s4], [sflag:$0x2] =	stream.indirect.gather [hbm4b:s3+s8], $0x40, s0, s8, $0xb8;
	[tilespmem:$0x1E400] =	vst v63  }
0x305: {  	_ =	swait.ge [sflag:s13], $0x8000  }
0x306: {  	[sflag:s13] =	ssyncset.done $0x0  }
0x307: {  	s0 =	rddreg [dreg:$0x1a];
	[sflag:s13] =	ssyncadd.s32 $0xFFFF8000  }
0x308: {  	[hbm4b:s0+s2] =	stream.linear.scatter [tilespmem:s10], [sflag:$0x6], $0x8000, $0x38;
	[tilespmem:$0x1E400] =	vst v63  }
0x309: {  	_ =	swait.ge [sflag:s12], $0x8000  }
0x30a: {  	s0 =	sld [smem:$0x7F5]  }
0x30b: {  	[sflag:s12] =	ssyncset.done $0x0  }
0x30c: {  	[sflag:s12] =	ssyncadd.s32 $0xFFFF8000  }
0x30d: {  	[tilespmem:s10], [sflag:$0x3] =	stream.indirect.gather [hbm4b:s3+s8], $0x40, s0, s8, $0xb8;
	[tilespmem:$0x1E400] =	vst v63  }
0x30e: {  	_ =	swait.ge [sflag:s9], $0x8000  }
0x30f: {  	[sflag:s9] =	ssyncset.done $0x0  }
0x310: {  	s0 =	rddreg [dreg:$0x1b];
	[sflag:s9] =	ssyncadd.s32 $0xFFFF8000  }
0x311: {  	[hbm4b:s0+s2] =	stream.linear.scatter [tilespmem:s5], [sflag:$0x4], $0x8000, $0x38;
	[tilespmem:$0x1E400] =	vst v63  }
0x312: {  	_ =	swait.ge [sflag:s6], $0x8000  }
0x313: {  	s0 =	sld [smem:$0x7F6]  }
0x314: {  	[sflag:s6] =	ssyncset.done $0x0  }
0x315: {  	[sflag:s6] =	ssyncadd.s32 $0xFFFF8000  }
0x316: {  	[tilespmem:s5], [sflag:$0x1] =	stream.indirect.gather [hbm4b:s3+s8], $0x40, s0, s8, $0xb8;
	[tilespmem:$0x1E400] =	vst v63  }
0x317: {  	_ =	swait.ge [sflag:s11], $0x8000  }
0x318: {  	[sflag:s11] =	ssyncset.done $0x0  }
0x319: {  	s0 =	rddreg [dreg:$0x1c];
	[sflag:s11] =	ssyncadd.s32 $0xFFFF8000  }
0x31a: {  	[hbm4b:s0+s2] =	stream.linear.scatter [tilespmem:s4], [sflag:$0x5], $0x8000, $0x38;
	[tilespmem:$0x1E400] =	vst v63  }
0x31b: {  	_ =	swait.ge [sflag:s7], $0x8000  }
0x31c: {  	s0 =	sld [smem:$0x7F7]  }
0x31d: {  	[sflag:s7] =	ssyncset.done $0x0  }
0x31e: {  	[sflag:s7] =	ssyncadd.s32 $0xFFFF8000  }
0x31f: {  	[tilespmem:s4], [sflag:$0x2] =	stream.indirect.gather [hbm4b:s3+s8], $0x40, s0, s8, $0xb8;
	[tilespmem:$0x1E400] =	vst v63  }
0x320: {  	_ =	swait.ge [sflag:s13], $0x8000  }
0x321: {  	[sflag:s13] =	ssyncset.done $0x0  }
0x322: {  	s0 =	rddreg [dreg:$0x1d];
	[sflag:s13] =	ssyncadd.s32 $0xFFFF8000  }
0x323: {  	[hbm4b:s0+s2] =	stream.linear.scatter [tilespmem:s10], [sflag:$0x6], $0x8000, $0x38;
	[tilespmem:$0x1E400] =	vst v63  }
0x324: {  	_ =	swait.ge [sflag:s12], $0x8000  }
0x325: {  	s0 =	sld [smem:$0x7F8]  }
0x326: {  	[sflag:s12] =	ssyncset.done $0x0  }
0x327: {  	[sflag:s12] =	ssyncadd.s32 $0xFFFF8000  }
0x328: {  	[tilespmem:s10], [sflag:$0x3] =	stream.indirect.gather [hbm4b:s3+s8], $0x40, s0, s8, $0xb8;
	[tilespmem:$0x1E400] =	vst v63  }
0x329: {  	_ =	swait.ge [sflag:s9], $0x8000  }
0x32a: {  	[sflag:s9] =	ssyncset.done $0x0  }
0x32b: {  	s0 =	rddreg [dreg:$0x1e];
	[sflag:s9] =	ssyncadd.s32 $0xFFFF8000  }
0x32c: {  	[hbm4b:s0+s2] =	stream.linear.scatter [tilespmem:s5], [sflag:$0x4], $0x8000, $0x38;
	[tilespmem:$0x1E400] =	vst v63  }
0x32d: {  	_ =	swait.ge [sflag:s6], $0x8000  }
0x32e: {  	s0 =	sld [smem:$0x7F9]  }
0x32f: {  	[sflag:s6] =	ssyncset.done $0x0  }
0x330: {  	[sflag:s6] =	ssyncadd.s32 $0xFFFF8000  }
0x331: {  	[tilespmem:s5], [sflag:$0x1] =	stream.indirect.gather [hbm4b:s3+s8], $0x40, s0, s8, $0xb8;
	[tilespmem:$0x1E400] =	vst v63  }
0x332: {  	_ =	swait.ge [sflag:s11], $0x8000  }
0x333: {  	[sflag:s11] =	ssyncset.done $0x0  }
0x334: {  	s0 =	rddreg [dreg:$0x1f];
	[sflag:s11] =	ssyncadd.s32 $0xFFFF8000  }
0x335: {  	[hbm4b:s0+s2] =	stream.linear.scatter [tilespmem:s4], [sflag:$0x5], $0x8000, $0x38;
	[tilespmem:$0x1E400] =	vst v63  }
0x336: {  	_ =	swait.ge [sflag:s7], $0x8000  }
0x337: {  	s0 =	sld [smem:$0x7FA]  }
0x338: {  	[sflag:s7] =	ssyncset.done $0x0  }
0x339: {  	[sflag:s7] =	ssyncadd.s32 $0xFFFF8000  }
0x33a: {  	[tilespmem:s4], [sflag:$0x2] =	stream.indirect.gather [hbm4b:s3+s8], $0x40, s0, s8, $0xb8;
	[tilespmem:$0x1E400] =	vst v63  }
0x33b: {  	_ =	swait.ge [sflag:s13], $0x8000  }
0x33c: {  	s0 =	sld [smem:$0x7C8]  }
0x33d: {  	[sflag:s13] =	ssyncset.done $0x0  }
0x33e: {  	[sflag:s13] =	ssyncadd.s32 $0xFFFF8000  }
0x33f: {  	[hbm4b:s0+s2] =	stream.linear.scatter [tilespmem:s10], [sflag:$0x6], $0x8000, $0x38;
	[tilespmem:$0x1E400] =	vst v63  }
0x340: {  	_ =	swait.ge [sflag:s12], $0x8000  }
0x341: {  	s0 =	sld [smem:$0x7FB]  }
0x342: {  	[sflag:s12] =	ssyncset.done $0x0  }
0x343: {  	[sflag:s12] =	ssyncadd.s32 $0xFFFF8000  }
0x344: {  	[tilespmem:s10], [sflag:$0x3] =	stream.indirect.gather [hbm4b:s3+s8], $0x40, s0, s8, $0xb8;
	[tilespmem:$0x1E400] =	vst v63  }
0x345: {  	_ =	swait.ge [sflag:s9], $0x8000  }
0x346: {  	s0 =	sld [smem:$0x7C9]  }
0x347: {  	[sflag:s9] =	ssyncset.done $0x0  }
0x348: {  	[sflag:s9] =	ssyncadd.s32 $0xFFFF8000  }
0x349: {  	[hbm4b:s0+s2] =	stream.linear.scatter [tilespmem:s5], [sflag:$0x4], $0x8000, $0x38;
	[tilespmem:$0x1E400] =	vst v63  }
0x34a: {  	_ =	swait.ge [sflag:s6], $0x8000  }
0x34b: {  	s0 =	sld [smem:$0x7FC]  }
0x34c: {  	[sflag:s6] =	ssyncset.done $0x0  }
0x34d: {  	[sflag:s6] =	ssyncadd.s32 $0xFFFF8000  }
0x34e: {  	[tilespmem:s5], [sflag:$0x1] =	stream.indirect.gather [hbm4b:s3+s8], $0x40, s0, s8, $0xb8;
	[tilespmem:$0x1E400] =	vst v63  }
0x34f: {  	_ =	swait.ge [sflag:s11], $0x8000  }
0x350: {  	s0 =	sld [smem:$0x7CA]  }
0x351: {  	[sflag:s11] =	ssyncset.done $0x0  }
0x352: {  	[sflag:s11] =	ssyncadd.s32 $0xFFFF8000  }
0x353: {  	[hbm4b:s0+s2] =	stream.linear.scatter [tilespmem:s4], [sflag:$0x5], $0x8000, $0x38;
	[tilespmem:$0x1E400] =	vst v63  }
0x354: {  	_ =	swait.ge [sflag:s7], $0x8000  }
0x355: {  	s0 =	sld [smem:$0x7FD]  }
0x356: {  	[sflag:s7] =	ssyncset.done $0x0  }
0x357: {  	[sflag:s7] =	ssyncadd.s32 $0xFFFF8000  }
0x358: {  	[tilespmem:s4], [sflag:$0x2] =	stream.indirect.gather [hbm4b:s3+s8], $0x40, s0, s8, $0xb8;
	[tilespmem:$0x1E400] =	vst v63  }
0x359: {  	_ =	swait.ge [sflag:s13], $0x8000  }
0x35a: {  	s0 =	sld [smem:$0x7CB]  }
0x35b: {  	[sflag:s13] =	ssyncset.done $0x0  }
0x35c: {  	[sflag:s13] =	ssyncadd.s32 $0xFFFF8000  }
0x35d: {  	[hbm4b:s0+s2] =	stream.linear.scatter [tilespmem:s10], [sflag:$0x6], $0x8000, $0x38;
	[tilespmem:$0x1E400] =	vst v63  }
0x35e: {  	_ =	swait.ge [sflag:s12], $0x8000  }
0x35f: {  	[sflag:s12] =	ssyncset.done $0x0  }
0x360: {  	[sflag:s12] =	ssyncadd.s32 $0xFFFF8000  }
0x361: {  	[tilespmem:s10], [sflag:$0x3] =	stream.indirect.gather [hbm4b:s3+s8], $0x40, s29, s8, $0xb8;
	[tilespmem:$0x1E400] =	vst v63  }
0x362: {  	_ =	swait.ge [sflag:s9], $0x8000  }
0x363: {  	s0 =	sld [smem:$0x7CC]  }
0x364: {  	[sflag:s9] =	ssyncset.done $0x0  }
0x365: {  	[sflag:s9] =	ssyncadd.s32 $0xFFFF8000  }
0x366: {  	[hbm4b:s0+s2] =	stream.linear.scatter [tilespmem:s5], [sflag:$0x4], $0x8000, $0x38;
	[tilespmem:$0x1E400] =	vst v63  }
0x367: {  	_ =	swait.ge [sflag:s6], $0x8000  }
0x368: {  	[sflag:s6] =	ssyncset.done $0x0  }
0x369: {  	[sflag:s6] =	ssyncadd.s32 $0xFFFF8000  }
0x36a: {  	[tilespmem:s5], [sflag:$0x1] =	stream.indirect.gather [hbm4b:s3+s8], $0x40, s28, s8, $0xb8;
	[tilespmem:$0x1E400] =	vst v63  }
0x36b: {  	_ =	swait.ge [sflag:s11], $0x8000  }
0x36c: {  	s0 =	sld [smem:$0x7CD]  }
0x36d: {  	[sflag:s11] =	ssyncset.done $0x0  }
0x36e: {  	[sflag:s11] =	ssyncadd.s32 $0xFFFF8000  }
0x36f: {  	[hbm4b:s0+s2] =	stream.linear.scatter [tilespmem:s4], [sflag:$0x5], $0x8000, $0x38;
	[tilespmem:$0x1E400] =	vst v63  }
0x370: {  	_ =	swait.ge [sflag:s7], $0x8000  }
0x371: {  	[sflag:s7] =	ssyncset.done $0x0  }
0x372: {  	[sflag:s7] =	ssyncadd.s32 $0xFFFF8000  }
0x373: {  	[tilespmem:s4], [sflag:$0x2] =	stream.indirect.gather [hbm4b:s3+s8], $0x40, s26, s8, $0xb8;
	[tilespmem:$0x1E400] =	vst v63  }
0x374: {  	_ =	swait.ge [sflag:s13], $0x8000  }
0x375: {  	s0 =	sld [smem:$0x7CE]  }
0x376: {  	[sflag:s13] =	ssyncset.done $0x0  }
0x377: {  	[sflag:s13] =	ssyncadd.s32 $0xFFFF8000  }
0x378: {  	[hbm4b:s0+s2] =	stream.linear.scatter [tilespmem:s10], [sflag:$0x6], $0x8000, $0x38;
	[tilespmem:$0x1E400] =	vst v63  }
0x379: {  	_ =	swait.ge [sflag:s12], $0x8000  }
0x37a: {  	[sflag:s12] =	ssyncset.done $0x0  }
0x37b: {  	[sflag:s12] =	ssyncadd.s32 $0xFFFF8000  }
0x37c: {  	[tilespmem:s10], [sflag:$0x3] =	stream.indirect.gather [hbm4b:s3+s8], $0x40, s25, s8, $0xb8;
	[tilespmem:$0x1E400] =	vst v63  }
0x37d: {  	_ =	swait.ge [sflag:s9], $0x8000  }
0x37e: {  	s0 =	sld [smem:$0x7CF]  }
0x37f: {  	[sflag:s9] =	ssyncset.done $0x0  }
0x380: {  	[sflag:s9] =	ssyncadd.s32 $0xFFFF8000  }
0x381: {  	[hbm4b:s0+s2] =	stream.linear.scatter [tilespmem:s5], [sflag:$0x4], $0x8000, $0x38;
	[tilespmem:$0x1E400] =	vst v63  }
0x382: {  	_ =	swait.ge [sflag:s6], $0x8000  }
0x383: {  	[sflag:s6] =	ssyncset.done $0x0  }
0x384: {  	[sflag:s6] =	ssyncadd.s32 $0xFFFF8000  }
0x385: {  	[tilespmem:s5], [sflag:$0x1] =	stream.indirect.gather [hbm4b:s3+s8], $0x40, s24, s8, $0xb8;
	[tilespmem:$0x1E400] =	vst v63  }
0x386: {  	_ =	swait.ge [sflag:s11], $0x8000  }
0x387: {  	s0 =	sld [smem:$0x7D0]  }
0x388: {  	[sflag:s11] =	ssyncset.done $0x0  }
0x389: {  	[sflag:s11] =	ssyncadd.s32 $0xFFFF8000  }
0x38a: {  	[hbm4b:s0+s2] =	stream.linear.scatter [tilespmem:s4], [sflag:$0x5], $0x8000, $0x38;
	[tilespmem:$0x1E400] =	vst v63  }
0x38b: {  	_ =	swait.ge [sflag:s7], $0x8000  }
0x38c: {  	[sflag:s7] =	ssyncset.done $0x0  }
0x38d: {  	[sflag:s7] =	ssyncadd.s32 $0xFFFF8000  }
0x38e: {  	[tilespmem:s4], [sflag:$0x2] =	stream.indirect.gather [hbm4b:s3+s8], $0x40, s23, s8, $0xb8;
	[tilespmem:$0x1E400] =	vst v63  }
0x38f: {  	_ =	swait.ge [sflag:s13], $0x8000  }
0x390: {  	s0 =	sld [smem:$0x7D1]  }
0x391: {  	[sflag:s13] =	ssyncset.done $0x0  }
0x392: {  	[sflag:s13] =	ssyncadd.s32 $0xFFFF8000  }
0x393: {  	[hbm4b:s0+s2] =	stream.linear.scatter [tilespmem:s10], [sflag:$0x6], $0x8000, $0x38;
	[tilespmem:$0x1E400] =	vst v63  }
0x394: {  	_ =	swait.ge [sflag:s12], $0x8000  }
0x395: {  	[sflag:s12] =	ssyncset.done $0x0  }
0x396: {  	[sflag:s12] =	ssyncadd.s32 $0xFFFF8000  }
0x397: {  	[tilespmem:s10], [sflag:$0x3] =	stream.indirect.gather [hbm4b:s3+s8], $0x40, s22, s8, $0xb8;
	[tilespmem:$0x1E400] =	vst v63  }
0x398: {  	_ =	swait.ge [sflag:s9], $0x8000  }
0x399: {  	s0 =	sld [smem:$0x7D2]  }
0x39a: {  	[sflag:s9] =	ssyncset.done $0x0  }
0x39b: {  	[sflag:s9] =	ssyncadd.s32 $0xFFFF8000  }
0x39c: {  	[hbm4b:s0+s2] =	stream.linear.scatter [tilespmem:s5], [sflag:$0x4], $0x8000, $0x38;
	[tilespmem:$0x1E400] =	vst v63  }
0x39d: {  	_ =	swait.ge [sflag:s6], $0x8000  }
0x39e: {  	[sflag:s6] =	ssyncset.done $0x0  }
0x39f: {  	[sflag:s6] =	ssyncadd.s32 $0xFFFF8000  }
0x3a0: {  	[tilespmem:s5], [sflag:$0x1] =	stream.indirect.gather [hbm4b:s3+s8], $0x40, s21, s8, $0xb8;
	[tilespmem:$0x1E400] =	vst v63  }
0x3a1: {  	_ =	swait.ge [sflag:s11], $0x8000  }
0x3a2: {  	s0 =	sld [smem:$0x7D3]  }
0x3a3: {  	[sflag:s11] =	ssyncset.done $0x0  }
0x3a4: {  	[sflag:s11] =	ssyncadd.s32 $0xFFFF8000  }
0x3a5: {  	[hbm4b:s0+s2] =	stream.linear.scatter [tilespmem:s4], [sflag:$0x5], $0x8000, $0x38;
	[tilespmem:$0x1E400] =	vst v63  }
0x3a6: {  	_ =	swait.ge [sflag:s7], $0x8000  }
0x3a7: {  	[sflag:s7] =	ssyncset.done $0x0  }
0x3a8: {  	[sflag:s7] =	ssyncadd.s32 $0xFFFF8000  }
0x3a9: {  	[tilespmem:s4], [sflag:$0x2] =	stream.indirect.gather [hbm4b:s3+s8], $0x40, s20, s8, $0xb8;
	[tilespmem:$0x1E400] =	vst v63  }
0x3aa: {  	_ =	swait.ge [sflag:s13], $0x8000  }
0x3ab: {  	s0 =	sld [smem:$0x7D4]  }
0x3ac: {  	[sflag:s13] =	ssyncset.done $0x0  }
0x3ad: {  	[sflag:s13] =	ssyncadd.s32 $0xFFFF8000  }
0x3ae: {  	[hbm4b:s0+s2] =	stream.linear.scatter [tilespmem:s10], [sflag:$0x6], $0x8000, $0x38;
	[tilespmem:$0x1E400] =	vst v63  }
0x3af: {  	_ =	swait.ge [sflag:s12], $0x8000  }
0x3b0: {  	[sflag:s12] =	ssyncset.done $0x0  }
0x3b1: {  	[sflag:s12] =	ssyncadd.s32 $0xFFFF8000  }
0x3b2: {  	[tilespmem:s10], [sflag:$0x3] =	stream.indirect.gather [hbm4b:s3+s8], $0x40, s19, s8, $0xb8;
	[tilespmem:$0x1E400] =	vst v63  }
0x3b3: {  	_ =	swait.ge [sflag:s9], $0x8000  }
0x3b4: {  	s0 =	sld [smem:$0x7D5]  }
0x3b5: {  	[sflag:s9] =	ssyncset.done $0x0  }
0x3b6: {  	[sflag:s9] =	ssyncadd.s32 $0xFFFF8000  }
0x3b7: {  	[hbm4b:s0+s2] =	stream.linear.scatter [tilespmem:s5], [sflag:$0x4], $0x8000, $0x38;
	[tilespmem:$0x1E400] =	vst v63  }
0x3b8: {  	_ =	swait.ge [sflag:s6], $0x8000  }
0x3b9: {  	[sflag:s6] =	ssyncset.done $0x0  }
0x3ba: {  	[sflag:s6] =	ssyncadd.s32 $0xFFFF8000  }
0x3bb: {  	[tilespmem:s5], [sflag:$0x1] =	stream.indirect.gather [hbm4b:s3+s8], $0x40, s18, s8, $0xb8;
	[tilespmem:$0x1E400] =	vst v63  }
0x3bc: {  	_ =	swait.ge [sflag:s11], $0x8000  }
0x3bd: {  	s0 =	sld [smem:$0x7D6]  }
0x3be: {  	[sflag:s11] =	ssyncset.done $0x0  }
0x3bf: {  	[sflag:s11] =	ssyncadd.s32 $0xFFFF8000  }
0x3c0: {  	[hbm4b:s0+s2] =	stream.linear.scatter [tilespmem:s4], [sflag:$0x5], $0x8000, $0x38;
	[tilespmem:$0x1E400] =	vst v63  }
0x3c1: {  	_ =	swait.ge [sflag:s7], $0x8000  }
0x3c2: {  	[sflag:s7] =	ssyncset.done $0x0  }
0x3c3: {  	[sflag:s7] =	ssyncadd.s32 $0xFFFF8000  }
0x3c4: {  	[tilespmem:s4], [sflag:$0x2] =	stream.indirect.gather [hbm4b:s3+s8], $0x40, s17, s8, $0xb8;
	[tilespmem:$0x1E400] =	vst v63  }
0x3c5: {  	_ =	swait.ge [sflag:s13], $0x8000  }
0x3c6: {  	s0 =	sld [smem:$0x7D7]  }
0x3c7: {  	[sflag:s13] =	ssyncset.done $0x0  }
0x3c8: {  	[sflag:s13] =	ssyncadd.s32 $0xFFFF8000  }
0x3c9: {  	[hbm4b:s0+s2] =	stream.linear.scatter [tilespmem:s10], [sflag:$0x6], $0x8000, $0x38;
	[tilespmem:$0x1E400] =	vst v63  }
0x3ca: {  	_ =	swait.ge [sflag:s12], $0x8000  }
0x3cb: {  	[sflag:s12] =	ssyncset.done $0x0  }
0x3cc: {  	[sflag:s12] =	ssyncadd.s32 $0xFFFF8000  }
0x3cd: {  	[tilespmem:s10], [sflag:$0x3] =	stream.indirect.gather [hbm4b:s3+s8], $0x40, s16, s8, $0xb8;
	[tilespmem:$0x1E400] =	vst v63  }
0x3ce: {  	_ =	swait.ge [sflag:s9], $0x8000  }
0x3cf: {  	s0 =	sld [smem:$0x7D8]  }
0x3d0: {  	[sflag:s9] =	ssyncset.done $0x0  }
0x3d1: {  	[sflag:s9] =	ssyncadd.s32 $0xFFFF8000  }
0x3d2: {  	[hbm4b:s0+s2] =	stream.linear.scatter [tilespmem:s5], [sflag:$0x4], $0x8000, $0x38;
	[tilespmem:$0x1E400] =	vst v63  }
0x3d3: {  	_ =	swait.ge [sflag:s6], $0x8000  }
0x3d4: {  	[sflag:s6] =	ssyncset.done $0x0  }
0x3d5: {  	[sflag:s6] =	ssyncadd.s32 $0xFFFF8000  }
0x3d6: {  	[tilespmem:s5], [sflag:$0x1] =	stream.indirect.gather [hbm4b:s3+s8], $0x40, s15, s8, $0xb8;
	[tilespmem:$0x1E400] =	vst v63  }
0x3d7: {  	_ =	swait.ge [sflag:s11], $0x8000  }
0x3d8: {  	s0 =	sld [smem:$0x7D9]  }
0x3d9: {  	[sflag:s11] =	ssyncset.done $0x0  }
0x3da: {  	[sflag:s11] =	ssyncadd.s32 $0xFFFF8000  }
0x3db: {  	[hbm4b:s0+s2] =	stream.linear.scatter [tilespmem:s4], [sflag:$0x5], $0x8000, $0x38;
	[tilespmem:$0x1E400] =	vst v63  }
0x3dc: {  	_ =	swait.ge [sflag:s7], $0x8000  }
0x3dd: {  	[sflag:s7] =	ssyncset.done $0x0  }
0x3de: {  	[sflag:s7] =	ssyncadd.s32 $0xFFFF8000  }
0x3df: {  	[tilespmem:s4], [sflag:$0x2] =	stream.indirect.gather [hbm4b:s3+s8], $0x40, s14, s8, $0xb8;
	[tilespmem:$0x1E400] =	vst v63  }
0x3e0: {  	_ =	swait.ge [sflag:s13], $0x8000  }
0x3e1: {  	s0 =	sld [smem:$0x7DA]  }
0x3e2: {  	[sflag:s13] =	ssyncset.done $0x0  }
0x3e3: {  	[sflag:s13] =	ssyncadd.s32 $0xFFFF8000  }
0x3e4: {  	[hbm4b:s0+s2] =	stream.linear.scatter [tilespmem:s10], [sflag:$0x6], $0x8000, $0x38;
	[tilespmem:$0x1E400] =	vst v63  }
0x3e5: {  	_ =	swait.ge [sflag:s9], $0x8000  }
0x3e6: {  	s0 =	sld [smem:$0x7DB]  }
0x3e7: {  	[sflag:s9] =	ssyncset.done $0x0  }
0x3e8: {  	[sflag:s9] =	ssyncadd.s32 $0xFFFF8000  }
0x3e9: {  	[hbm4b:s0+s2] =	stream.linear.scatter [tilespmem:s5], [sflag:$0x4], $0x8000, $0x38;
	[tilespmem:$0x1E400] =	vst v63  }
0x3ea: {  	_ =	swait.ge [sflag:s11], $0x8000  }
0x3eb: {  	s0 =	sld [smem:$0x7DC]  }
0x3ec: {  	[sflag:s11] =	ssyncset.done $0x0  }
0x3ed: {  	[sflag:s11] =	ssyncadd.s32 $0xFFFF8000  }
0x3ee: {  	[hbm4b:s0+s2] =	stream.linear.scatter [tilespmem:s4], [sflag:$0x5], $0x8000, $0x38;
	[tilespmem:$0x1E400] =	vst v63  }
0x3ef: {  	_ =	swait.ge [sflag:s12], $0x8000  }
0x3f0: {  	[sflag:s12] =	ssyncset.done $0x0  }
0x3f1: {  	p1 =	sne.s32 s1, $0x1;
	[sflag:s12] =	ssyncadd.s32 $0xFFFF8000  }
.Ltmp2:
0x3f2: {  	_ =	swait.ge [sflag:s6], $0x8000;
	(pc) =	sbr.rel @p1 .LBB2_2-.Ltmp2, $4  }
0x3f3: {  	[sflag:s6] =	ssyncset.done $0x0  }
0x3f4: {  	[sflag:s6] =	ssyncadd.s32 $0xFFFF8000  }
0x3f5: {  	_ =	swait.ge [sflag:s7], $0x8000  }
0x3f6: {  	s1 =	sadd.s32 $0xFFFFFFFF, s1;
	s0 =	rddreg [dreg:$0x3];
	[sflag:s7] =	ssyncset.done $0x0  }
.LBB2_3:
0x3f7: {  	[sflag:s7] =	ssyncadd.s32 @p0 $0xFFFF8000  }
0x3f8: {  	[tilespmem:s2], [sflag:$0x7] =	stream.linear.gather [hbm4b:s0+s2], $0x6400, $0x38;
	[tilespmem:$0x1E400] =	vst v63  }
0x3f9: {  	_ =	swait.ge [sflag:s31], $0x6400  }
0x3fa: {  	[sflag:s31] =	ssyncset.done $0x0  }
0x3fb: {  	[sflag:s31] =	ssyncadd.s32 $0xFFFF9C00  }
0x3fc: {  	[tilespmem:s5], [sflag:$0x1] =	stream.indirect.gather [hbm4b:s3+s8], $0x40, s2, s8, $0xb8;
	[tilespmem:$0x1E400] =	vst v63  }
0x3fd: {  	s1 =	sld [smem:$0x7DD]  }
0x3fe: {  	[tilespmem:s4], [sflag:$0x2] =	stream.indirect.gather [hbm4b:s3+s8], $0x40, s8, s8, $0xb8;
	[tilespmem:$0x1E400] =	vst v63  }
0x3ff: {  	_ = 	snop  }
0x400: {  	[tilespmem:s10], [sflag:$0x3] =	stream.indirect.gather [hbm4b:s3+s8], $0x40, s1, s8, $0xb8;
	[tilespmem:$0x1E400] =	vst v63  }
0x401: {  	_ =	swait.ge [sflag:s9], $0x8000  }
0x402: {  	[sflag:s9] =	ssyncset.done $0x0  }
0x403: {  	[sflag:s9] =	ssyncadd.s32 $0xFFFF8000  }
0x404: {  	[hbm4b:s30+s2] =	stream.linear.scatter [tilespmem:s5], [sflag:$0x4], $0x8000, $0x38;
	[tilespmem:$0x1E400] =	vst v63  }
0x405: {  	_ =	swait.ge [sflag:s6], $0x8000  }
0x406: {  	s30 =	sld [smem:$0x7DE]  }
0x407: {  	[sflag:s6] =	ssyncset.done $0x0  }
0x408: {  	[sflag:s6] =	ssyncadd.s32 $0xFFFF8000  }
0x409: {  	[tilespmem:s5], [sflag:$0x1] =	stream.indirect.gather [hbm4b:s3+s8], $0x40, s30, s8, $0xb8;
	[tilespmem:$0x1E400] =	vst v63  }
0x40a: {  	_ =	swait.ge [sflag:s11], $0x8000  }
0x40b: {  	[sflag:s11] =	ssyncset.done $0x0  }
0x40c: {  	s31 =	rddreg [dreg:$0x4];
	[sflag:s11] =	ssyncadd.s32 $0xFFFF8000  }
0x40d: {  	[hbm4b:s31+s2] =	stream.linear.scatter [tilespmem:s4], [sflag:$0x5], $0x8000, $0x38;
	[tilespmem:$0x1E400] =	vst v63  }
0x40e: {  	_ =	swait.ge [sflag:s7], $0x8000  }
0x40f: {  	s1 =	sld [smem:$0x7DF]  }
0x410: {  	[sflag:s7] =	ssyncset.done $0x0  }
0x411: {  	[sflag:s7] =	ssyncadd.s32 $0xFFFF8000  }
0x412: {  	[tilespmem:s4], [sflag:$0x2] =	stream.indirect.gather [hbm4b:s3+s8], $0x40, s1, s8, $0xb8;
	[tilespmem:$0x1E400] =	vst v63  }
0x413: {  	_ =	swait.ge [sflag:s13], $0x8000  }
0x414: {  	[sflag:s13] =	ssyncset.done $0x0  }
0x415: {  	s30 =	rddreg [dreg:$0x5];
	[sflag:s13] =	ssyncadd.s32 $0xFFFF8000  }
0x416: {  	[hbm4b:s30+s2] =	stream.linear.scatter [tilespmem:s10], [sflag:$0x6], $0x8000, $0x38;
	[tilespmem:$0x1E400] =	vst v63  }
0x417: {  	_ =	swait.ge [sflag:s12], $0x8000  }
0x418: {  	s31 =	sld [smem:$0x7E0]  }
0x419: {  	[sflag:s12] =	ssyncset.done $0x0  }
0x41a: {  	[sflag:s12] =	ssyncadd.s32 $0xFFFF8000  }
0x41b: {  	[tilespmem:s10], [sflag:$0x3] =	stream.indirect.gather [hbm4b:s3+s8], $0x40, s31, s8, $0xb8;
	[tilespmem:$0x1E400] =	vst v63  }
0x41c: {  	_ =	swait.ge [sflag:s9], $0x8000  }
0x41d: {  	[sflag:s9] =	ssyncset.done $0x0  }
0x41e: {  	s1 =	rddreg [dreg:$0x6];
	[sflag:s9] =	ssyncadd.s32 $0xFFFF8000  }
0x41f: {  	[hbm4b:s1+s2] =	stream.linear.scatter [tilespmem:s5], [sflag:$0x4], $0x8000, $0x38;
	[tilespmem:$0x1E400] =	vst v63  }
0x420: {  	_ =	swait.ge [sflag:s6], $0x8000  }
0x421: {  	s30 =	sld [smem:$0x7E1]  }
0x422: {  	[sflag:s6] =	ssyncset.done $0x0  }
0x423: {  	[sflag:s6] =	ssyncadd.s32 $0xFFFF8000  }
0x424: {  	[tilespmem:s5], [sflag:$0x1] =	stream.indirect.gather [hbm4b:s3+s8], $0x40, s30, s8, $0xb8;
	[tilespmem:$0x1E400] =	vst v63  }
0x425: {  	_ =	swait.ge [sflag:s11], $0x8000  }
0x426: {  	[sflag:s11] =	ssyncset.done $0x0  }
0x427: {  	s31 =	rddreg [dreg:$0x7];
	[sflag:s11] =	ssyncadd.s32 $0xFFFF8000  }
0x428: {  	[hbm4b:s31+s2] =	stream.linear.scatter [tilespmem:s4], [sflag:$0x5], $0x8000, $0x38;
	[tilespmem:$0x1E400] =	vst v63  }
0x429: {  	_ =	swait.ge [sflag:s7], $0x8000  }
0x42a: {  	s1 =	sld [smem:$0x7E2]  }
0x42b: {  	[sflag:s7] =	ssyncset.done $0x0  }
0x42c: {  	[sflag:s7] =	ssyncadd.s32 $0xFFFF8000  }
0x42d: {  	[tilespmem:s4], [sflag:$0x2] =	stream.indirect.gather [hbm4b:s3+s8], $0x40, s1, s8, $0xb8;
	[tilespmem:$0x1E400] =	vst v63  }
0x42e: {  	_ =	swait.ge [sflag:s13], $0x8000  }
0x42f: {  	[sflag:s13] =	ssyncset.done $0x0  }
0x430: {  	s30 =	rddreg [dreg:$0x8];
	[sflag:s13] =	ssyncadd.s32 $0xFFFF8000  }
0x431: {  	[hbm4b:s30+s2] =	stream.linear.scatter [tilespmem:s10], [sflag:$0x6], $0x8000, $0x38;
	[tilespmem:$0x1E400] =	vst v63  }
0x432: {  	_ =	swait.ge [sflag:s12], $0x8000  }
0x433: {  	s31 =	sld [smem:$0x7E3]  }
0x434: {  	[sflag:s12] =	ssyncset.done $0x0  }
0x435: {  	[sflag:s12] =	ssyncadd.s32 $0xFFFF8000  }
0x436: {  	[tilespmem:s10], [sflag:$0x3] =	stream.indirect.gather [hbm4b:s3+s8], $0x40, s31, s8, $0xb8;
	[tilespmem:$0x1E400] =	vst v63  }
0x437: {  	_ =	swait.ge [sflag:s9], $0x8000  }
0x438: {  	[sflag:s9] =	ssyncset.done $0x0  }
0x439: {  	s1 =	rddreg [dreg:$0x9];
	[sflag:s9] =	ssyncadd.s32 $0xFFFF8000  }
0x43a: {  	[hbm4b:s1+s2] =	stream.linear.scatter [tilespmem:s5], [sflag:$0x4], $0x8000, $0x38;
	[tilespmem:$0x1E400] =	vst v63  }
0x43b: {  	_ =	swait.ge [sflag:s6], $0x8000  }
0x43c: {  	s30 =	sld [smem:$0x7E4]  }
0x43d: {  	[sflag:s6] =	ssyncset.done $0x0  }
0x43e: {  	[sflag:s6] =	ssyncadd.s32 $0xFFFF8000  }
0x43f: {  	[tilespmem:s5], [sflag:$0x1] =	stream.indirect.gather [hbm4b:s3+s8], $0x40, s30, s8, $0xb8;
	[tilespmem:$0x1E400] =	vst v63  }
0x440: {  	_ =	swait.ge [sflag:s11], $0x8000  }
0x441: {  	[sflag:s11] =	ssyncset.done $0x0  }
0x442: {  	s31 =	rddreg [dreg:$0xa];
	[sflag:s11] =	ssyncadd.s32 $0xFFFF8000  }
0x443: {  	[hbm4b:s31+s2] =	stream.linear.scatter [tilespmem:s4], [sflag:$0x5], $0x8000, $0x38;
	[tilespmem:$0x1E400] =	vst v63  }
0x444: {  	_ =	swait.ge [sflag:s7], $0x8000  }
0x445: {  	s1 =	sld [smem:$0x7E5]  }
0x446: {  	[sflag:s7] =	ssyncset.done $0x0  }
0x447: {  	[sflag:s7] =	ssyncadd.s32 $0xFFFF8000  }
0x448: {  	[tilespmem:s4], [sflag:$0x2] =	stream.indirect.gather [hbm4b:s3+s8], $0x40, s1, s8, $0xb8;
	[tilespmem:$0x1E400] =	vst v63  }
0x449: {  	_ =	swait.ge [sflag:s13], $0x8000  }
0x44a: {  	[sflag:s13] =	ssyncset.done $0x0  }
0x44b: {  	s30 =	rddreg [dreg:$0xb];
	[sflag:s13] =	ssyncadd.s32 $0xFFFF8000  }
0x44c: {  	[hbm4b:s30+s2] =	stream.linear.scatter [tilespmem:s10], [sflag:$0x6], $0x8000, $0x38;
	[tilespmem:$0x1E400] =	vst v63  }
0x44d: {  	_ =	swait.ge [sflag:s12], $0x8000  }
0x44e: {  	s31 =	sld [smem:$0x7E6]  }
0x44f: {  	[sflag:s12] =	ssyncset.done $0x0  }
0x450: {  	[sflag:s12] =	ssyncadd.s32 $0xFFFF8000  }
0x451: {  	[tilespmem:s10], [sflag:$0x3] =	stream.indirect.gather [hbm4b:s3+s8], $0x40, s31, s8, $0xb8;
	[tilespmem:$0x1E400] =	vst v63  }
0x452: {  	_ =	swait.ge [sflag:s9], $0x8000  }
0x453: {  	[sflag:s9] =	ssyncset.done $0x0  }
0x454: {  	s1 =	rddreg [dreg:$0xc];
	[sflag:s9] =	ssyncadd.s32 $0xFFFF8000  }
0x455: {  	[hbm4b:s1+s2] =	stream.linear.scatter [tilespmem:s5], [sflag:$0x4], $0x8000, $0x38;
	[tilespmem:$0x1E400] =	vst v63  }
0x456: {  	_ =	swait.ge [sflag:s6], $0x8000  }
0x457: {  	s30 =	sld [smem:$0x7E7]  }
0x458: {  	[sflag:s6] =	ssyncset.done $0x0  }
0x459: {  	[sflag:s6] =	ssyncadd.s32 $0xFFFF8000  }
0x45a: {  	[tilespmem:s5], [sflag:$0x1] =	stream.indirect.gather [hbm4b:s3+s8], $0x40, s30, s8, $0xb8;
	[tilespmem:$0x1E400] =	vst v63  }
0x45b: {  	_ =	swait.ge [sflag:s11], $0x8000  }
0x45c: {  	[sflag:s11] =	ssyncset.done $0x0  }
0x45d: {  	s31 =	rddreg [dreg:$0xd];
	[sflag:s11] =	ssyncadd.s32 $0xFFFF8000  }
0x45e: {  	[hbm4b:s31+s2] =	stream.linear.scatter [tilespmem:s4], [sflag:$0x5], $0x8000, $0x38;
	[tilespmem:$0x1E400] =	vst v63  }
0x45f: {  	_ =	swait.ge [sflag:s7], $0x8000  }
0x460: {  	s1 =	sld [smem:$0x7E8]  }
0x461: {  	[sflag:s7] =	ssyncset.done $0x0  }
0x462: {  	[sflag:s7] =	ssyncadd.s32 $0xFFFF8000  }
0x463: {  	[tilespmem:s4], [sflag:$0x2] =	stream.indirect.gather [hbm4b:s3+s8], $0x40, s1, s8, $0xb8;
	[tilespmem:$0x1E400] =	vst v63  }
0x464: {  	_ =	swait.ge [sflag:s13], $0x8000  }
0x465: {  	[sflag:s13] =	ssyncset.done $0x0  }
0x466: {  	s30 =	rddreg [dreg:$0xe];
	[sflag:s13] =	ssyncadd.s32 $0xFFFF8000  }
0x467: {  	[hbm4b:s30+s2] =	stream.linear.scatter [tilespmem:s10], [sflag:$0x6], $0x8000, $0x38;
	[tilespmem:$0x1E400] =	vst v63  }
0x468: {  	_ =	swait.ge [sflag:s12], $0x8000  }
0x469: {  	s31 =	sld [smem:$0x7E9]  }
0x46a: {  	[sflag:s12] =	ssyncset.done $0x0  }
0x46b: {  	[sflag:s12] =	ssyncadd.s32 $0xFFFF8000  }
0x46c: {  	[tilespmem:s10], [sflag:$0x3] =	stream.indirect.gather [hbm4b:s3+s8], $0x40, s31, s8, $0xb8;
	[tilespmem:$0x1E400] =	vst v63  }
0x46d: {  	_ =	swait.ge [sflag:s9], $0x8000  }
0x46e: {  	[sflag:s9] =	ssyncset.done $0x0  }
0x46f: {  	s1 =	rddreg [dreg:$0xf];
	[sflag:s9] =	ssyncadd.s32 $0xFFFF8000  }
0x470: {  	[hbm4b:s1+s2] =	stream.linear.scatter [tilespmem:s5], [sflag:$0x4], $0x8000, $0x38;
	[tilespmem:$0x1E400] =	vst v63  }
0x471: {  	_ =	swait.ge [sflag:s6], $0x8000  }
0x472: {  	s30 =	sld [smem:$0x7EA]  }
0x473: {  	[sflag:s6] =	ssyncset.done $0x0  }
0x474: {  	[sflag:s6] =	ssyncadd.s32 $0xFFFF8000  }
0x475: {  	[tilespmem:s5], [sflag:$0x1] =	stream.indirect.gather [hbm4b:s3+s8], $0x40, s30, s8, $0xb8;
	[tilespmem:$0x1E400] =	vst v63  }
0x476: {  	_ =	swait.ge [sflag:s11], $0x8000  }
0x477: {  	[sflag:s11] =	ssyncset.done $0x0  }
0x478: {  	s31 =	rddreg [dreg:$0x10];
	[sflag:s11] =	ssyncadd.s32 $0xFFFF8000  }
0x479: {  	[hbm4b:s31+s2] =	stream.linear.scatter [tilespmem:s4], [sflag:$0x5], $0x8000, $0x38;
	[tilespmem:$0x1E400] =	vst v63  }
0x47a: {  	_ =	swait.ge [sflag:s7], $0x8000  }
0x47b: {  	s1 =	sld [smem:$0x7EB]  }
0x47c: {  	[sflag:s7] =	ssyncset.done $0x0  }
0x47d: {  	[sflag:s7] =	ssyncadd.s32 $0xFFFF8000  }
0x47e: {  	[tilespmem:s4], [sflag:$0x2] =	stream.indirect.gather [hbm4b:s3+s8], $0x40, s1, s8, $0xb8;
	[tilespmem:$0x1E400] =	vst v63  }
0x47f: {  	_ =	swait.ge [sflag:s13], $0x8000  }
0x480: {  	[sflag:s13] =	ssyncset.done $0x0  }
0x481: {  	s30 =	rddreg [dreg:$0x11];
	[sflag:s13] =	ssyncadd.s32 $0xFFFF8000  }
0x482: {  	[hbm4b:s30+s2] =	stream.linear.scatter [tilespmem:s10], [sflag:$0x6], $0x8000, $0x38;
	[tilespmem:$0x1E400] =	vst v63  }
0x483: {  	_ =	swait.ge [sflag:s12], $0x8000  }
0x484: {  	s31 =	sld [smem:$0x7EC]  }
0x485: {  	[sflag:s12] =	ssyncset.done $0x0  }
0x486: {  	[sflag:s12] =	ssyncadd.s32 $0xFFFF8000  }
0x487: {  	[tilespmem:s10], [sflag:$0x3] =	stream.indirect.gather [hbm4b:s3+s8], $0x40, s31, s8, $0xb8;
	[tilespmem:$0x1E400] =	vst v63  }
0x488: {  	_ =	swait.ge [sflag:s9], $0x8000  }
0x489: {  	[sflag:s9] =	ssyncset.done $0x0  }
0x48a: {  	s1 =	rddreg [dreg:$0x12];
	[sflag:s9] =	ssyncadd.s32 $0xFFFF8000  }
0x48b: {  	[hbm4b:s1+s2] =	stream.linear.scatter [tilespmem:s5], [sflag:$0x4], $0x8000, $0x38;
	[tilespmem:$0x1E400] =	vst v63  }
0x48c: {  	_ =	swait.ge [sflag:s6], $0x8000  }
0x48d: {  	s30 =	sld [smem:$0x7ED]  }
0x48e: {  	[sflag:s6] =	ssyncset.done $0x0  }
0x48f: {  	[sflag:s6] =	ssyncadd.s32 $0xFFFF8000  }
0x490: {  	[tilespmem:s5], [sflag:$0x1] =	stream.indirect.gather [hbm4b:s3+s8], $0x40, s30, s8, $0xb8;
	[tilespmem:$0x1E400] =	vst v63  }
0x491: {  	_ =	swait.ge [sflag:s11], $0x8000  }
0x492: {  	[sflag:s11] =	ssyncset.done $0x0  }
0x493: {  	s31 =	rddreg [dreg:$0x13];
	[sflag:s11] =	ssyncadd.s32 $0xFFFF8000  }
0x494: {  	[hbm4b:s31+s2] =	stream.linear.scatter [tilespmem:s4], [sflag:$0x5], $0x8000, $0x38;
	[tilespmem:$0x1E400] =	vst v63  }
0x495: {  	_ =	swait.ge [sflag:s7], $0x8000  }
0x496: {  	s1 =	sld [smem:$0x7EE]  }
0x497: {  	[sflag:s7] =	ssyncset.done $0x0  }
0x498: {  	[sflag:s7] =	ssyncadd.s32 $0xFFFF8000  }
0x499: {  	[tilespmem:s4], [sflag:$0x2] =	stream.indirect.gather [hbm4b:s3+s8], $0x40, s1, s8, $0xb8;
	[tilespmem:$0x1E400] =	vst v63  }
0x49a: {  	_ =	swait.ge [sflag:s13], $0x8000  }
0x49b: {  	[sflag:s13] =	ssyncset.done $0x0  }
0x49c: {  	s30 =	rddreg [dreg:$0x14];
	[sflag:s13] =	ssyncadd.s32 $0xFFFF8000  }
0x49d: {  	[hbm4b:s30+s2] =	stream.linear.scatter [tilespmem:s10], [sflag:$0x6], $0x8000, $0x38;
	[tilespmem:$0x1E400] =	vst v63  }
0x49e: {  	_ =	swait.ge [sflag:s12], $0x8000  }
0x49f: {  	s31 =	sld [smem:$0x7EF]  }
0x4a0: {  	[sflag:s12] =	ssyncset.done $0x0  }
0x4a1: {  	[sflag:s12] =	ssyncadd.s32 $0xFFFF8000  }
0x4a2: {  	[tilespmem:s10], [sflag:$0x3] =	stream.indirect.gather [hbm4b:s3+s8], $0x40, s31, s8, $0xb8;
	[tilespmem:$0x1E400] =	vst v63  }
0x4a3: {  	_ =	swait.ge [sflag:s9], $0x8000  }
0x4a4: {  	[sflag:s9] =	ssyncset.done $0x0  }
0x4a5: {  	s1 =	rddreg [dreg:$0x15];
	[sflag:s9] =	ssyncadd.s32 $0xFFFF8000  }
0x4a6: {  	[hbm4b:s1+s2] =	stream.linear.scatter [tilespmem:s5], [sflag:$0x4], $0x8000, $0x38;
	[tilespmem:$0x1E400] =	vst v63  }
0x4a7: {  	_ =	swait.ge [sflag:s6], $0x8000  }
0x4a8: {  	s30 =	sld [smem:$0x7F0]  }
0x4a9: {  	[sflag:s6] =	ssyncset.done $0x0  }
0x4aa: {  	[sflag:s6] =	ssyncadd.s32 $0xFFFF8000  }
0x4ab: {  	[tilespmem:s5], [sflag:$0x1] =	stream.indirect.gather [hbm4b:s3+s8], $0x40, s30, s8, $0xb8;
	[tilespmem:$0x1E400] =	vst v63  }
0x4ac: {  	_ =	swait.ge [sflag:s11], $0x8000  }
0x4ad: {  	[sflag:s11] =	ssyncset.done $0x0  }
0x4ae: {  	s31 =	rddreg [dreg:$0x16];
	[sflag:s11] =	ssyncadd.s32 $0xFFFF8000  }
0x4af: {  	[hbm4b:s31+s2] =	stream.linear.scatter [tilespmem:s4], [sflag:$0x5], $0x8000, $0x38;
	[tilespmem:$0x1E400] =	vst v63  }
0x4b0: {  	_ =	swait.ge [sflag:s7], $0x8000  }
0x4b1: {  	s1 =	sld [smem:$0x7F1]  }
0x4b2: {  	[sflag:s7] =	ssyncset.done $0x0  }
0x4b3: {  	[sflag:s7] =	ssyncadd.s32 $0xFFFF8000  }
0x4b4: {  	[tilespmem:s4], [sflag:$0x2] =	stream.indirect.gather [hbm4b:s3+s8], $0x40, s1, s8, $0xb8;
	[tilespmem:$0x1E400] =	vst v63  }
0x4b5: {  	_ =	swait.ge [sflag:s13], $0x8000  }
0x4b6: {  	[sflag:s13] =	ssyncset.done $0x0  }
0x4b7: {  	s30 =	rddreg [dreg:$0x17];
	[sflag:s13] =	ssyncadd.s32 $0xFFFF8000  }
0x4b8: {  	[hbm4b:s30+s2] =	stream.linear.scatter [tilespmem:s10], [sflag:$0x6], $0x8000, $0x38;
	[tilespmem:$0x1E400] =	vst v63  }
0x4b9: {  	_ =	swait.ge [sflag:s12], $0x8000  }
0x4ba: {  	s31 =	sld [smem:$0x7F2]  }
0x4bb: {  	[sflag:s12] =	ssyncset.done $0x0  }
0x4bc: {  	[sflag:s12] =	ssyncadd.s32 $0xFFFF8000  }
0x4bd: {  	[tilespmem:s10], [sflag:$0x3] =	stream.indirect.gather [hbm4b:s3+s8], $0x40, s31, s8, $0xb8;
	[tilespmem:$0x1E400] =	vst v63  }
0x4be: {  	_ =	swait.ge [sflag:s9], $0x8000  }
0x4bf: {  	[sflag:s9] =	ssyncset.done $0x0  }
0x4c0: {  	s1 =	rddreg [dreg:$0x18];
	[sflag:s9] =	ssyncadd.s32 $0xFFFF8000  }
0x4c1: {  	[hbm4b:s1+s2] =	stream.linear.scatter [tilespmem:s5], [sflag:$0x4], $0x8000, $0x38;
	[tilespmem:$0x1E400] =	vst v63  }
0x4c2: {  	_ =	swait.ge [sflag:s6], $0x8000  }
0x4c3: {  	s30 =	sld [smem:$0x7F3]  }
0x4c4: {  	[sflag:s6] =	ssyncset.done $0x0  }
0x4c5: {  	[sflag:s6] =	ssyncadd.s32 $0xFFFF8000  }
0x4c6: {  	[tilespmem:s5], [sflag:$0x1] =	stream.indirect.gather [hbm4b:s3+s8], $0x40, s30, s8, $0xb8;
	[tilespmem:$0x1E400] =	vst v63  }
0x4c7: {  	_ =	swait.ge [sflag:s11], $0x8000  }
0x4c8: {  	[sflag:s11] =	ssyncset.done $0x0  }
0x4c9: {  	s31 =	rddreg [dreg:$0x19];
	[sflag:s11] =	ssyncadd.s32 $0xFFFF8000  }
0x4ca: {  	[hbm4b:s31+s2] =	stream.linear.scatter [tilespmem:s4], [sflag:$0x5], $0x8000, $0x38;
	[tilespmem:$0x1E400] =	vst v63  }
0x4cb: {  	_ =	swait.ge [sflag:s7], $0x8000  }
0x4cc: {  	s1 =	sld [smem:$0x7F4]  }
0x4cd: {  	[sflag:s7] =	ssyncset.done $0x0  }
0x4ce: {  	[sflag:s7] =	ssyncadd.s32 $0xFFFF8000  }
0x4cf: {  	[tilespmem:s4], [sflag:$0x2] =	stream.indirect.gather [hbm4b:s3+s8], $0x40, s1, s8, $0xb8;
	[tilespmem:$0x1E400] =	vst v63  }
0x4d0: {  	_ =	swait.ge [sflag:s13], $0x8000  }
0x4d1: {  	[sflag:s13] =	ssyncset.done $0x0  }
0x4d2: {  	s30 =	rddreg [dreg:$0x1a];
	[sflag:s13] =	ssyncadd.s32 $0xFFFF8000  }
0x4d3: {  	[hbm4b:s30+s2] =	stream.linear.scatter [tilespmem:s10], [sflag:$0x6], $0x8000, $0x38;
	[tilespmem:$0x1E400] =	vst v63  }
0x4d4: {  	_ =	swait.ge [sflag:s12], $0x8000  }
0x4d5: {  	s31 =	sld [smem:$0x7F5]  }
0x4d6: {  	[sflag:s12] =	ssyncset.done $0x0  }
0x4d7: {  	[sflag:s12] =	ssyncadd.s32 $0xFFFF8000  }
0x4d8: {  	[tilespmem:s10], [sflag:$0x3] =	stream.indirect.gather [hbm4b:s3+s8], $0x40, s31, s8, $0xb8;
	[tilespmem:$0x1E400] =	vst v63  }
0x4d9: {  	_ =	swait.ge [sflag:s9], $0x8000  }
0x4da: {  	[sflag:s9] =	ssyncset.done $0x0  }
0x4db: {  	s1 =	rddreg [dreg:$0x1b];
	[sflag:s9] =	ssyncadd.s32 $0xFFFF8000  }
0x4dc: {  	[hbm4b:s1+s2] =	stream.linear.scatter [tilespmem:s5], [sflag:$0x4], $0x8000, $0x38;
	[tilespmem:$0x1E400] =	vst v63  }
0x4dd: {  	_ =	swait.ge [sflag:s6], $0x8000  }
0x4de: {  	s30 =	sld [smem:$0x7F6]  }
0x4df: {  	[sflag:s6] =	ssyncset.done $0x0  }
0x4e0: {  	[sflag:s6] =	ssyncadd.s32 $0xFFFF8000  }
0x4e1: {  	[tilespmem:s5], [sflag:$0x1] =	stream.indirect.gather [hbm4b:s3+s8], $0x40, s30, s8, $0xb8;
	[tilespmem:$0x1E400] =	vst v63  }
0x4e2: {  	_ =	swait.ge [sflag:s11], $0x8000  }
0x4e3: {  	[sflag:s11] =	ssyncset.done $0x0  }
0x4e4: {  	s31 =	rddreg [dreg:$0x1c];
	[sflag:s11] =	ssyncadd.s32 $0xFFFF8000  }
0x4e5: {  	[hbm4b:s31+s2] =	stream.linear.scatter [tilespmem:s4], [sflag:$0x5], $0x8000, $0x38;
	[tilespmem:$0x1E400] =	vst v63  }
0x4e6: {  	_ =	swait.ge [sflag:s7], $0x8000  }
0x4e7: {  	s1 =	sld [smem:$0x7F7]  }
0x4e8: {  	[sflag:s7] =	ssyncset.done $0x0  }
0x4e9: {  	[sflag:s7] =	ssyncadd.s32 $0xFFFF8000  }
0x4ea: {  	[tilespmem:s4], [sflag:$0x2] =	stream.indirect.gather [hbm4b:s3+s8], $0x40, s1, s8, $0xb8;
	[tilespmem:$0x1E400] =	vst v63  }
0x4eb: {  	_ =	swait.ge [sflag:s13], $0x8000  }
0x4ec: {  	[sflag:s13] =	ssyncset.done $0x0  }
0x4ed: {  	s30 =	rddreg [dreg:$0x1d];
	[sflag:s13] =	ssyncadd.s32 $0xFFFF8000  }
0x4ee: {  	[hbm4b:s30+s2] =	stream.linear.scatter [tilespmem:s10], [sflag:$0x6], $0x8000, $0x38;
	[tilespmem:$0x1E400] =	vst v63  }
0x4ef: {  	_ =	swait.ge [sflag:s12], $0x8000  }
0x4f0: {  	s31 =	sld [smem:$0x7F8]  }
0x4f1: {  	[sflag:s12] =	ssyncset.done $0x0  }
0x4f2: {  	[sflag:s12] =	ssyncadd.s32 $0xFFFF8000  }
0x4f3: {  	[tilespmem:s10], [sflag:$0x3] =	stream.indirect.gather [hbm4b:s3+s8], $0x40, s31, s8, $0xb8;
	[tilespmem:$0x1E400] =	vst v63  }
0x4f4: {  	_ =	swait.ge [sflag:s9], $0x8000  }
0x4f5: {  	[sflag:s9] =	ssyncset.done $0x0  }
0x4f6: {  	s1 =	rddreg [dreg:$0x1e];
	[sflag:s9] =	ssyncadd.s32 $0xFFFF8000  }
0x4f7: {  	[hbm4b:s1+s2] =	stream.linear.scatter [tilespmem:s5], [sflag:$0x4], $0x8000, $0x38;
	[tilespmem:$0x1E400] =	vst v63  }
0x4f8: {  	_ =	swait.ge [sflag:s6], $0x8000  }
0x4f9: {  	s30 =	sld [smem:$0x7F9]  }
0x4fa: {  	[sflag:s6] =	ssyncset.done $0x0  }
0x4fb: {  	[sflag:s6] =	ssyncadd.s32 $0xFFFF8000  }
0x4fc: {  	[tilespmem:s5], [sflag:$0x1] =	stream.indirect.gather [hbm4b:s3+s8], $0x40, s30, s8, $0xb8;
	[tilespmem:$0x1E400] =	vst v63  }
0x4fd: {  	_ =	swait.ge [sflag:s11], $0x8000  }
0x4fe: {  	[sflag:s11] =	ssyncset.done $0x0  }
0x4ff: {  	s31 =	rddreg [dreg:$0x1f];
	[sflag:s11] =	ssyncadd.s32 $0xFFFF8000  }
0x500: {  	[hbm4b:s31+s2] =	stream.linear.scatter [tilespmem:s4], [sflag:$0x5], $0x8000, $0x38;
	[tilespmem:$0x1E400] =	vst v63  }
0x501: {  	_ =	swait.ge [sflag:s7], $0x8000  }
0x502: {  	s1 =	sld [smem:$0x7FA]  }
0x503: {  	[sflag:s7] =	ssyncset.done $0x0  }
0x504: {  	[sflag:s7] =	ssyncadd.s32 $0xFFFF8000  }
0x505: {  	[tilespmem:s4], [sflag:$0x2] =	stream.indirect.gather [hbm4b:s3+s8], $0x40, s1, s8, $0xb8;
	[tilespmem:$0x1E400] =	vst v63  }
0x506: {  	_ =	swait.ge [sflag:s13], $0x8000  }
0x507: {  	s30 =	sld [smem:$0x7C8]  }
0x508: {  	[sflag:s13] =	ssyncset.done $0x0  }
0x509: {  	[sflag:s13] =	ssyncadd.s32 $0xFFFF8000  }
0x50a: {  	[hbm4b:s30+s2] =	stream.linear.scatter [tilespmem:s10], [sflag:$0x6], $0x8000, $0x38;
	[tilespmem:$0x1E400] =	vst v63  }
0x50b: {  	_ =	swait.ge [sflag:s12], $0x8000  }
0x50c: {  	s31 =	sld [smem:$0x7FB]  }
0x50d: {  	[sflag:s12] =	ssyncset.done $0x0  }
0x50e: {  	[sflag:s12] =	ssyncadd.s32 $0xFFFF8000  }
0x50f: {  	[tilespmem:s10], [sflag:$0x3] =	stream.indirect.gather [hbm4b:s3+s8], $0x40, s31, s8, $0xb8;
	[tilespmem:$0x1E400] =	vst v63  }
0x510: {  	_ =	swait.ge [sflag:s9], $0x8000  }
0x511: {  	s1 =	sld [smem:$0x7C9]  }
0x512: {  	[sflag:s9] =	ssyncset.done $0x0  }
0x513: {  	[sflag:s9] =	ssyncadd.s32 $0xFFFF8000  }
0x514: {  	[hbm4b:s1+s2] =	stream.linear.scatter [tilespmem:s5], [sflag:$0x4], $0x8000, $0x38;
	[tilespmem:$0x1E400] =	vst v63  }
0x515: {  	_ =	swait.ge [sflag:s6], $0x8000  }
0x516: {  	s30 =	sld [smem:$0x7FC]  }
0x517: {  	[sflag:s6] =	ssyncset.done $0x0  }
0x518: {  	[sflag:s6] =	ssyncadd.s32 $0xFFFF8000  }
0x519: {  	[tilespmem:s5], [sflag:$0x1] =	stream.indirect.gather [hbm4b:s3+s8], $0x40, s30, s8, $0xb8;
	[tilespmem:$0x1E400] =	vst v63  }
0x51a: {  	_ =	swait.ge [sflag:s11], $0x8000  }
0x51b: {  	s31 =	sld [smem:$0x7CA]  }
0x51c: {  	[sflag:s11] =	ssyncset.done $0x0  }
0x51d: {  	[sflag:s11] =	ssyncadd.s32 $0xFFFF8000  }
0x51e: {  	[hbm4b:s31+s2] =	stream.linear.scatter [tilespmem:s4], [sflag:$0x5], $0x8000, $0x38;
	[tilespmem:$0x1E400] =	vst v63  }
0x51f: {  	_ =	swait.ge [sflag:s7], $0x8000  }
0x520: {  	s1 =	sld [smem:$0x7FD]  }
0x521: {  	[sflag:s7] =	ssyncset.done $0x0  }
0x522: {  	[sflag:s7] =	ssyncadd.s32 $0xFFFF8000  }
0x523: {  	[tilespmem:s4], [sflag:$0x2] =	stream.indirect.gather [hbm4b:s3+s8], $0x40, s1, s8, $0xb8;
	[tilespmem:$0x1E400] =	vst v63  }
0x524: {  	_ =	swait.ge [sflag:s13], $0x8000  }
0x525: {  	s30 =	sld [smem:$0x7CB]  }
0x526: {  	[sflag:s13] =	ssyncset.done $0x0  }
0x527: {  	[sflag:s13] =	ssyncadd.s32 $0xFFFF8000  }
0x528: {  	[hbm4b:s30+s2] =	stream.linear.scatter [tilespmem:s10], [sflag:$0x6], $0x8000, $0x38;
	[tilespmem:$0x1E400] =	vst v63  }
0x529: {  	_ =	swait.ge [sflag:s12], $0x8000  }
0x52a: {  	[sflag:s12] =	ssyncset.done $0x0  }
0x52b: {  	[sflag:s12] =	ssyncadd.s32 $0xFFFF8000  }
0x52c: {  	[tilespmem:s10], [sflag:$0x3] =	stream.indirect.gather [hbm4b:s3+s8], $0x40, s29, s8, $0xb8;
	[tilespmem:$0x1E400] =	vst v63  }
0x52d: {  	_ =	swait.ge [sflag:s9], $0x8000  }
0x52e: {  	s31 =	sld [smem:$0x7CC]  }
0x52f: {  	[sflag:s9] =	ssyncset.done $0x0  }
0x530: {  	[sflag:s9] =	ssyncadd.s32 $0xFFFF8000  }
0x531: {  	[hbm4b:s31+s2] =	stream.linear.scatter [tilespmem:s5], [sflag:$0x4], $0x8000, $0x38;
	[tilespmem:$0x1E400] =	vst v63  }
0x532: {  	_ =	swait.ge [sflag:s6], $0x8000  }
0x533: {  	[sflag:s6] =	ssyncset.done $0x0  }
0x534: {  	[sflag:s6] =	ssyncadd.s32 $0xFFFF8000  }
0x535: {  	[tilespmem:s5], [sflag:$0x1] =	stream.indirect.gather [hbm4b:s3+s8], $0x40, s28, s8, $0xb8;
	[tilespmem:$0x1E400] =	vst v63  }
0x536: {  	_ =	swait.ge [sflag:s11], $0x8000  }
0x537: {  	s1 =	sld [smem:$0x7CD]  }
0x538: {  	[sflag:s11] =	ssyncset.done $0x0  }
0x539: {  	[sflag:s11] =	ssyncadd.s32 $0xFFFF8000  }
0x53a: {  	[hbm4b:s1+s2] =	stream.linear.scatter [tilespmem:s4], [sflag:$0x5], $0x8000, $0x38;
	[tilespmem:$0x1E400] =	vst v63  }
0x53b: {  	_ =	swait.ge [sflag:s7], $0x8000  }
0x53c: {  	[sflag:s7] =	ssyncset.done $0x0  }
0x53d: {  	[sflag:s7] =	ssyncadd.s32 $0xFFFF8000  }
0x53e: {  	[tilespmem:s4], [sflag:$0x2] =	stream.indirect.gather [hbm4b:s3+s8], $0x40, s26, s8, $0xb8;
	[tilespmem:$0x1E400] =	vst v63  }
0x53f: {  	_ =	swait.ge [sflag:s13], $0x8000  }
0x540: {  	s26 =	sld [smem:$0x7CE]  }
0x541: {  	[sflag:s13] =	ssyncset.done $0x0  }
0x542: {  	[sflag:s13] =	ssyncadd.s32 $0xFFFF8000  }
0x543: {  	[hbm4b:s26+s2] =	stream.linear.scatter [tilespmem:s10], [sflag:$0x6], $0x8000, $0x38;
	[tilespmem:$0x1E400] =	vst v63  }
0x544: {  	_ =	swait.ge [sflag:s12], $0x8000  }
0x545: {  	[sflag:s12] =	ssyncset.done $0x0  }
0x546: {  	[sflag:s12] =	ssyncadd.s32 $0xFFFF8000  }
0x547: {  	[tilespmem:s10], [sflag:$0x3] =	stream.indirect.gather [hbm4b:s3+s8], $0x40, s25, s8, $0xb8;
	[tilespmem:$0x1E400] =	vst v63  }
0x548: {  	_ =	swait.ge [sflag:s9], $0x8000  }
0x549: {  	s28 =	sld [smem:$0x7CF]  }
0x54a: {  	[sflag:s9] =	ssyncset.done $0x0  }
0x54b: {  	[sflag:s9] =	ssyncadd.s32 $0xFFFF8000  }
0x54c: {  	[hbm4b:s28+s2] =	stream.linear.scatter [tilespmem:s5], [sflag:$0x4], $0x8000, $0x38;
	[tilespmem:$0x1E400] =	vst v63  }
0x54d: {  	_ =	swait.ge [sflag:s6], $0x8000  }
0x54e: {  	[sflag:s6] =	ssyncset.done $0x0  }
0x54f: {  	[sflag:s6] =	ssyncadd.s32 $0xFFFF8000  }
0x550: {  	[tilespmem:s5], [sflag:$0x1] =	stream.indirect.gather [hbm4b:s3+s8], $0x40, s24, s8, $0xb8;
	[tilespmem:$0x1E400] =	vst v63  }
0x551: {  	_ =	swait.ge [sflag:s11], $0x8000  }
0x552: {  	s29 =	sld [smem:$0x7D0]  }
0x553: {  	[sflag:s11] =	ssyncset.done $0x0  }
0x554: {  	[sflag:s11] =	ssyncadd.s32 $0xFFFF8000  }
0x555: {  	[hbm4b:s29+s2] =	stream.linear.scatter [tilespmem:s4], [sflag:$0x5], $0x8000, $0x38;
	[tilespmem:$0x1E400] =	vst v63  }
0x556: {  	_ =	swait.ge [sflag:s7], $0x8000  }
0x557: {  	[sflag:s7] =	ssyncset.done $0x0  }
0x558: {  	[sflag:s7] =	ssyncadd.s32 $0xFFFF8000  }
0x559: {  	[tilespmem:s4], [sflag:$0x2] =	stream.indirect.gather [hbm4b:s3+s8], $0x40, s23, s8, $0xb8;
	[tilespmem:$0x1E400] =	vst v63  }
0x55a: {  	_ =	swait.ge [sflag:s13], $0x8000  }
0x55b: {  	s30 =	sld [smem:$0x7D1]  }
0x55c: {  	[sflag:s13] =	ssyncset.done $0x0  }
0x55d: {  	[sflag:s13] =	ssyncadd.s32 $0xFFFF8000  }
0x55e: {  	[hbm4b:s30+s2] =	stream.linear.scatter [tilespmem:s10], [sflag:$0x6], $0x8000, $0x38;
	[tilespmem:$0x1E400] =	vst v63  }
0x55f: {  	_ =	swait.ge [sflag:s12], $0x8000  }
0x560: {  	[sflag:s12] =	ssyncset.done $0x0  }
0x561: {  	[sflag:s12] =	ssyncadd.s32 $0xFFFF8000  }
0x562: {  	[tilespmem:s10], [sflag:$0x3] =	stream.indirect.gather [hbm4b:s3+s8], $0x40, s22, s8, $0xb8;
	[tilespmem:$0x1E400] =	vst v63  }
0x563: {  	_ =	swait.ge [sflag:s9], $0x8000  }
0x564: {  	s31 =	sld [smem:$0x7D2]  }
0x565: {  	[sflag:s9] =	ssyncset.done $0x0  }
0x566: {  	[sflag:s9] =	ssyncadd.s32 $0xFFFF8000  }
0x567: {  	[hbm4b:s31+s2] =	stream.linear.scatter [tilespmem:s5], [sflag:$0x4], $0x8000, $0x38;
	[tilespmem:$0x1E400] =	vst v63  }
0x568: {  	_ =	swait.ge [sflag:s6], $0x8000  }
0x569: {  	[sflag:s6] =	ssyncset.done $0x0  }
0x56a: {  	[sflag:s6] =	ssyncadd.s32 $0xFFFF8000  }
0x56b: {  	[tilespmem:s5], [sflag:$0x1] =	stream.indirect.gather [hbm4b:s3+s8], $0x40, s21, s8, $0xb8;
	[tilespmem:$0x1E400] =	vst v63  }
0x56c: {  	_ =	swait.ge [sflag:s11], $0x8000  }
0x56d: {  	s1 =	sld [smem:$0x7D3]  }
0x56e: {  	[sflag:s11] =	ssyncset.done $0x0  }
0x56f: {  	[sflag:s11] =	ssyncadd.s32 $0xFFFF8000  }
0x570: {  	[hbm4b:s1+s2] =	stream.linear.scatter [tilespmem:s4], [sflag:$0x5], $0x8000, $0x38;
	[tilespmem:$0x1E400] =	vst v63  }
0x571: {  	_ =	swait.ge [sflag:s7], $0x8000  }
0x572: {  	[sflag:s7] =	ssyncset.done $0x0  }
0x573: {  	[sflag:s7] =	ssyncadd.s32 $0xFFFF8000  }
0x574: {  	[tilespmem:s4], [sflag:$0x2] =	stream.indirect.gather [hbm4b:s3+s8], $0x40, s20, s8, $0xb8;
	[tilespmem:$0x1E400] =	vst v63  }
0x575: {  	_ =	swait.ge [sflag:s13], $0x8000  }
0x576: {  	s21 =	sld [smem:$0x7D4]  }
0x577: {  	[sflag:s13] =	ssyncset.done $0x0  }
0x578: {  	[sflag:s13] =	ssyncadd.s32 $0xFFFF8000  }
0x579: {  	[hbm4b:s21+s2] =	stream.linear.scatter [tilespmem:s10], [sflag:$0x6], $0x8000, $0x38;
	[tilespmem:$0x1E400] =	vst v63  }
0x57a: {  	_ =	swait.ge [sflag:s12], $0x8000  }
0x57b: {  	[sflag:s12] =	ssyncset.done $0x0  }
0x57c: {  	[sflag:s12] =	ssyncadd.s32 $0xFFFF8000  }
0x57d: {  	[tilespmem:s10], [sflag:$0x3] =	stream.indirect.gather [hbm4b:s3+s8], $0x40, s19, s8, $0xb8;
	[tilespmem:$0x1E400] =	vst v63  }
0x57e: {  	_ =	swait.ge [sflag:s9], $0x8000  }
0x57f: {  	s22 =	sld [smem:$0x7D5]  }
0x580: {  	[sflag:s9] =	ssyncset.done $0x0  }
0x581: {  	[sflag:s9] =	ssyncadd.s32 $0xFFFF8000  }
0x582: {  	[hbm4b:s22+s2] =	stream.linear.scatter [tilespmem:s5], [sflag:$0x4], $0x8000, $0x38;
	[tilespmem:$0x1E400] =	vst v63  }
0x583: {  	_ =	swait.ge [sflag:s6], $0x8000  }
0x584: {  	[sflag:s6] =	ssyncset.done $0x0  }
0x585: {  	[sflag:s6] =	ssyncadd.s32 $0xFFFF8000  }
0x586: {  	[tilespmem:s5], [sflag:$0x1] =	stream.indirect.gather [hbm4b:s3+s8], $0x40, s18, s8, $0xb8;
	[tilespmem:$0x1E400] =	vst v63  }
0x587: {  	_ =	swait.ge [sflag:s11], $0x8000  }
0x588: {  	s23 =	sld [smem:$0x7D6]  }
0x589: {  	[sflag:s11] =	ssyncset.done $0x0  }
0x58a: {  	[sflag:s11] =	ssyncadd.s32 $0xFFFF8000  }
0x58b: {  	[hbm4b:s23+s2] =	stream.linear.scatter [tilespmem:s4], [sflag:$0x5], $0x8000, $0x38;
	[tilespmem:$0x1E400] =	vst v63  }
0x58c: {  	_ =	swait.ge [sflag:s7], $0x8000  }
0x58d: {  	[sflag:s7] =	ssyncset.done $0x0  }
0x58e: {  	[sflag:s7] =	ssyncadd.s32 $0xFFFF8000  }
0x58f: {  	[tilespmem:s4], [sflag:$0x2] =	stream.indirect.gather [hbm4b:s3+s8], $0x40, s17, s8, $0xb8;
	[tilespmem:$0x1E400] =	vst v63  }
0x590: {  	_ =	swait.ge [sflag:s13], $0x8000  }
0x591: {  	s24 =	sld [smem:$0x7D7]  }
0x592: {  	[sflag:s13] =	ssyncset.done $0x0  }
0x593: {  	[sflag:s13] =	ssyncadd.s32 $0xFFFF8000  }
0x594: {  	[hbm4b:s24+s2] =	stream.linear.scatter [tilespmem:s10], [sflag:$0x6], $0x8000, $0x38;
	[tilespmem:$0x1E400] =	vst v63  }
0x595: {  	_ =	swait.ge [sflag:s12], $0x8000  }
0x596: {  	[sflag:s12] =	ssyncset.done $0x0  }
0x597: {  	[sflag:s12] =	ssyncadd.s32 $0xFFFF8000  }
0x598: {  	[tilespmem:s10], [sflag:$0x3] =	stream.indirect.gather [hbm4b:s3+s8], $0x40, s16, s8, $0xb8;
	[tilespmem:$0x1E400] =	vst v63  }
0x599: {  	_ =	swait.ge [sflag:s9], $0x8000  }
0x59a: {  	s25 =	sld [smem:$0x7D8]  }
0x59b: {  	[sflag:s9] =	ssyncset.done $0x0  }
0x59c: {  	[sflag:s9] =	ssyncadd.s32 $0xFFFF8000  }
0x59d: {  	[hbm4b:s25+s2] =	stream.linear.scatter [tilespmem:s5], [sflag:$0x4], $0x8000, $0x38;
	[tilespmem:$0x1E400] =	vst v63  }
0x59e: {  	_ =	swait.ge [sflag:s6], $0x8000  }
0x59f: {  	[sflag:s6] =	ssyncset.done $0x0  }
0x5a0: {  	[sflag:s6] =	ssyncadd.s32 $0xFFFF8000  }
0x5a1: {  	[tilespmem:s5], [sflag:$0x1] =	stream.indirect.gather [hbm4b:s3+s8], $0x40, s15, s8, $0xb8;
	[tilespmem:$0x1E400] =	vst v63  }
0x5a2: {  	_ =	swait.ge [sflag:s11], $0x8000  }
0x5a3: {  	s26 =	sld [smem:$0x7D9]  }
0x5a4: {  	[sflag:s11] =	ssyncset.done $0x0  }
0x5a5: {  	[sflag:s11] =	ssyncadd.s32 $0xFFFF8000  }
0x5a6: {  	[hbm4b:s26+s2] =	stream.linear.scatter [tilespmem:s4], [sflag:$0x5], $0x8000, $0x38;
	[tilespmem:$0x1E400] =	vst v63  }
0x5a7: {  	_ =	swait.ge [sflag:s7], $0x8000  }
0x5a8: {  	[sflag:s7] =	ssyncset.done $0x0  }
0x5a9: {  	[sflag:s7] =	ssyncadd.s32 $0xFFFF8000  }
0x5aa: {  	[tilespmem:s4], [sflag:$0x2] =	stream.indirect.gather [hbm4b:s3+s8], $0x40, s14, s8, $0xb8;
	[tilespmem:$0x1E400] =	vst v63  }
0x5ab: {  	_ =	swait.ge [sflag:s13], $0x8000  }
0x5ac: {  	s28 =	sld [smem:$0x7DA]  }
0x5ad: {  	[sflag:s13] =	ssyncset.done $0x0  }
0x5ae: {  	[sflag:s13] =	ssyncadd.s32 $0xFFFF8000  }
0x5af: {  	[hbm4b:s28+s2] =	stream.linear.scatter [tilespmem:s10], [sflag:$0x6], $0x8000, $0x38;
	[tilespmem:$0x1E400] =	vst v63  }
0x5b0: {  	_ =	swait.ge [sflag:s9], $0x8000  }
0x5b1: {  	s29 =	sld [smem:$0x7DB]  }
0x5b2: {  	[sflag:s9] =	ssyncset.done $0x0  }
0x5b3: {  	[sflag:s9] =	ssyncadd.s32 $0xFFFF8000  }
0x5b4: {  	[hbm4b:s29+s2] =	stream.linear.scatter [tilespmem:s5], [sflag:$0x4], $0x8000, $0x38;
	[tilespmem:$0x1E400] =	vst v63  }
0x5b5: {  	_ =	swait.ge [sflag:s11], $0x8000  }
0x5b6: {  	s30 =	sld [smem:$0x7DC]  }
0x5b7: {  	[sflag:s11] =	ssyncset.done $0x0  }
0x5b8: {  	[sflag:s11] =	ssyncadd.s32 $0xFFFF8000  }
0x5b9: {  	[hbm4b:s30+s2] =	stream.linear.scatter [tilespmem:s4], [sflag:$0x5], $0x8000, $0x38;
	[tilespmem:$0x1E400] =	vst v63  }
0x5ba: {  	_ =	swait.ge [sflag:s12], $0x8000  }
0x5bb: {  	[sflag:s12] =	ssyncset.done $0x0  }
0x5bc: {  	[sflag:s12] =	ssyncadd.s32 $0xFFFF8000  }
0x5bd: {  	_ =	swait.ge [sflag:s6], $0x8000  }
0x5be: {  	[sflag:s6] =	ssyncset.done $0x0  }
0x5bf: {  	[sflag:s6] =	ssyncadd.s32 $0xFFFF8000  }
0x5c0: {  	_ =	swait.ge [sflag:s7], $0x8000  }
0x5c1: {  	[sflag:s7] =	ssyncset.done $0x0  }
0x5c2: {  	[sflag:s7] =	ssyncadd.s32 $0xFFFF8000  }
0x5c3: {  	_ =	sfence.sel $0x180000  }
0x5c4: {  	[bflag:$0x0] =	sbarrier.arrive $0xFFFF  }
0x5c5: {  	_ =	strace $0x90000047  }
0x5c6: {  	s31 =	stileid.u32;
	[bflag:$0x2] =	sbarrier.arrive $0xFFFF  }
0x5c7: {  	p0 =	sne.s32 s31, $0x0;
	s0 =	rddreg [dreg:$0x2]  }
0x5c8: {  	s0 =	sadd.s32 @!p0 $0x100000, s0  }
0x5c9: {  	[sflag:s0] =	ssyncadd.tile.s32 @!p0 $0x1;
	_ =	shalt  }
.Lfunc_end2:
_tile_overlayer_lowered:
.L_overlay_start_2:
0x5ca: {  	(tag) =	ssettag $0x2  }
0x5cb: {  	s0 =	rddreg [dreg:$0x0];
	s2 =	stileid.u32  }
0x5cc: {  	s1 =	rddreg [dreg:$0x1];
	p0 =	sne.s32 s2, $0x0  }
0x5cd: {  	s3 =	rddreg [dreg:$0x2];
	[bflag:$0x3] =	sbarrier.arrive $0xFFFF;
	s2 =	simm.s32 @!p0 $0x1C07  }
0x5ce: {  	[timem:s3], [sflag:s2] =	dma.local @!p0 [hbm:s0], s1  }
0x5cf: {  	s0 =	simm.s32 @!p0 $0x7  }
0x5d0: {  	_ =	swait.ge @!p0 [sflag:s0], s1  }
0x5d1: {  	s1 =	ssub.s32 @!p0 $0x0, s1;
	[sflag:s0] =	ssyncset.done @!p0 $0x0  }
0x5d2: {  	[sflag:s0] =	ssyncadd.s32 @!p0 s1  }
0x5d3: {  	[bflag:$0x3] =	sbarrier.arrive $0xFFFF  }
0x5d4: {  	_ =	shalt  }

// kernel: sparse-core-data-format-call.cloned.1.call-start
scs
called_computation_lowered:
.L_overlay_start_0:
0x0: {  	s2 =	sld [smem:$0x3FD9]  }
0x1: {  	s3 =	sld [smem:$0x3FFE];
	_ =	sdelay $0x1  }
0x2: {  	s1 =	srdreg.scid  }
0x3: {  	s0 =	sand.u32 $0x1, s1  }
0x4: {  	s18 =	sshll.u32 s0, $0xA;
	s2 =	sadd.s32 s3, s2  }
0x5: {  	s2 =	sadd.s32 s2, s18  }
0x6: {  	[smem:$0x3FC6] =	sst s2  }
0x7: {  	_ = 	snop  }
0x8: {  	s2 =	sld [smem:$0x3FD0];
	(tm) =	ssettm $0x1  }
0x9: {  	s19 =	sld [smem:$0x3FFB];
	_ =	sdelay $0x3  }
0xa: {  	_ =	strace s19  }
0xb: {  	s3 =	sld [smem:$0x3FFC];
	_ =	sdelay $0x3  }
0xc: {  	_ =	strace s3  }
0xd: {  	s3 =	sld [smem:$0x3FFD];
	_ =	sdelay $0x3  }
0xe: {  	_ =	strace s3  }
0xf: {  	_ =	strace $0x8FFFFFFF  }
0x10: {  	s20 =	sld [smem:$0x3FDB];
	_ =	sdelay $0x1  }
0x11: {  	s4 =	simm.s32 $_scs_section_size  }
0x12: {  	s5 =	simm.s32 $_size__tile_overlayer_lowered;
	s6 =	simm.s32 $_tile_overlayer_lowered  }
0x13: {  	s23 =	simm.s32 $0x1BFF;
	s22 =	sshll.u32 s6, $0x1;
	s3 =	sadd.s32 s4, s20  }
0x14: {  	s7 =	simm.s32 $0x0;
	s21 =	sshll.u32 s5, $0x1;
	s5 =	sadd.s32 s22, s3  }
0x15: {  	[timem:s7], [sflag:s23] =	dma.local [hbm:s5], s21  }
0x16: {  	_ =	swait.ge [sflag:s23], s21  }
0x17: {  	s4 =	ssub.s32 $0x0, s21;
	[sflag:s23] =	ssyncset.done $0x0  }
0x18: {  	[sflag:s23] =	ssyncadd.s32 s4;
	_ =	sdelay $0x1  }
0x19: {  	s24 =	simm.s32 $0x1B8B  }
0x1a: {  	_ =	swait.ge [sflag:s24], $0x1  }
0x1b: {  	[sflag:s24] =	ssyncset.done $0x0  }
0x1c: {  	s26 =	simm.s32 $0x1B8E;
	s25 =	sld [smem:$0x3FFE];
	[sflag:s24] =	ssyncadd.s32 $0xFFFFFFFF  }
0x1d: {  	s27 =	simm.s32 $execute0_lowered;
	[smem:$0x3FD2] =	sst s26  }
0x1e: {  	s5 =	sshll.u32 s27, $0x1;
	_ =	strace $0x80000049;
	[dreg:$0x1] =	wrdreg $0xFFFFFFFF  }
0x1f: {  	s28 =	simm.s32 $_size_execute0_lowered;
	s3 =	sadd.s32 s3, s5;
	[dreg:$0x0] =	wrdreg $0x0  }
0x20: {  	s5 =	sshll.u32 s28, $0x1;
	[dreg:$0x2] =	wrdreg s3  }
0x21: {  	[dreg:$0x3] =	wrdreg s5  }
0x22: {  	[dreg:$0x4] =	wrdreg $0xC0  }
0x23: {  	_ =	task [dreg:s7], $0x5FFFF  }
0x24: {  	[dreg:$0x1] =	wrdreg $0xFFFFFFFF  }
0x25: {  	[dreg:$0x0] =	wrdreg $0x60  }
0x26: {  	[dreg:$0x2] =	wrdreg s25  }
0x27: {  	[dreg:$0x3] =	wrdreg s2  }
0x28: {  	[dreg:$0x4] =	wrdreg $0x9  }
0x29: {  	_ =	task.clear_ibuf [dreg:s7], $0x5FFFF;
	_ =	strace $0x90000049  }
0x2a: {  	s29 =	simm.s32 $0x9;
	_ =	strace $0x8000004B  }
0x2b: {  	_ =	swait.ge [sflag:s29], $0x1  }
0x2c: {  	[sflag:s29] =	ssyncadd.s32 $0xFFFFFFFF  }
0x2d: {  	_ =	strace $0x9000004B  }
0x2e: {  	_ =	sfence  }
0x2f: {  	s30 =	sld [smem:$0x0];
	_ =	sdelay $0x2  }
0x30: {  	s31 =	sshll.u32 s1, $0xD;
	s1 =	sshrl.u32 s1, $0x2  }
0x31: {  	s3 =	sand.u32 $0x4000, s31;
	s1 =	sadd.s32 s1, s30  }
0x32: {  	s0 =	sor.u32 s3, s0;
	s1 =	sshll.u32 s1, $0x11  }
0x33: {  	s0 =	sor.u32 s1, s0  }
0x34: {  	s0 =	sadd.s32 $0x8F2B, s0  }
0x35: {  	[sflag:s0] =	ssyncadd.remote.s32 $0x1  }
0x36: {  	_ =	sfence.sel $0xFFFF  }
0x37: {  	[dreg:$0x0] =	wrdreg $0xFFFFFFFF;
	(pc) =	sbr.abs _section_cstart, $3  }
0x38: {  	[dreg:$0x1] =	wrdreg $0xFFFFFFFF  }
0x39: {  	_ =	task.clear_ibuf [dreg:s7], $0x2FFFF;
	_ =	strace $0x9FFFFFFF  }
0x3a: {  	(tm) =	ssettm $0x7FFFFFFF  }
0x3b: {  	_ =	shalt  }
tec
execute0_lowered:
.L_overlay_start_1:
0x0: {  	(tag) =	ssettag $0x1  }
0x1: {  	s0 =	srdreg.scid  }
0x2: {  	s1 =	sshll.u32 s0, $0x4  }
0x3: {  	s0 =	stileid.u32;
	s1 =	sand.u32 $0x10, s1  }
0x4: {  	s1 =	sor.u32 s0, s1  }
0x5: {  	s6 =	rddreg [dreg:$0x0];
	s4 =	simm.s32 $0x1;
	s2 =	sshll.u32 s1, $0x7  }
0x6: {  	s7 =	simm.s32 $0x2;
	s12 =	simm.s32 $0x0;
	s1 =	ssub.s32 $0x1000, s2  }
0x7: {  	s8 =	simm.s32 $0x8000;
	s13 =	simm.s32 $0x0;
	s3 =	sand.u32 $0xF80, s1  }
0x8: {  	s9 =	simm.s32 $0x0;
	s5 =	sshrl.u32 s1, $0xC;
	p0 =	sne.s32 s3, $0x0  }
.Ltmp0:
0x9: {  	s1 =	rddreg [dreg:$0x2];
	s4 =	simm.s32 @!p0 $0x0;
	(pc) =	sbr.rel .LBB1_1-.Ltmp0, $4  }
0xa: {  	s11 =	simm.s32 $0x0;
	s3 =	rddreg [dreg:$0x1];
	s5 =	sadd.s32 s4, s5  }
0xb: {  	_ =	strace $0x8000004A;
	s4 =	simm.s32 $0x1;
	s5 =	smul.u32 $0xC8, s5  }
0xc: {  	s6 =	sadd.s32 $0xA00, s6;
	s10 =	smov.u32 s2;
	[sflag:s4] =	ssyncpa.u1 $0x0  }
0xd: {  	p0 =	por $0x0, $0x0;
	[sflag:s7] =	ssyncpa.u1 $0x0;
	s7 =	sor.u32 $0x1, s5  }
.LBB1_4:
0xe: {  	s16 =	sshll.u32 s13, $0x3;
	s17 =	sand.u32 $0x78, s13  }
0xf: {  	s30 =	sand.u32 $0x7E00, s13;
	s12 =	sshll.u32 s12, $0xF;
	s16 =	sand.u32 $0xC00, s16  }
0x10: {  	[tilespmem:s15+$0x810 ss:$0x81] =	vst.msk $0xffff, v2;
	s31 =	sand.u32 $0x7, s13;
	s16 =	sor.u32 s17, s16;
	s17 =	sadd.s32 s3, s30  }
0x11: {  	[tilespmem:s15+$0x1020 ss:$0x81] =	vst.msk $0xffff, v0;
	s13 =	sshll.u32 s31, $0x12;
	s12 =	sadd.s32 s12, s17;
	s16 =	sshrl.u32 s16, $0x3  }
0x12: {  	[tilespmem:s15+$0x0 ss:$0x81] =	vst.msk $0xffff, v1;
	s13 =	sor.u32 $0x400, s13;
	s12 =	sadd.s32 s16, s12  }
0x13: {  	[hbm4b:s12+s13] =	stream.strided.scatter [tilespmem:s14], [sflag:$0x2], $0x2000, s8, s13, $0x20;
	[tilespmem:$0x8080] =	vst v63  }
.LBB1_5:
0x14: {  	s14 =	sadd.s32 $0x1, s9  }
0x15: {  	s12 =	sadd.s32 $0x1000, s10;
	s16 =	smov.u32 s10;
	p2 =	sgt.s32 s14, $0xC7  }
0x16: {  	s16 =	smov.u32 @p2 s12  }
0x17: {  	s14 =	simm.s32 @p2 $0x0;
	p2 =	sgt.s32 s16, $0xFFF  }
0x18: {  	s16 =	smov.u32 @p2 s2;
	p2 =	sne.s32 s11, s7  }
.Ltmp1:
0x19: {  	p1 =	slt.u32 s11, $0x2;
	(pc) =	sbr.rel @!p2 .LBB1_6-.Ltmp1, $4  }
0x1a: {  	s15 =	simm.s32 @!p1 $0x2  }
0x1b: {  	s13 =	smov.u32 s10;
	p0 =	por !p0, !p0;
	_ =	swait.ge @!p1 [sflag:s15], $0x2000  }
0x1c: {  	s12 =	smov.u32 s9;
	[sflag:s15] =	ssyncset.done @!p1 $0x0;
	s9 =	smov.u32 s14  }
0x1d: {  	s11 =	sadd.s32 $0x1, s11;
	[sflag:s15] =	ssyncadd.s32 @!p1 $0xFFFFE000;
	s10 =	smov.u32 s16  }
.LBB1_1:
0x1e: {  	p1 =	sge.u32 s11, s5  }
0x1f: {  	s14 =	sand.u32 @!p1 $0x1FFFFFF, s9  }
0x20: {  	s15 =	smulhi.u32 @!p1 $0x147AE15, s14;
	_ =	sdelay $0x1  }
0x21: {  	s15 =	smul.u32 @!p1 $0xC8, s15  }
0x22: {  	s16 =	sxor.u32 @!p1 $0xFFFFFFFF, s11;
	s17 =	smul.u32 @!p1 $0xC80, s10  }
0x23: {  	s31 =	sadd.s32 $0xFFFFFFFF, s11;
	s16 =	sshll.u32 @!p1 s16, $0xD;
	s14 =	ssub.s32 @!p1 s14, s15  }
0x24: {  	s15 =	sand.u32 @!p1 $0x2000, s16;
	s16 =	sadd.s32 @!p1 s6, s17;
	s14 =	sshll.u32 @!p1 s14, $0x4  }
0x25: {  	s17 =	simm.s32 @!p1 $0x6400;
	s14 =	sadd.s32 @!p1 s14, s16;
	s16 =	simm.s32 @!p1 $0x40  }
0x26: {  	[tilespmem:s15], [sflag:$0x1] =	stream.strided.gather @!p1 [hbm4b:s14+s16], $0x2000, s17, s16, $0x38;
	[tilespmem:$0x8080] =	vst v63  }
0x27: {  	p1 =	sge.u32 s31, s5  }
.Ltmp2:
0x28: {  	_ = 	snop;
	(pc) =	sbr.rel @p1 .LBB1_5-.Ltmp2, $1  }
0x29: {  	_ =	sdelay $0x3  }
0x2a: {  	s14 =	simm.s32 $0x1  }
0x2b: {  	_ =	swait.ge [sflag:s4], $0x2000;
	s14 =	simm.s32 @!p0 $0x0  }
0x2c: {  	[sflag:s4] =	ssyncset.done $0x0;
	s15 =	sshll.u32 s14, $0xD  }
0x2d: {  	[sflag:s4] =	ssyncadd.s32 $0xFFFFE000;
	s18 =	sor.u32 $0x20, s15  }
0x2e: {  	s14 =	smul.u32 $0x8100, s14;
	v3 =	vld [tilespmem:s18+$0x10]  }
0x2f: {  	s30 =	sand.u32 $0x1, s11;
	v2 =	vld [tilespmem:s18+$0xFFFFFFF0]  }
0x30: {  	s15 =	smul.u32 $0x8100, s30;
	s14 =	sshrl.u32 s14, $0x2;
	v0 =	vld [tilespmem:s18+$0x0]  }
0x31: {  	v1 =	vld [tilespmem:s18+$0xFFFFFFE0];
	s16 =	sor.u32 $0x4000, s14  }
0x32: {  	s31 =	sshrl.u32 s15, $0x2;
	s15 =	sadd.s32 $0x0, s16  }
0x33: {  	s17 =	simm.s32 $0x4;
	s18 =	sadd.s32 $0x40, s18;
	s14 =	sor.u32 $0x4000, s31;
	[tilespmem:s15+$0x1830 ss:$0x81] =	vst.msk $0xffff, v3  }
.LBB1_3:
0x34: {  	v3 =	vld [tilespmem:s18+$0x10];
	p1 =	sne.s32 s17, $0x1FC;
	[tilespmem:s15+$0x810 ss:$0x81] =	vst.msk $0xffff, v2;
	s19 =	smov.u32 s17;
	s17 =	sadd.s32 $0x4, s17  }
.Ltmp3:
0x35: {  	v2 =	vld [tilespmem:s18+$0xFFFFFFF0];
	[tilespmem:s15+$0x1020 ss:$0x81] =	vst.msk $0xffff, v0;
	(pc) =	sbr.rel @p1 .LBB1_3-.Ltmp3, $4  }
0x36: {  	v0 =	vld [tilespmem:s18+$0x0];
	[tilespmem:s15+$0x0 ss:$0x81] =	vst.msk $0xffff, v1  }
0x37: {  	s15 =	sshra.s32 s19, $0x2;
	v1 =	vld [tilespmem:s18+$0xFFFFFFE0]  }
0x38: {  	s15 =	sadd.s32 s15, s16  }
0x39: {  	s18 =	sadd.s32 $0x40, s18;
	[tilespmem:s15+$0x1830 ss:$0x81] =	vst.msk $0xffff, v3  }
.Ltmp4:
0x3a: {  	_ = 	snop;
	(pc) =	sbr.rel .LBB1_4-.Ltmp4, $1  }
0x3b: {  	_ =	sdelay $0x3  }
.LBB1_6:
0x3c: {  	_ =	sfence.sel $0x180000  }
0x3d: {  	s2 =	simm.s32 $0x1;
	[bflag:$0x0] =	sbarrier.arrive $0xFFFF  }
0x3e: {  	s31 =	simm.s32 $0x2;
	[sflag:s2] =	ssyncpa.u1 $0x1  }
0x3f: {  	[sflag:s31] =	ssyncpa.u1 $0x1  }
0x40: {  	p0 =	sne.s32 s0, $0x0;
	_ =	strace $0x9000004A  }
0x41: {  	s0 =	sadd.s32 @!p0 $0x100000, s1;
	[bflag:$0x2] =	sbarrier.arrive $0xFFFF  }
0x42: {  	[sflag:s0] =	ssyncadd.tile.s32 @!p0 $0x1;
	_ =	shalt  }
.Lfunc_end1:
_tile_overlayer_lowered:
.L_overlay_start_2:
0x43: {  	(tag) =	ssettag $0x2  }
0x44: {  	s0 =	rddreg [dreg:$0x0];
	s2 =	stileid.u32  }
0x45: {  	s1 =	rddreg [dreg:$0x1];
	p0 =	sne.s32 s2, $0x0  }
0x46: {  	s3 =	rddreg [dreg:$0x2];
	[bflag:$0x3] =	sbarrier.arrive $0xFFFF;
	s2 =	simm.s32 @!p0 $0x1C01  }
0x47: {  	[timem:s3], [sflag:s2] =	dma.local @!p0 [hbm:s0], s1  }
0x48: {  	s0 =	simm.s32 @!p0 $0x1  }
0x49: {  	_ =	swait.ge @!p0 [sflag:s0], s1  }
0x4a: {  	s1 =	ssub.s32 @!p0 $0x0, s1;
	[sflag:s0] =	ssyncset.done @!p0 $0x0  }
0x4b: {  	[sflag:s0] =	ssyncadd.s32 @!p0 s1  }
0x4c: {  	[bflag:$0x3] =	sbarrier.arrive $0xFFFF  }
0x4d: {  	_ =	shalt  }

</sc_bundles>
